<compile_context>
chip_gen: v7x
topology: tpu7x:2x2x1
jax: 0.10.2.dev20260603
libtpu: 0.0.44.dev20260713+nightly
codegen_flags: <defaults>
</compile_context>

<pallas_src>
import functools

import jax
import jax.numpy as jnp
from jax import lax
from jax.experimental import pallas as pl
from jax.experimental.pallas import tpu as pltpu
from jax.experimental.pallas import tpu_sc as plsc

N = 10000
E = 320000
H = 256
MAX_NBRS = 32
N_POW = 4
NP8 = 8

NC, NS, LN = 2, 16, 16
NW = NC * NS
CW = 80


def _sc_mesh():
  return plsc.VectorSubcoreMesh(
      core_axis_name="c", subcore_axis_name="s",
      num_cores=NC, num_subcores=NS)


def _gather_rows(table, idx, D):
  nrows = idx.shape[0]
  per_w = nrows // NW
  nch = per_w // CW
  UN = 5

  def body(table_hbm, idx_hbm, out_hbm, idx_v, buf, gsem, osem):
    w = lax.axis_index("s") * NC + lax.axis_index("c")
    base = w * per_w
    pltpu.sync_copy(idx_hbm.at[pl.ds(base, per_w)], idx_v)

    def step(i, carry):
      odescs = [None, None]
      for t in range(UN):
        p = t & 1
        off = i * (UN * CW) + t * CW
        if odescs[p] is not None:
          odescs[p].wait()
        pltpu.async_copy(table_hbm.at[idx_v.at[pl.ds(off, CW)]],
                         buf.at[p], gsem.at[p]).wait()
        odescs[p] = pltpu.async_copy(
            buf.at[p], out_hbm.at[pl.ds(base + off, CW)], osem.at[p])
      for d_ in odescs:
        if d_ is not None:
          d_.wait()
      return carry

    lax.fori_loop(0, nch // UN, step, 0)

  return pl.kernel(
      body,
      out_type=jax.ShapeDtypeStruct((nrows, D), jnp.float32),
      mesh=_sc_mesh(),
      scratch_types=[
          pltpu.VMEM((per_w,), jnp.int32),
          pltpu.VMEM((2, CW, D), jnp.float32),
          pltpu.SemaphoreType.DMA((2,)),
          pltpu.SemaphoreType.DMA((2,)),
      ],
  )(table, idx)


def _segment_sum(msg2, dst3, zrows):
  nch = E // (NS * CW)
  ZR = 1000

  def body(msg_hbm, dst_hbm, z_hbm, out_hbm, ib0, ib1, vbuf, isem, sem,
           agg_sh):
    c = lax.axis_index("c")
    s = lax.axis_index("s")
    ibs = (ib0, ib1)

    @pl.when(s < N // ZR)
    def _():
      pltpu.sync_copy(z_hbm, agg_sh.at[pl.ds(s * ZR, ZR)])

    plsc.subcore_barrier()
    row_base = s * (nch * CW)

    def start(b, p):
      pltpu.async_copy(dst_hbm.at[s].at[b], ibs[p], isem.at[p])
      pltpu.async_copy(msg_hbm.at[c].at[pl.ds(row_base + b * CW, CW)],
                       vbuf.at[p], sem.at[p])

    start(0, 0)
    start(1, 1)

    def blk(b, p, prefetch):
      pltpu.make_async_copy(dst_hbm.at[s].at[0], ibs[p], isem.at[p]).wait()
      pltpu.make_async_copy(msg_hbm.at[c].at[pl.ds(0, CW)], vbuf.at[p],
                            sem.at[p]).wait()
      pltpu.sync_copy(vbuf.at[p], agg_sh.at[ibs[p]], add=True)
      if prefetch:
        @pl.when(b + 2 < nch)
        def _():
          start(b + 2, p)

    def step(b2, carry):
      for p in range(2):
        blk(b2 * 2 + p, p, True)
      return carry

    lax.fori_loop(0, nch // 2, step, 0)
    plsc.subcore_barrier()

    @pl.when(s < N // ZR)
    def _():
      pltpu.sync_copy(agg_sh.at[pl.ds(s * ZR, ZR)],
                      out_hbm.at[c].at[pl.ds(s * ZR, ZR)])

  return pl.kernel(
      body,
      out_type=jax.ShapeDtypeStruct((2, N, 128), jnp.float32),
      mesh=_sc_mesh(),
      scratch_types=[
          pltpu.VMEM((CW,), jnp.int32),
          pltpu.VMEM((CW,), jnp.int32),
          pltpu.VMEM((2, CW, 128), jnp.float32),
          pltpu.SemaphoreType.DMA((2,)),
          pltpu.SemaphoreType.DMA((2,)),
          pltpu.VMEM_SHARED((N, 128), jnp.float32),
      ],
  )(msg2, dst3, zrows)


def _msg_mlp(xs, ef, W_msg, b_msg):
  BE = 2000

  def body(xs_ref, ef_ref, w_ref, b_ref, out_ref):
    m = jnp.dot(xs_ref[...], w_ref[:128], preferred_element_type=jnp.float32)
    m += jnp.dot(ef_ref[...], w_ref[128:], preferred_element_type=jnp.float32)
    m = jnp.maximum(m + b_ref[...], 0.0)
    out_ref[0] = m[:, :128]
    out_ref[1] = m[:, 128:]

  return pl.pallas_call(
      body,
      grid=(E // BE,),
      in_specs=[
          pl.BlockSpec((BE, 128), lambda i: (i, 0)),
          pl.BlockSpec((BE, 16), lambda i: (i, 0)),
          pl.BlockSpec((144, 256), lambda i: (0, 0)),
          pl.BlockSpec((1, 256), lambda i: (0, 0)),
      ],
      out_specs=pl.BlockSpec((2, BE, 128), lambda i: (0, i, 0)),
      out_shape=jax.ShapeDtypeStruct((2, E, 128), jnp.float32),
  )(xs, ef, W_msg, b_msg.reshape(1, 256))


def _node_update(agg2, x_agent, h, W_upd, b_upd, W_ih, W_hh, b_ih, b_hh,
                 We1b, b_e1, W_a, b_a):
  BN = 1000

  def body(agg_ref, xa_ref, h_ref, wu_ref, bu_ref, wih_ref, whh_ref,
           bih_ref, bhh_ref, we1_ref, be1_ref, wa_ref, ba_ref,
           hn_ref, bt_ref, ao_ref):
    pre = jnp.dot(agg_ref[0], wu_ref[:128], preferred_element_type=jnp.float32)
    pre += jnp.dot(agg_ref[1], wu_ref[128:256],
                   preferred_element_type=jnp.float32)
    pre += jnp.dot(xa_ref[...], wu_ref[256:],
                   preferred_element_type=jnp.float32)
    x = jnp.maximum(pre + bu_ref[...], 0.0)
    hv = h_ref[...]
    gi = jnp.dot(x, wih_ref[...], preferred_element_type=jnp.float32)
    gi += bih_ref[...]
    gh = jnp.dot(hv, whh_ref[...], preferred_element_type=jnp.float32)
    gh += bhh_ref[...]
    r = jax.nn.sigmoid(gi[:, :H] + gh[:, :H])
    z = jax.nn.sigmoid(gi[:, H:2 * H] + gh[:, H:2 * H])
    n_ = jnp.tanh(gi[:, 2 * H:] + r * gh[:, 2 * H:])
    hn = (1.0 - z) * n_ + z * hv
    hn_ref[...] = hn
    bt_ref[...] = jnp.dot(hn, we1_ref[...],
                          preferred_element_type=jnp.float32) + be1_ref[...]
    ao_ref[...] = jnp.dot(hn, wa_ref[...],
                          preferred_element_type=jnp.float32) + ba_ref[...]

  return pl.pallas_call(
      body,
      grid=(N // BN,),
      in_specs=[
          pl.BlockSpec((2, BN, 128), lambda i: (0, i, 0)),
          pl.BlockSpec((BN, 128), lambda i: (i, 0)),
          pl.BlockSpec((BN, 256), lambda i: (i, 0)),
          pl.BlockSpec((384, 256), lambda i: (0, 0)),
          pl.BlockSpec((1, 256), lambda i: (0, 0)),
          pl.BlockSpec((256, 768), lambda i: (0, 0)),
          pl.BlockSpec((256, 768), lambda i: (0, 0)),
          pl.BlockSpec((1, 768), lambda i: (0, 0)),
          pl.BlockSpec((1, 768), lambda i: (0, 0)),
          pl.BlockSpec((256, 256), lambda i: (0, 0)),
          pl.BlockSpec((1, 256), lambda i: (0, 0)),
          pl.BlockSpec((256, 1), lambda i: (0, 0)),
          pl.BlockSpec((1, 1), lambda i: (0, 0)),
      ],
      out_specs=[
          pl.BlockSpec((BN, 256), lambda i: (i, 0)),
          pl.BlockSpec((BN, 256), lambda i: (i, 0)),
          pl.BlockSpec((BN, 1), lambda i: (i, 0)),
      ],
      out_shape=[
          jax.ShapeDtypeStruct((N, 256), jnp.float32),
          jax.ShapeDtypeStruct((N, 256), jnp.float32),
          jax.ShapeDtypeStruct((N, 1), jnp.float32),
      ],
  )(agg2, x_agent, h, W_upd, b_upd.reshape(1, 256), W_ih, W_hh,
    b_ih.reshape(1, 768), b_hh.reshape(1, 768), We1b, b_e1.reshape(1, 256),
    W_a, b_a.reshape(1, 1))


def _edge_mlp(xs, bd, ef, We1a, We1c, W_e2, b_e2):
  BE = 2000

  def body(xs_ref, bd_ref, ef_ref, wa_ref, wc_ref, w2_ref, b2_ref, out_ref):
    eh = jnp.dot(xs_ref[...], wa_ref[...], preferred_element_type=jnp.float32)
    eh += jnp.dot(ef_ref[...], wc_ref[...], preferred_element_type=jnp.float32)
    eh = jnp.maximum(eh + bd_ref[...], 0.0)
    out_ref[...] = jnp.dot(eh, w2_ref[...],
                           preferred_element_type=jnp.float32) + b2_ref[...]

  return pl.pallas_call(
      body,
      grid=(E // BE,),
      in_specs=[
          pl.BlockSpec((BE, 128), lambda i: (i, 0)),
          pl.BlockSpec((BE, 256), lambda i: (i, 0)),
          pl.BlockSpec((BE, 16), lambda i: (i, 0)),
          pl.BlockSpec((128, 256), lambda i: (0, 0)),
          pl.BlockSpec((16, 256), lambda i: (0, 0)),
          pl.BlockSpec((256, NP8), lambda i: (0, 0)),
          pl.BlockSpec((1, NP8), lambda i: (0, 0)),
      ],
      out_specs=pl.BlockSpec((BE, NP8), lambda i: (i, 0)),
      out_shape=jax.ShapeDtypeStruct((E, NP8), jnp.float32),
  )(xs, bd, ef, We1a, We1c, W_e2, b_e2.reshape(1, NP8))


def _ref_pad_slots(dst):
  order = jnp.argsort(dst, stable=True)
  sd = jnp.take(dst, order)
  first = jnp.searchsorted(sd, sd, side="left")
  pos = jnp.arange(E) - first
  slots = jnp.zeros((E,), jnp.int32).at[order].set(pos.astype(jnp.int32))
  return slots


def kernel(x_nbr, x_agent, edge_index, edge_feat, h,
           W_msg, b_msg, W_upd, b_upd,
           W_ih, W_hh, b_ih, b_hh,
           W_e1, b_e1, W_e2, b_e2, W_a, b_a):
  src = edge_index[0].astype(jnp.int32)
  dst = edge_index[1].astype(jnp.int32)
  dst3 = dst.reshape(NS, E // (NS * CW), CW)
  z_node = jnp.zeros((1000, 128), jnp.float32)

  xs = _gather_rows(x_nbr, src, 128)
  msg2 = _msg_mlp(xs, edge_feat, W_msg, b_msg)
  agg2 = _segment_sum(msg2, dst3, z_node)
  h_new, btab, aout = _node_update(
      agg2, x_agent, h, W_upd, b_upd, W_ih, W_hh, b_ih, b_hh,
      W_e1[128:384], b_e1, W_a, b_a)
  bd = _gather_rows(btab, dst, 256)
  W_e2p = jnp.concatenate(
      [W_e2, jnp.zeros((H, NP8 - N_POW), jnp.float32)], axis=1)
  b_e2p = jnp.concatenate(
      [b_e2, jnp.zeros((NP8 - N_POW,), jnp.float32)], axis=0)
  nbr = _edge_mlp(xs, bd, edge_feat, W_e1[:128], W_e1[384:], W_e2p, b_e2p)
  slots = _ref_pad_slots(dst)
  slots = jnp.where(slots < MAX_NBRS, slots, MAX_NBRS)
  padded = jnp.zeros((N, MAX_NBRS + 1, N_POW), jnp.float32).at[
      dst, slots].set(nbr[:, :N_POW])[:, :MAX_NBRS, :]
  q_vals = jnp.concatenate(
      [padded.reshape(N, MAX_NBRS * N_POW), aout], axis=1)
  return q_vals, h_new

# --- scband reference (transcript-rebuilt; emitter-appended) ---
"""Pipeline reference for scband-ad-hoc-graph-q-88837103551519 (READ-ONLY COPY).

The authoritative reference and input builder live on the scoring server;
editing this copy changes nothing except your own understanding.
"""

import jax, jax.numpy as jnp
import numpy as np

N = 10000
E = 320000
D_NBR = 128
D_AGENT = 128
D_HOP = 16
H = 256
N_POW = 4
MAX_NBRS = 32


def setup_inputs(seed: int = 0) -> dict:
    key = jax.random.key(seed)
    ks = jax.random.split(key, 20)
    inp = {}
    inp["x_nbr"] = jax.random.normal(ks[0], (N, D_NBR), dtype=jnp.float32)
    inp["x_agent"] = jax.random.normal(ks[1], (N, D_AGENT), dtype=jnp.float32)
    inp["edge_index"] = jax.random.randint(ks[2], (2, E), 0, N)
    inp["edge_feat"] = jax.random.normal(ks[3], (E, D_HOP), dtype=jnp.float32)
    inp["h"] = jnp.zeros((N, H), dtype=jnp.float32)
    # NodeGNBlock('1hop') params: message MLP over [x_nbr[src], edge_feat], node update MLP over [agg, x_agent]
    inp["W_msg"] = jax.random.normal(ks[4], (D_NBR + D_HOP, H), dtype=jnp.float32) / jnp.sqrt(D_NBR + D_HOP)
    inp["b_msg"] = jnp.zeros((H,), dtype=jnp.float32)
    inp["W_upd"] = jax.random.normal(ks[5], (H + D_AGENT, H), dtype=jnp.float32) / jnp.sqrt(H + D_AGENT)
    inp["b_upd"] = jnp.zeros((H,), dtype=jnp.float32)
    # RnnLayer (GRU cell) params
    inp["W_ih"] = jax.random.normal(ks[6], (H, 3 * H), dtype=jnp.float32) / jnp.sqrt(H)
    inp["W_hh"] = jax.random.normal(ks[7], (H, 3 * H), dtype=jnp.float32) / jnp.sqrt(H)
    inp["b_ih"] = jnp.zeros((3 * H,), dtype=jnp.float32)
    inp["b_hh"] = jnp.zeros((3 * H,), dtype=jnp.float32)
    # EdgeGNBlock params: per-edge MLP -> n_pow_opts outputs, per-agent head -> 1 output
    inp["W_e1"] = jax.random.normal(ks[8], (D_NBR + H + D_HOP, H), dtype=jnp.float32) / jnp.sqrt(D_NBR + H + D_HOP)
    inp["b_e1"] = jnp.zeros((H,), dtype=jnp.float32)
    inp["W_e2"] = jax.random.normal(ks[9], (H, N_POW), dtype=jnp.float32) / jnp.sqrt(H)
    inp["b_e2"] = jnp.zeros((N_POW,), dtype=jnp.float32)
    inp["W_a"] = jax.random.normal(ks[10], (H, 1), dtype=jnp.float32) / jnp.sqrt(H)
    inp["b_a"] = jnp.zeros((1,), dtype=jnp.float32)
    return inp


def reference(x_nbr, x_agent, edge_index, edge_feat, h,
              W_msg, b_msg, W_upd, b_upd,
              W_ih, W_hh, b_ih, b_hh,
              W_e1, b_e1, W_e2, b_e2, W_a, b_a):
    src = edge_index[0]
    dst = edge_index[1]
    # ---- NodeGNBlock '1hop': message from nbr node + hop edge feat, scatter-add to agent, update ----
    msg = jax.nn.relu(jnp.concatenate([jnp.take(x_nbr, src, axis=0), edge_feat], axis=1) @ W_msg + b_msg)
    agg = jax.ops.segment_sum(msg, dst, num_segments=N)
    x = jax.nn.relu(jnp.concatenate([agg, x_agent], axis=1) @ W_upd + b_upd)
    # ---- RnnLayer: GRU cell ----
    gi = x @ W_ih + b_ih
    gh = h @ W_hh + b_hh
    i_r, i_z, i_n = jnp.split(gi, 3, axis=1)
    h_r, h_z, h_n = jnp.split(gh, 3, axis=1)
    r = jax.nn.sigmoid(i_r + h_r)
    z = jax.nn.sigmoid(i_z + h_z)
    n = jnp.tanh(i_n + r * h_n)
    h_new = (1.0 - z) * n + z * h
    x = h_new
    # ---- EdgeGNBlock f_out: per-edge q options + per-agent scalar ----
    e_in = jnp.concatenate([jnp.take(x_nbr, src, axis=0), jnp.take(x, dst, axis=0), edge_feat], axis=1)
    e_h = jax.nn.relu(e_in @ W_e1 + b_e1)
    nbr_out = e_h @ W_e2 + b_e2  # [E, N_POW]
    agent_out = x @ W_a + b_a    # [N, 1]
    # ---- pad_edge_output: dense [N, MAX_NBRS, N_POW] padded per-dst slots ----
    order = jnp.argsort(dst)
    sd = jnp.take(dst, order)
    first = jnp.searchsorted(sd, sd, side='left')
    pos = jnp.arange(E) - first  # rank within dst group
    slot = jnp.where(pos < MAX_NBRS, pos, MAX_NBRS)  # overflow edges go to a dump slot
    padded = jnp.zeros((N, MAX_NBRS + 1, N_POW), dtype=jnp.float32).at[sd, slot].set(jnp.take(nbr_out, order, axis=0))
    padded = padded[:, :MAX_NBRS, :].reshape(N, MAX_NBRS * N_POW)
    q_vals = jnp.concatenate([padded, agent_out], axis=1)  # [N, MAX_NBRS*N_POW + 1]
    return (q_vals, h_new)

if __name__ == "__main__":
    import jax
    _d = setup_inputs()
    print(jax.jit(kernel)(*tuple(_d.values())))

</pallas_src>

<mosaic_0001>
#map = affine_map<(d0, d1) -> (0, 0)>
#map1 = affine_map<(d0, d1) -> (0)>
module attributes {stable_mosaic.version = 14 : i64} {
  func.func @body(%arg0: i32, %arg1: i32, %arg2: memref<10000x128xf32, #tpu.memory_space<hbm>>, %arg3: memref<320000xi32, #tpu.memory_space<hbm>>, %arg4: memref<320000x128xf32, #tpu.memory_space<hbm>>, %arg5: memref<10000xi32, #tpu.memory_space<vmem>>, %arg6: memref<2x80x128xf32, #tpu.memory_space<vmem>>, %arg7: memref<2x!tpu.dma_semaphore, #tpu.memory_space<semaphore_mem>>, %arg8: memref<2x!tpu.dma_semaphore, #tpu.memory_space<semaphore_mem>>) attributes {dimension_semantics = [#tpu.dimension_semantics<core_parallel>, #tpu.dimension_semantics<subcore_parallel>], iteration_bounds = array<i64: 2, 16>, scalar_prefetch = 0 : i64, scratch_operands = 4 : i64, tpu.core_type = #tpu.core_type<sc_vector_subcore>, window_params = [{transform_indices = #map}, {transform_indices = #map1}, {transform_indices = #map}]} {
    %mul3A = arith.constant 2 : i32
    %mul3A_0 = arith.muli %arg1, %mul3A : i32
    %add3A = arith.addi %mul3A_0, %arg0 : i32
    %mul3A_1 = arith.constant 10000 : i32
    %mul3A_2 = arith.muli %add3A, %mul3A_1 : i32
    "tpu.region"() ({
      %run_scoped3A = tpu.sem_alloc : memref<!tpu.dma_semaphore, #tpu.memory_space<semaphore_mem>>
      %dma_start3A = tpu.memref_slice %arg3[%mul3A_2] : memref<320000xi32, #tpu.memory_space<hbm>> -> memref<10000xi32, #tpu.memory_space<hbm>>
      %dma_start3A_8 = tpu.memref_slice %arg3[%mul3A_2] : memref<320000xi32, #tpu.memory_space<hbm>> -> memref<10000xi32, #tpu.memory_space<hbm>>
      tpu.enqueue_dma source(%dma_start3A_8 : memref<10000xi32, #tpu.memory_space<hbm>>) target(%arg5 : memref<10000xi32, #tpu.memory_space<vmem>>) target_semaphore(%run_scoped3A : memref<!tpu.dma_semaphore, #tpu.memory_space<semaphore_mem>>)
      %dma_wait3A = tpu.memref_slice %arg3[%mul3A_2] : memref<320000xi32, #tpu.memory_space<hbm>> -> memref<10000xi32, #tpu.memory_space<hbm>>
      %dma_wait3A_9 = tpu.memref_slice %arg3[%mul3A_2] : memref<320000xi32, #tpu.memory_space<hbm>> -> memref<10000xi32, #tpu.memory_space<hbm>>
      tpu.wait_dma2 semaphore(%run_scoped3A : memref<!tpu.dma_semaphore, #tpu.memory_space<semaphore_mem>>) src(%dma_wait3A_9 : memref<10000xi32, #tpu.memory_space<hbm>>) dst(%arg5 : memref<10000xi32, #tpu.memory_space<vmem>>)
      tpu.yield
    }) : () -> ()
    %scan3A = arith.constant 0 : i32
    %scan3A_3 = arith.constant 0 : i32
    %scan3A_4 = arith.constant 25 : i32
    %scan3A_5 = arith.addi %scan3A_3, %scan3A_4 : i32
    %scan3A_6 = arith.constant 1 : i32
    scf.for %scan3A_8 = %scan3A_3 to %scan3A_5 step %scan3A_6  : i32 {
      %mul3A_9 = arith.constant 400 : i32
      %mul3A_10 = arith.muli %scan3A_8, %mul3A_9 : i32
      %add3A_11 = arith.constant 0 : i32
      %add3A_12 = arith.addi %mul3A_10, %add3A_11 : i32
      %dma_start3A = arith.constant 0 : i32
      %dma_start3A_13 = arith.constant 0 : i32
      %dma_start3A_14 = arith.constant 0 : i32
      %dma_start3A_15 = arith.constant 0 : i32
      %dma_start3A_16 = tpu.memref_slice %arg6[%dma_start3A, %dma_start3A_14, %dma_start3A_15] : memref<2x80x128xf32, #tpu.memory_space<vmem>> -> memref<1x80x128xf32, #tpu.memory_space<vmem>>
      %dma_start3A_17 = tpu.memref_squeeze %dma_start3A_16 : memref<1x80x128xf32, #tpu.memory_space<vmem>> -> memref<80x128xf32, #tpu.memory_space<vmem>>
      %dma_start3A_18 = tpu.memref_slice %arg5[%add3A_12] : memref<10000xi32, #tpu.memory_space<vmem>> -> memref<80xi32, #tpu.memory_space<vmem>>
      %dma_start3A_19 = arith.constant 0 : i32
      %dma_start3A_20 = arith.constant 0 : i32
      %dma_start3A_21 = tpu.memref_slice %arg2[%dma_start3A_19, %dma_start3A_20] : memref<10000x128xf32, #tpu.memory_space<hbm>> -> memref<10000x128xf32, #tpu.memory_space<hbm>>
      %dma_start3A_22 = tpu.memref_slice %arg7[%dma_start3A_13] : memref<2x!tpu.dma_semaphore, #tpu.memory_space<semaphore_mem>> -> memref<1x!tpu.dma_semaphore, #tpu.memory_space<semaphore_mem>>
      %dma_start3A_23 = tpu.memref_squeeze %dma_start3A_22 : memref<1x!tpu.dma_semaphore, #tpu.memory_space<semaphore_mem>> -> memref<!tpu.dma_semaphore, #tpu.memory_space<semaphore_mem>>
      tpu.enqueue_indirect_dma source(%dma_start3A_21 : memref<10000x128xf32, #tpu.memory_space<hbm>>) target(%dma_start3A_17 : memref<80x128xf32, #tpu.memory_space<vmem>>) offsets(%dma_start3A_18 : memref<80xi32, #tpu.memory_space<vmem>>) semaphore(%dma_start3A_23 : memref<!tpu.dma_semaphore, #tpu.memory_space<semaphore_mem>>)
      %dma_wait3A = arith.constant 0 : i32
      %dma_wait3A_24 = arith.constant 0 : i32
      %dma_wait3A_25 = arith.constant 0 : i32
      %dma_wait3A_26 = arith.constant 0 : i32
      %dma_wait3A_27 = tpu.memref_slice %arg6[%dma_wait3A, %dma_wait3A_25, %dma_wait3A_26] : memref<2x80x128xf32, #tpu.memory_space<vmem>> -> memref<1x80x128xf32, #tpu.memory_space<vmem>>
      %dma_wait3A_28 = tpu.memref_squeeze %dma_wait3A_27 : memref<1x80x128xf32, #tpu.memory_space<vmem>> -> memref<80x128xf32, #tpu.memory_space<vmem>>
      %dma_wait3A_29 = tpu.memref_slice %arg5[%add3A_12] : memref<10000xi32, #tpu.memory_space<vmem>> -> memref<80xi32, #tpu.memory_space<vmem>>
      %dma_wait3A_30 = arith.constant 0 : i32
      %dma_wait3A_31 = arith.constant 0 : i32
      %dma_wait3A_32 = tpu.memref_slice %arg2[%dma_wait3A_30, %dma_wait3A_31] : memref<10000x128xf32, #tpu.memory_space<hbm>> -> memref<10000x128xf32, #tpu.memory_space<hbm>>
      %dma_wait3A_33 = tpu.memref_slice %arg7[%dma_wait3A_24] : memref<2x!tpu.dma_semaphore, #tpu.memory_space<semaphore_mem>> -> memref<1x!tpu.dma_semaphore, #tpu.memory_space<semaphore_mem>>
      %dma_wait3A_34 = tpu.memref_squeeze %dma_wait3A_33 : memref<1x!tpu.dma_semaphore, #tpu.memory_space<semaphore_mem>> -> memref<!tpu.dma_semaphore, #tpu.memory_space<semaphore_mem>>
      tpu.wait_indirect_dma semaphore(%dma_wait3A_34 : memref<!tpu.dma_semaphore, #tpu.memory_space<semaphore_mem>>) src(%dma_wait3A_32 : memref<10000x128xf32, #tpu.memory_space<hbm>>) dst(%dma_wait3A_28 : memref<80x128xf32, #tpu.memory_space<vmem>>)
      %add3A_35 = arith.addi %mul3A_2, %add3A_12 : i32
      %dma_start3A_36 = arith.constant 0 : i32
      %dma_start3A_37 = arith.constant 0 : i32
      %dma_start3A_38 = arith.constant 0 : i32
      %dma_start3A_39 = arith.constant 0 : i32
      %dma_start3A_40 = tpu.memref_slice %arg6[%dma_start3A_36, %dma_start3A_38, %dma_start3A_39] : memref<2x80x128xf32, #tpu.memory_space<vmem>> -> memref<1x80x128xf32, #tpu.memory_space<vmem>>
      %dma_start3A_41 = tpu.memref_squeeze %dma_start3A_40 : memref<1x80x128xf32, #tpu.memory_space<vmem>> -> memref<80x128xf32, #tpu.memory_space<vmem>>
      %dma_start3A_42 = arith.constant 0 : i32
      %dma_start3A_43 = tpu.memref_slice %arg4[%add3A_35, %dma_start3A_42] : memref<320000x128xf32, #tpu.memory_space<hbm>> -> memref<80x128xf32, #tpu.memory_space<hbm>>
      %dma_start3A_44 = tpu.memref_slice %arg8[%dma_start3A_37] : memref<2x!tpu.dma_semaphore, #tpu.memory_space<semaphore_mem>> -> memref<1x!tpu.dma_semaphore, #tpu.memory_space<semaphore_mem>>
      %dma_start3A_45 = tpu.memref_squeeze %dma_start3A_44 : memref<1x!tpu.dma_semaphore, #tpu.memory_space<semaphore_mem>> -> memref<!tpu.dma_semaphore, #tpu.memory_space<semaphore_mem>>
      %dma_start3A_46 = arith.constant 0 : i32
      %dma_start3A_47 = tpu.memref_slice %arg4[%add3A_35, %dma_start3A_46] : memref<320000x128xf32, #tpu.memory_space<hbm>> -> memref<80x128xf32, #tpu.memory_space<hbm>>
      %dma_start3A_48 = arith.constant 0 : i32
      %dma_start3A_49 = arith.constant 0 : i32
      %dma_start3A_50 = tpu.memref_slice %arg6[%dma_start3A_36, %dma_start3A_48, %dma_start3A_49] : memref<2x80x128xf32, #tpu.memory_space<vmem>> -> memref<1x80x128xf32, #tpu.memory_space<vmem>>
      %dma_start3A_51 = tpu.memref_squeeze %dma_start3A_50 : memref<1x80x128xf32, #tpu.memory_space<vmem>> -> memref<80x128xf32, #tpu.memory_space<vmem>>
      tpu.enqueue_dma source(%dma_start3A_51 : memref<80x128xf32, #tpu.memory_space<vmem>>) target(%dma_start3A_47 : memref<80x128xf32, #tpu.memory_space<hbm>>) target_semaphore(%dma_start3A_45 : memref<!tpu.dma_semaphore, #tpu.memory_space<semaphore_mem>>)
      %mul3A_52 = arith.constant 400 : i32
      %mul3A_53 = arith.muli %scan3A_8, %mul3A_52 : i32
      %add3A_54 = arith.constant 80 : i32
      %add3A_55 = arith.addi %mul3A_53, %add3A_54 : i32
      %dma_start3A_56 = arith.constant 1 : i32
      %dma_start3A_57 = arith.constant 1 : i32
      %dma_start3A_58 = arith.constant 0 : i32
      %dma_start3A_59 = arith.constant 0 : i32
      %dma_start3A_60 = tpu.memref_slice %arg6[%dma_start3A_56, %dma_start3A_58, %dma_start3A_59] : memref<2x80x128xf32, #tpu.memory_space<vmem>> -> memref<1x80x128xf32, #tpu.memory_space<vmem>>
      %dma_start3A_61 = tpu.memref_squeeze %dma_start3A_60 : memref<1x80x128xf32, #tpu.memory_space<vmem>> -> memref<80x128xf32, #tpu.memory_space<vmem>>
      %dma_start3A_62 = tpu.memref_slice %arg5[%add3A_55] : memref<10000xi32, #tpu.memory_space<vmem>> -> memref<80xi32, #tpu.memory_space<vmem>>
      %dma_start3A_63 = arith.constant 0 : i32
      %dma_start3A_64 = arith.constant 0 : i32
      %dma_start3A_65 = tpu.memref_slice %arg2[%dma_start3A_63, %dma_start3A_64] : memref<10000x128xf32, #tpu.memory_space<hbm>> -> memref<10000x128xf32, #tpu.memory_space<hbm>>
      %dma_start3A_66 = tpu.memref_slice %arg7[%dma_start3A_57] : memref<2x!tpu.dma_semaphore, #tpu.memory_space<semaphore_mem>> -> memref<1x!tpu.dma_semaphore, #tpu.memory_space<semaphore_mem>>
      %dma_start3A_67 = tpu.memref_squeeze %dma_start3A_66 : memref<1x!tpu.dma_semaphore, #tpu.memory_space<semaphore_mem>> -> memref<!tpu.dma_semaphore, #tpu.memory_space<semaphore_mem>>
      tpu.enqueue_indirect_dma source(%dma_start3A_65 : memref<10000x128xf32, #tpu.memory_space<hbm>>) target(%dma_start3A_61 : memref<80x128xf32, #tpu.memory_space<vmem>>) offsets(%dma_start3A_62 : memref<80xi32, #tpu.memory_space<vmem>>) semaphore(%dma_start3A_67 : memref<!tpu.dma_semaphore, #tpu.memory_space<semaphore_mem>>)
      %dma_wait3A_68 = arith.constant 1 : i32
      %dma_wait3A_69 = arith.constant 1 : i32
      %dma_wait3A_70 = arith.constant 0 : i32
      %dma_wait3A_71 = arith.constant 0 : i32
      %dma_wait3A_72 = tpu.memref_slice %arg6[%dma_wait3A_68, %dma_wait3A_70, %dma_wait3A_71] : memref<2x80x128xf32, #tpu.memory_space<vmem>> -> memref<1x80x128xf32, #tpu.memory_space<vmem>>
      %dma_wait3A_73 = tpu.memref_squeeze %dma_wait3A_72 : memref<1x80x128xf32, #tpu.memory_space<vmem>> -> memref<80x128xf32, #tpu.memory_space<vmem>>
      %dma_wait3A_74 = tpu.memref_slice %arg5[%add3A_55] : memref<10000xi32, #tpu.memory_space<vmem>> -> memref<80xi32, #tpu.memory_space<vmem>>
      %dma_wait3A_75 = arith.constant 0 : i32
      %dma_wait3A_76 = arith.constant 0 : i32
      %dma_wait3A_77 = tpu.memref_slice %arg2[%dma_wait3A_75, %dma_wait3A_76] : memref<10000x128xf32, #tpu.memory_space<hbm>> -> memref<10000x128xf32, #tpu.memory_space<hbm>>
      %dma_wait3A_78 = tpu.memref_slice %arg7[%dma_wait3A_69] : memref<2x!tpu.dma_semaphore, #tpu.memory_space<semaphore_mem>> -> memref<1x!tpu.dma_semaphore, #tpu.memory_space<semaphore_mem>>
      %dma_wait3A_79 = tpu.memref_squeeze %dma_wait3A_78 : memref<1x!tpu.dma_semaphore, #tpu.memory_space<semaphore_mem>> -> memref<!tpu.dma_semaphore, #tpu.memory_space<semaphore_mem>>
      tpu.wait_indirect_dma semaphore(%dma_wait3A_79 : memref<!tpu.dma_semaphore, #tpu.memory_space<semaphore_mem>>) src(%dma_wait3A_77 : memref<10000x128xf32, #tpu.memory_space<hbm>>) dst(%dma_wait3A_73 : memref<80x128xf32, #tpu.memory_space<vmem>>)
      %add3A_80 = arith.addi %mul3A_2, %add3A_55 : i32
      %dma_start3A_81 = arith.constant 1 : i32
      %dma_start3A_82 = arith.constant 1 : i32
      %dma_start3A_83 = arith.constant 0 : i32
      %dma_start3A_84 = arith.constant 0 : i32
      %dma_start3A_85 = tpu.memref_slice %arg6[%dma_start3A_81, %dma_start3A_83, %dma_start3A_84] : memref<2x80x128xf32, #tpu.memory_space<vmem>> -> memref<1x80x128xf32, #tpu.memory_space<vmem>>
      %dma_start3A_86 = tpu.memref_squeeze %dma_start3A_85 : memref<1x80x128xf32, #tpu.memory_space<vmem>> -> memref<80x128xf32, #tpu.memory_space<vmem>>
      %dma_start3A_87 = arith.constant 0 : i32
      %dma_start3A_88 = tpu.memref_slice %arg4[%add3A_80, %dma_start3A_87] : memref<320000x128xf32, #tpu.memory_space<hbm>> -> memref<80x128xf32, #tpu.memory_space<hbm>>
      %dma_start3A_89 = tpu.memref_slice %arg8[%dma_start3A_82] : memref<2x!tpu.dma_semaphore, #tpu.memory_space<semaphore_mem>> -> memref<1x!tpu.dma_semaphore, #tpu.memory_space<semaphore_mem>>
      %dma_start3A_90 = tpu.memref_squeeze %dma_start3A_89 : memref<1x!tpu.dma_semaphore, #tpu.memory_space<semaphore_mem>> -> memref<!tpu.dma_semaphore, #tpu.memory_space<semaphore_mem>>
      %dma_start3A_91 = arith.constant 0 : i32
      %dma_start3A_92 = tpu.memref_slice %arg4[%add3A_80, %dma_start3A_91] : memref<320000x128xf32, #tpu.memory_space<hbm>> -> memref<80x128xf32, #tpu.memory_space<hbm>>
      %dma_start3A_93 = arith.constant 0 : i32
      %dma_start3A_94 = arith.constant 0 : i32
      %dma_start3A_95 = tpu.memref_slice %arg6[%dma_start3A_81, %dma_start3A_93, %dma_start3A_94] : memref<2x80x128xf32, #tpu.memory_space<vmem>> -> memref<1x80x128xf32, #tpu.memory_space<vmem>>
      %dma_start3A_96 = tpu.memref_squeeze %dma_start3A_95 : memref<1x80x128xf32, #tpu.memory_space<vmem>> -> memref<80x128xf32, #tpu.memory_space<vmem>>
      tpu.enqueue_dma source(%dma_start3A_96 : memref<80x128xf32, #tpu.memory_space<vmem>>) target(%dma_start3A_92 : memref<80x128xf32, #tpu.memory_space<hbm>>) target_semaphore(%dma_start3A_90 : memref<!tpu.dma_semaphore, #tpu.memory_space<semaphore_mem>>)
      %mul3A_97 = arith.constant 400 : i32
      %mul3A_98 = arith.muli %scan3A_8, %mul3A_97 : i32
      %add3A_99 = arith.constant 160 : i32
      %add3A_100 = arith.addi %mul3A_98, %add3A_99 : i32
      %dma_wait3A_101 = arith.constant 0 : i32
      %dma_wait3A_102 = arith.constant 0 : i32
      %dma_wait3A_103 = arith.constant 0 : i32
      %dma_wait3A_104 = arith.constant 0 : i32
      %dma_wait3A_105 = tpu.memref_slice %arg6[%dma_wait3A_101, %dma_wait3A_103, %dma_wait3A_104] : memref<2x80x128xf32, #tpu.memory_space<vmem>> -> memref<1x80x128xf32, #tpu.memory_space<vmem>>
      %dma_wait3A_106 = tpu.memref_squeeze %dma_wait3A_105 : memref<1x80x128xf32, #tpu.memory_space<vmem>> -> memref<80x128xf32, #tpu.memory_space<vmem>>
      %dma_wait3A_107 = arith.constant 0 : i32
      %dma_wait3A_108 = tpu.memref_slice %arg4[%add3A_35, %dma_wait3A_107] : memref<320000x128xf32, #tpu.memory_space<hbm>> -> memref<80x128xf32, #tpu.memory_space<hbm>>
      %dma_wait3A_109 = tpu.memref_slice %arg8[%dma_wait3A_102] : memref<2x!tpu.dma_semaphore, #tpu.memory_space<semaphore_mem>> -> memref<1x!tpu.dma_semaphore, #tpu.memory_space<semaphore_mem>>
      %dma_wait3A_110 = tpu.memref_squeeze %dma_wait3A_109 : memref<1x!tpu.dma_semaphore, #tpu.memory_space<semaphore_mem>> -> memref<!tpu.dma_semaphore, #tpu.memory_space<semaphore_mem>>
      %dma_wait3A_111 = arith.constant 0 : i32
      %dma_wait3A_112 = tpu.memref_slice %arg4[%add3A_35, %dma_wait3A_111] : memref<320000x128xf32, #tpu.memory_space<hbm>> -> memref<80x128xf32, #tpu.memory_space<hbm>>
      %dma_wait3A_113 = arith.constant 0 : i32
      %dma_wait3A_114 = arith.constant 0 : i32
      %dma_wait3A_115 = tpu.memref_slice %arg6[%dma_wait3A_101, %dma_wait3A_113, %dma_wait3A_114] : memref<2x80x128xf32, #tpu.memory_space<vmem>> -> memref<1x80x128xf32, #tpu.memory_space<vmem>>
      %dma_wait3A_116 = tpu.memref_squeeze %dma_wait3A_115 : memref<1x80x128xf32, #tpu.memory_space<vmem>> -> memref<80x128xf32, #tpu.memory_space<vmem>>
      tpu.wait_dma2 semaphore(%dma_wait3A_110 : memref<!tpu.dma_semaphore, #tpu.memory_space<semaphore_mem>>) src(%dma_wait3A_116 : memref<80x128xf32, #tpu.memory_space<vmem>>) dst(%dma_wait3A_112 : memref<80x128xf32, #tpu.memory_space<hbm>>)
      %dma_start3A_117 = arith.constant 0 : i32
      %dma_start3A_118 = arith.constant 0 : i32
      %dma_start3A_119 = arith.constant 0 : i32
      %dma_start3A_120 = arith.constant 0 : i32
      %dma_start3A_121 = tpu.memref_slice %arg6[%dma_start3A_117, %dma_start3A_119, %dma_start3A_120] : memref<2x80x128xf32, #tpu.memory_space<vmem>> -> memref<1x80x128xf32, #tpu.memory_space<vmem>>
      %dma_start3A_122 = tpu.memref_squeeze %dma_start3A_121 : memref<1x80x128xf32, #tpu.memory_space<vmem>> -> memref<80x128xf32, #tpu.memory_space<vmem>>
      %dma_start3A_123 = tpu.memref_slice %arg5[%add3A_100] : memref<10000xi32, #tpu.memory_space<vmem>> -> memref<80xi32, #tpu.memory_space<vmem>>
      %dma_start3A_124 = arith.constant 0 : i32
      %dma_start3A_125 = arith.constant 0 : i32
      %dma_start3A_126 = tpu.memref_slice %arg2[%dma_start3A_124, %dma_start3A_125] : memref<10000x128xf32, #tpu.memory_space<hbm>> -> memref<10000x128xf32, #tpu.memory_space<hbm>>
      %dma_start3A_127 = tpu.memref_slice %arg7[%dma_start3A_118] : memref<2x!tpu.dma_semaphore, #tpu.memory_space<semaphore_mem>> -> memref<1x!tpu.dma_semaphore, #tpu.memory_space<semaphore_mem>>
      %dma_start3A_128 = tpu.memref_squeeze %dma_start3A_127 : memref<1x!tpu.dma_semaphore, #tpu.memory_space<semaphore_mem>> -> memref<!tpu.dma_semaphore, #tpu.memory_space<semaphore_mem>>
      tpu.enqueue_indirect_dma source(%dma_start3A_126 : memref<10000x128xf32, #tpu.memory_space<hbm>>) target(%dma_start3A_122 : memref<80x128xf32, #tpu.memory_space<vmem>>) offsets(%dma_start3A_123 : memref<80xi32, #tpu.memory_space<vmem>>) semaphore(%dma_start3A_128 : memref<!tpu.dma_semaphore, #tpu.memory_space<semaphore_mem>>)
      %dma_wait3A_129 = arith.constant 0 : i32
      %dma_wait3A_130 = arith.constant 0 : i32
      %dma_wait3A_131 = arith.constant 0 : i32
      %dma_wait3A_132 = arith.constant 0 : i32
      %dma_wait3A_133 = tpu.memref_slice %arg6[%dma_wait3A_129, %dma_wait3A_131, %dma_wait3A_132] : memref<2x80x128xf32, #tpu.memory_space<vmem>> -> memref<1x80x128xf32, #tpu.memory_space<vmem>>
      %dma_wait3A_134 = tpu.memref_squeeze %dma_wait3A_133 : memref<1x80x128xf32, #tpu.memory_space<vmem>> -> memref<80x128xf32, #tpu.memory_space<vmem>>
      %dma_wait3A_135 = tpu.memref_slice %arg5[%add3A_100] : memref<10000xi32, #tpu.memory_space<vmem>> -> memref<80xi32, #tpu.memory_space<vmem>>
      %dma_wait3A_136 = arith.constant 0 : i32
      %dma_wait3A_137 = arith.constant 0 : i32
      %dma_wait3A_138 = tpu.memref_slice %arg2[%dma_wait3A_136, %dma_wait3A_137] : memref<10000x128xf32, #tpu.memory_space<hbm>> -> memref<10000x128xf32, #tpu.memory_space<hbm>>
      %dma_wait3A_139 = tpu.memref_slice %arg7[%dma_wait3A_130] : memref<2x!tpu.dma_semaphore, #tpu.memory_space<semaphore_mem>> -> memref<1x!tpu.dma_semaphore, #tpu.memory_space<semaphore_mem>>
      %dma_wait3A_140 = tpu.memref_squeeze %dma_wait3A_139 : memref<1x!tpu.dma_semaphore, #tpu.memory_space<semaphore_mem>> -> memref<!tpu.dma_semaphore, #tpu.memory_space<semaphore_mem>>
      tpu.wait_indirect_dma semaphore(%dma_wait3A_140 : memref<!tpu.dma_semaphore, #tpu.memory_space<semaphore_mem>>) src(%dma_wait3A_138 : memref<10000x128xf32, #tpu.memory_space<hbm>>) dst(%dma_wait3A_134 : memref<80x128xf32, #tpu.memory_space<vmem>>)
      %add3A_141 = arith.addi %mul3A_2, %add3A_100 : i32
      %dma_start3A_142 = arith.constant 0 : i32
      %dma_start3A_143 = arith.constant 0 : i32
      %dma_start3A_144 = arith.constant 0 : i32
      %dma_start3A_145 = arith.constant 0 : i32
      %dma_start3A_146 = tpu.memref_slice %arg6[%dma_start3A_142, %dma_start3A_144, %dma_start3A_145] : memref<2x80x128xf32, #tpu.memory_space<vmem>> -> memref<1x80x128xf32, #tpu.memory_space<vmem>>
      %dma_start3A_147 = tpu.memref_squeeze %dma_start3A_146 : memref<1x80x128xf32, #tpu.memory_space<vmem>> -> memref<80x128xf32, #tpu.memory_space<vmem>>
      %dma_start3A_148 = arith.constant 0 : i32
      %dma_start3A_149 = tpu.memref_slice %arg4[%add3A_141, %dma_start3A_148] : memref<320000x128xf32, #tpu.memory_space<hbm>> -> memref<80x128xf32, #tpu.memory_space<hbm>>
      %dma_start3A_150 = tpu.memref_slice %arg8[%dma_start3A_143] : memref<2x!tpu.dma_semaphore, #tpu.memory_space<semaphore_mem>> -> memref<1x!tpu.dma_semaphore, #tpu.memory_space<semaphore_mem>>
      %dma_start3A_151 = tpu.memref_squeeze %dma_start3A_150 : memref<1x!tpu.dma_semaphore, #tpu.memory_space<semaphore_mem>> -> memref<!tpu.dma_semaphore, #tpu.memory_space<semaphore_mem>>
      %dma_start3A_152 = arith.constant 0 : i32
      %dma_start3A_153 = tpu.memref_slice %arg4[%add3A_141, %dma_start3A_152] : memref<320000x128xf32, #tpu.memory_space<hbm>> -> memref<80x128xf32, #tpu.memory_space<hbm>>
      %dma_start3A_154 = arith.constant 0 : i32
      %dma_start3A_155 = arith.constant 0 : i32
      %dma_start3A_156 = tpu.memref_slice %arg6[%dma_start3A_142, %dma_start3A_154, %dma_start3A_155] : memref<2x80x128xf32, #tpu.memory_space<vmem>> -> memref<1x80x128xf32, #tpu.memory_space<vmem>>
      %dma_start3A_157 = tpu.memref_squeeze %dma_start3A_156 : memref<1x80x128xf32, #tpu.memory_space<vmem>> -> memref<80x128xf32, #tpu.memory_space<vmem>>
      tpu.enqueue_dma source(%dma_start3A_157 : memref<80x128xf32, #tpu.memory_space<vmem>>) target(%dma_start3A_153 : memref<80x128xf32, #tpu.memory_space<hbm>>) target_semaphore(%dma_start3A_151 : memref<!tpu.dma_semaphore, #tpu.memory_space<semaphore_mem>>)
      %mul3A_158 = arith.constant 400 : i32
      %mul3A_159 = arith.muli %scan3A_8, %mul3A_158 : i32
      %add3A_160 = arith.constant 240 : i32
      %add3A_161 = arith.addi %mul3A_159, %add3A_160 : i32
      %dma_wait3A_162 = arith.constant 1 : i32
      %dma_wait3A_163 = arith.constant 1 : i32
      %dma_wait3A_164 = arith.constant 0 : i32
      %dma_wait3A_165 = arith.constant 0 : i32
      %dma_wait3A_166 = tpu.memref_slice %arg6[%dma_wait3A_162, %dma_wait3A_164, %dma_wait3A_165] : memref<2x80x128xf32, #tpu.memory_space<vmem>> -> memref<1x80x128xf32, #tpu.memory_space<vmem>>
      %dma_wait3A_167 = tpu.memref_squeeze %dma_wait3A_166 : memref<1x80x128xf32, #tpu.memory_space<vmem>> -> memref<80x128xf32, #tpu.memory_space<vmem>>
      %dma_wait3A_168 = arith.constant 0 : i32
      %dma_wait3A_169 = tpu.memref_slice %arg4[%add3A_80, %dma_wait3A_168] : memref<320000x128xf32, #tpu.memory_space<hbm>> -> memref<80x128xf32, #tpu.memory_space<hbm>>
      %dma_wait3A_170 = tpu.memref_slice %arg8[%dma_wait3A_163] : memref<2x!tpu.dma_semaphore, #tpu.memory_space<semaphore_mem>> -> memref<1x!tpu.dma_semaphore, #tpu.memory_space<semaphore_mem>>
      %dma_wait3A_171 = tpu.memref_squeeze %dma_wait3A_170 : memref<1x!tpu.dma_semaphore, #tpu.memory_space<semaphore_mem>> -> memref<!tpu.dma_semaphore, #tpu.memory_space<semaphore_mem>>
      %dma_wait3A_172 = arith.constant 0 : i32
      %dma_wait3A_173 = tpu.memref_slice %arg4[%add3A_80, %dma_wait3A_172] : memref<320000x128xf32, #tpu.memory_space<hbm>> -> memref<80x128xf32, #tpu.memory_space<hbm>>
      %dma_wait3A_174 = arith.constant 0 : i32
      %dma_wait3A_175 = arith.constant 0 : i32
      %dma_wait3A_176 = tpu.memref_slice %arg6[%dma_wait3A_162, %dma_wait3A_174, %dma_wait3A_175] : memref<2x80x128xf32, #tpu.memory_space<vmem>> -> memref<1x80x128xf32, #tpu.memory_space<vmem>>
      %dma_wait3A_177 = tpu.memref_squeeze %dma_wait3A_176 : memref<1x80x128xf32, #tpu.memory_space<vmem>> -> memref<80x128xf32, #tpu.memory_space<vmem>>
      tpu.wait_dma2 semaphore(%dma_wait3A_171 : memref<!tpu.dma_semaphore, #tpu.memory_space<semaphore_mem>>) src(%dma_wait3A_177 : memref<80x128xf32, #tpu.memory_space<vmem>>) dst(%dma_wait3A_173 : memref<80x128xf32, #tpu.memory_space<hbm>>)
      %dma_start3A_178 = arith.constant 1 : i32
      %dma_start3A_179 = arith.constant 1 : i32
      %dma_start3A_180 = arith.constant 0 : i32
      %dma_start3A_181 = arith.constant 0 : i32
      %dma_start3A_182 = tpu.memref_slice %arg6[%dma_start3A_178, %dma_start3A_180, %dma_start3A_181] : memref<2x80x128xf32, #tpu.memory_space<vmem>> -> memref<1x80x128xf32, #tpu.memory_space<vmem>>
      %dma_start3A_183 = tpu.memref_squeeze %dma_start3A_182 : memref<1x80x128xf32, #tpu.memory_space<vmem>> -> memref<80x128xf32, #tpu.memory_space<vmem>>
      %dma_start3A_184 = tpu.memref_slice %arg5[%add3A_161] : memref<10000xi32, #tpu.memory_space<vmem>> -> memref<80xi32, #tpu.memory_space<vmem>>
      %dma_start3A_185 = arith.constant 0 : i32
      %dma_start3A_186 = arith.constant 0 : i32
      %dma_start3A_187 = tpu.memref_slice %arg2[%dma_start3A_185, %dma_start3A_186] : memref<10000x128xf32, #tpu.memory_space<hbm>> -> memref<10000x128xf32, #tpu.memory_space<hbm>>
      %dma_start3A_188 = tpu.memref_slice %arg7[%dma_start3A_179] : memref<2x!tpu.dma_semaphore, #tpu.memory_space<semaphore_mem>> -> memref<1x!tpu.dma_semaphore, #tpu.memory_space<semaphore_mem>>
      %dma_start3A_189 = tpu.memref_squeeze %dma_start3A_188 : memref<1x!tpu.dma_semaphore, #tpu.memory_space<semaphore_mem>> -> memref<!tpu.dma_semaphore, #tpu.memory_space<semaphore_mem>>
      tpu.enqueue_indirect_dma source(%dma_start3A_187 : memref<10000x128xf32, #tpu.memory_space<hbm>>) target(%dma_start3A_183 : memref<80x128xf32, #tpu.memory_space<vmem>>) offsets(%dma_start3A_184 : memref<80xi32, #tpu.memory_space<vmem>>) semaphore(%dma_start3A_189 : memref<!tpu.dma_semaphore, #tpu.memory_space<semaphore_mem>>)
      %dma_wait3A_190 = arith.constant 1 : i32
      %dma_wait3A_191 = arith.constant 1 : i32
      %dma_wait3A_192 = arith.constant 0 : i32
      %dma_wait3A_193 = arith.constant 0 : i32
      %dma_wait3A_194 = tpu.memref_slice %arg6[%dma_wait3A_190, %dma_wait3A_192, %dma_wait3A_193] : memref<2x80x128xf32, #tpu.memory_space<vmem>> -> memref<1x80x128xf32, #tpu.memory_space<vmem>>
      %dma_wait3A_195 = tpu.memref_squeeze %dma_wait3A_194 : memref<1x80x128xf32, #tpu.memory_space<vmem>> -> memref<80x128xf32, #tpu.memory_space<vmem>>
      %dma_wait3A_196 = tpu.memref_slice %arg5[%add3A_161] : memref<10000xi32, #tpu.memory_space<vmem>> -> memref<80xi32, #tpu.memory_space<vmem>>
      %dma_wait3A_197 = arith.constant 0 : i32
      %dma_wait3A_198 = arith.constant 0 : i32
      %dma_wait3A_199 = tpu.memref_slice %arg2[%dma_wait3A_197, %dma_wait3A_198] : memref<10000x128xf32, #tpu.memory_space<hbm>> -> memref<10000x128xf32, #tpu.memory_space<hbm>>
      %dma_wait3A_200 = tpu.memref_slice %arg7[%dma_wait3A_191] : memref<2x!tpu.dma_semaphore, #tpu.memory_space<semaphore_mem>> -> memref<1x!tpu.dma_semaphore, #tpu.memory_space<semaphore_mem>>
      %dma_wait3A_201 = tpu.memref_squeeze %dma_wait3A_200 : memref<1x!tpu.dma_semaphore, #tpu.memory_space<semaphore_mem>> -> memref<!tpu.dma_semaphore, #tpu.memory_space<semaphore_mem>>
      tpu.wait_indirect_dma semaphore(%dma_wait3A_201 : memref<!tpu.dma_semaphore, #tpu.memory_space<semaphore_mem>>) src(%dma_wait3A_199 : memref<10000x128xf32, #tpu.memory_space<hbm>>) dst(%dma_wait3A_195 : memref<80x128xf32, #tpu.memory_space<vmem>>)
      %add3A_202 = arith.addi %mul3A_2, %add3A_161 : i32
      %dma_start3A_203 = arith.constant 1 : i32
      %dma_start3A_204 = arith.constant 1 : i32
      %dma_start3A_205 = arith.constant 0 : i32
      %dma_start3A_206 = arith.constant 0 : i32
      %dma_start3A_207 = tpu.memref_slice %arg6[%dma_start3A_203, %dma_start3A_205, %dma_start3A_206] : memref<2x80x128xf32, #tpu.memory_space<vmem>> -> memref<1x80x128xf32, #tpu.memory_space<vmem>>
      %dma_start3A_208 = tpu.memref_squeeze %dma_start3A_207 : memref<1x80x128xf32, #tpu.memory_space<vmem>> -> memref<80x128xf32, #tpu.memory_space<vmem>>
      %dma_start3A_209 = arith.constant 0 : i32
      %dma_start3A_210 = tpu.memref_slice %arg4[%add3A_202, %dma_start3A_209] : memref<320000x128xf32, #tpu.memory_space<hbm>> -> memref<80x128xf32, #tpu.memory_space<hbm>>
      %dma_start3A_211 = tpu.memref_slice %arg8[%dma_start3A_204] : memref<2x!tpu.dma_semaphore, #tpu.memory_space<semaphore_mem>> -> memref<1x!tpu.dma_semaphore, #tpu.memory_space<semaphore_mem>>
      %dma_start3A_212 = tpu.memref_squeeze %dma_start3A_211 : memref<1x!tpu.dma_semaphore, #tpu.memory_space<semaphore_mem>> -> memref<!tpu.dma_semaphore, #tpu.memory_space<semaphore_mem>>
      %dma_start3A_213 = arith.constant 0 : i32
      %dma_start3A_214 = tpu.memref_slice %arg4[%add3A_202, %dma_start3A_213] : memref<320000x128xf32, #tpu.memory_space<hbm>> -> memref<80x128xf32, #tpu.memory_space<hbm>>
      %dma_start3A_215 = arith.constant 0 : i32
      %dma_start3A_216 = arith.constant 0 : i32
      %dma_start3A_217 = tpu.memref_slice %arg6[%dma_start3A_203, %dma_start3A_215, %dma_start3A_216] : memref<2x80x128xf32, #tpu.memory_space<vmem>> -> memref<1x80x128xf32, #tpu.memory_space<vmem>>
      %dma_start3A_218 = tpu.memref_squeeze %dma_start3A_217 : memref<1x80x128xf32, #tpu.memory_space<vmem>> -> memref<80x128xf32, #tpu.memory_space<vmem>>
      tpu.enqueue_dma source(%dma_start3A_218 : memref<80x128xf32, #tpu.memory_space<vmem>>) target(%dma_start3A_214 : memref<80x128xf32, #tpu.memory_space<hbm>>) target_semaphore(%dma_start3A_212 : memref<!tpu.dma_semaphore, #tpu.memory_space<semaphore_mem>>)
      %mul3A_219 = arith.constant 400 : i32
      %mul3A_220 = arith.muli %scan3A_8, %mul3A_219 : i32
      %add3A_221 = arith.constant 320 : i32
      %add3A_222 = arith.addi %mul3A_220, %add3A_221 : i32
      %dma_wait3A_223 = arith.constant 0 : i32
      %dma_wait3A_224 = arith.constant 0 : i32
      %dma_wait3A_225 = arith.constant 0 : i32
      %dma_wait3A_226 = arith.constant 0 : i32
      %dma_wait3A_227 = tpu.memref_slice %arg6[%dma_wait3A_223, %dma_wait3A_225, %dma_wait3A_226] : memref<2x80x128xf32, #tpu.memory_space<vmem>> -> memref<1x80x128xf32, #tpu.memory_space<vmem>>
      %dma_wait3A_228 = tpu.memref_squeeze %dma_wait3A_227 : memref<1x80x128xf32, #tpu.memory_space<vmem>> -> memref<80x128xf32, #tpu.memory_space<vmem>>
      %dma_wait3A_229 = arith.constant 0 : i32
      %dma_wait3A_230 = tpu.memref_slice %arg4[%add3A_141, %dma_wait3A_229] : memref<320000x128xf32, #tpu.memory_space<hbm>> -> memref<80x128xf32, #tpu.memory_space<hbm>>
      %dma_wait3A_231 = tpu.memref_slice %arg8[%dma_wait3A_224] : memref<2x!tpu.dma_semaphore, #tpu.memory_space<semaphore_mem>> -> memref<1x!tpu.dma_semaphore, #tpu.memory_space<semaphore_mem>>
      %dma_wait3A_232 = tpu.memref_squeeze %dma_wait3A_231 : memref<1x!tpu.dma_semaphore, #tpu.memory_space<semaphore_mem>> -> memref<!tpu.dma_semaphore, #tpu.memory_space<semaphore_mem>>
      %dma_wait3A_233 = arith.constant 0 : i32
      %dma_wait3A_234 = tpu.memref_slice %arg4[%add3A_141, %dma_wait3A_233] : memref<320000x128xf32, #tpu.memory_space<hbm>> -> memref<80x128xf32, #tpu.memory_space<hbm>>
      %dma_wait3A_235 = arith.constant 0 : i32
      %dma_wait3A_236 = arith.constant 0 : i32
      %dma_wait3A_237 = tpu.memref_slice %arg6[%dma_wait3A_223, %dma_wait3A_235, %dma_wait3A_236] : memref<2x80x128xf32, #tpu.memory_space<vmem>> -> memref<1x80x128xf32, #tpu.memory_space<vmem>>
      %dma_wait3A_238 = tpu.memref_squeeze %dma_wait3A_237 : memref<1x80x128xf32, #tpu.memory_space<vmem>> -> memref<80x128xf32, #tpu.memory_space<vmem>>
      tpu.wait_dma2 semaphore(%dma_wait3A_232 : memref<!tpu.dma_semaphore, #tpu.memory_space<semaphore_mem>>) src(%dma_wait3A_238 : memref<80x128xf32, #tpu.memory_space<vmem>>) dst(%dma_wait3A_234 : memref<80x128xf32, #tpu.memory_space<hbm>>)
      %dma_start3A_239 = arith.constant 0 : i32
      %dma_start3A_240 = arith.constant 0 : i32
      %dma_start3A_241 = arith.constant 0 : i32
      %dma_start3A_242 = arith.constant 0 : i32
      %dma_start3A_243 = tpu.memref_slice %arg6[%dma_start3A_239, %dma_start3A_241, %dma_start3A_242] : memref<2x80x128xf32, #tpu.memory_space<vmem>> -> memref<1x80x128xf32, #tpu.memory_space<vmem>>
      %dma_start3A_244 = tpu.memref_squeeze %dma_start3A_243 : memref<1x80x128xf32, #tpu.memory_space<vmem>> -> memref<80x128xf32, #tpu.memory_space<vmem>>
      %dma_start3A_245 = tpu.memref_slice %arg5[%add3A_222] : memref<10000xi32, #tpu.memory_space<vmem>> -> memref<80xi32, #tpu.memory_space<vmem>>
      %dma_start3A_246 = arith.constant 0 : i32
      %dma_start3A_247 = arith.constant 0 : i32
      %dma_start3A_248 = tpu.memref_slice %arg2[%dma_start3A_246, %dma_start3A_247] : memref<10000x128xf32, #tpu.memory_space<hbm>> -> memref<10000x128xf32, #tpu.memory_space<hbm>>
      %dma_start3A_249 = tpu.memref_slice %arg7[%dma_start3A_240] : memref<2x!tpu.dma_semaphore, #tpu.memory_space<semaphore_mem>> -> memref<1x!tpu.dma_semaphore, #tpu.memory_space<semaphore_mem>>
      %dma_start3A_250 = tpu.memref_squeeze %dma_start3A_249 : memref<1x!tpu.dma_semaphore, #tpu.memory_space<semaphore_mem>> -> memref<!tpu.dma_semaphore, #tpu.memory_space<semaphore_mem>>
      tpu.enqueue_indirect_dma source(%dma_start3A_248 : memref<10000x128xf32, #tpu.memory_space<hbm>>) target(%dma_start3A_244 : memref<80x128xf32, #tpu.memory_space<vmem>>) offsets(%dma_start3A_245 : memref<80xi32, #tpu.memory_space<vmem>>) semaphore(%dma_start3A_250 : memref<!tpu.dma_semaphore, #tpu.memory_space<semaphore_mem>>)
      %dma_wait3A_251 = arith.constant 0 : i32
      %dma_wait3A_252 = arith.constant 0 : i32
      %dma_wait3A_253 = arith.constant 0 : i32
      %dma_wait3A_254 = arith.constant 0 : i32
      %dma_wait3A_255 = tpu.memref_slice %arg6[%dma_wait3A_251, %dma_wait3A_253, %dma_wait3A_254] : memref<2x80x128xf32, #tpu.memory_space<vmem>> -> memref<1x80x128xf32, #tpu.memory_space<vmem>>
      %dma_wait3A_256 = tpu.memref_squeeze %dma_wait3A_255 : memref<1x80x128xf32, #tpu.memory_space<vmem>> -> memref<80x128xf32, #tpu.memory_space<vmem>>
      %dma_wait3A_257 = tpu.memref_slice %arg5[%add3A_222] : memref<10000xi32, #tpu.memory_space<vmem>> -> memref<80xi32, #tpu.memory_space<vmem>>
      %dma_wait3A_258 = arith.constant 0 : i32
      %dma_wait3A_259 = arith.constant 0 : i32
      %dma_wait3A_260 = tpu.memref_slice %arg2[%dma_wait3A_258, %dma_wait3A_259] : memref<10000x128xf32, #tpu.memory_space<hbm>> -> memref<10000x128xf32, #tpu.memory_space<hbm>>
      %dma_wait3A_261 = tpu.memref_slice %arg7[%dma_wait3A_252] : memref<2x!tpu.dma_semaphore, #tpu.memory_space<semaphore_mem>> -> memref<1x!tpu.dma_semaphore, #tpu.memory_space<semaphore_mem>>
      %dma_wait3A_262 = tpu.memref_squeeze %dma_wait3A_261 : memref<1x!tpu.dma_semaphore, #tpu.memory_space<semaphore_mem>> -> memref<!tpu.dma_semaphore, #tpu.memory_space<semaphore_mem>>
      tpu.wait_indirect_dma semaphore(%dma_wait3A_262 : memref<!tpu.dma_semaphore, #tpu.memory_space<semaphore_mem>>) src(%dma_wait3A_260 : memref<10000x128xf32, #tpu.memory_space<hbm>>) dst(%dma_wait3A_256 : memref<80x128xf32, #tpu.memory_space<vmem>>)
      %add3A_263 = arith.addi %mul3A_2, %add3A_222 : i32
      %dma_start3A_264 = arith.constant 0 : i32
      %dma_start3A_265 = arith.constant 0 : i32
      %dma_start3A_266 = arith.constant 0 : i32
      %dma_start3A_267 = arith.constant 0 : i32
      %dma_start3A_268 = tpu.memref_slice %arg6[%dma_start3A_264, %dma_start3A_266, %dma_start3A_267] : memref<2x80x128xf32, #tpu.memory_space<vmem>> -> memref<1x80x128xf32, #tpu.memory_space<vmem>>
      %dma_start3A_269 = tpu.memref_squeeze %dma_start3A_268 : memref<1x80x128xf32, #tpu.memory_space<vmem>> -> memref<80x128xf32, #tpu.memory_space<vmem>>
      %dma_start3A_270 = arith.constant 0 : i32
      %dma_start3A_271 = tpu.memref_slice %arg4[%add3A_263, %dma_start3A_270] : memref<320000x128xf32, #tpu.memory_space<hbm>> -> memref<80x128xf32, #tpu.memory_space<hbm>>
      %dma_start3A_272 = tpu.memref_slice %arg8[%dma_start3A_265] : memref<2x!tpu.dma_semaphore, #tpu.memory_space<semaphore_mem>> -> memref<1x!tpu.dma_semaphore, #tpu.memory_space<semaphore_mem>>
      %dma_start3A_273 = tpu.memref_squeeze %dma_start3A_272 : memref<1x!tpu.dma_semaphore, #tpu.memory_space<semaphore_mem>> -> memref<!tpu.dma_semaphore, #tpu.memory_space<semaphore_mem>>
      %dma_start3A_274 = arith.constant 0 : i32
      %dma_start3A_275 = tpu.memref_slice %arg4[%add3A_263, %dma_start3A_274] : memref<320000x128xf32, #tpu.memory_space<hbm>> -> memref<80x128xf32, #tpu.memory_space<hbm>>
      %dma_start3A_276 = arith.constant 0 : i32
      %dma_start3A_277 = arith.constant 0 : i32
      %dma_start3A_278 = tpu.memref_slice %arg6[%dma_start3A_264, %dma_start3A_276, %dma_start3A_277] : memref<2x80x128xf32, #tpu.memory_space<vmem>> -> memref<1x80x128xf32, #tpu.memory_space<vmem>>
      %dma_start3A_279 = tpu.memref_squeeze %dma_start3A_278 : memref<1x80x128xf32, #tpu.memory_space<vmem>> -> memref<80x128xf32, #tpu.memory_space<vmem>>
      tpu.enqueue_dma source(%dma_start3A_279 : memref<80x128xf32, #tpu.memory_space<vmem>>) target(%dma_start3A_275 : memref<80x128xf32, #tpu.memory_space<hbm>>) target_semaphore(%dma_start3A_273 : memref<!tpu.dma_semaphore, #tpu.memory_space<semaphore_mem>>)
      %dma_wait3A_280 = arith.constant 0 : i32
      %dma_wait3A_281 = arith.constant 0 : i32
      %dma_wait3A_282 = arith.constant 0 : i32
      %dma_wait3A_283 = arith.constant 0 : i32
      %dma_wait3A_284 = tpu.memref_slice %arg6[%dma_wait3A_280, %dma_wait3A_282, %dma_wait3A_283] : memref<2x80x128xf32, #tpu.memory_space<vmem>> -> memref<1x80x128xf32, #tpu.memory_space<vmem>>
      %dma_wait3A_285 = tpu.memref_squeeze %dma_wait3A_284 : memref<1x80x128xf32, #tpu.memory_space<vmem>> -> memref<80x128xf32, #tpu.memory_space<vmem>>
      %dma_wait3A_286 = arith.constant 0 : i32
      %dma_wait3A_287 = tpu.memref_slice %arg4[%add3A_263, %dma_wait3A_286] : memref<320000x128xf32, #tpu.memory_space<hbm>> -> memref<80x128xf32, #tpu.memory_space<hbm>>
      %dma_wait3A_288 = tpu.memref_slice %arg8[%dma_wait3A_281] : memref<2x!tpu.dma_semaphore, #tpu.memory_space<semaphore_mem>> -> memref<1x!tpu.dma_semaphore, #tpu.memory_space<semaphore_mem>>
      %dma_wait3A_289 = tpu.memref_squeeze %dma_wait3A_288 : memref<1x!tpu.dma_semaphore, #tpu.memory_space<semaphore_mem>> -> memref<!tpu.dma_semaphore, #tpu.memory_space<semaphore_mem>>
      %dma_wait3A_290 = arith.constant 0 : i32
      %dma_wait3A_291 = tpu.memref_slice %arg4[%add3A_263, %dma_wait3A_290] : memref<320000x128xf32, #tpu.memory_space<hbm>> -> memref<80x128xf32, #tpu.memory_space<hbm>>
      %dma_wait3A_292 = arith.constant 0 : i32
      %dma_wait3A_293 = arith.constant 0 : i32
      %dma_wait3A_294 = tpu.memref_slice %arg6[%dma_wait3A_280, %dma_wait3A_292, %dma_wait3A_293] : memref<2x80x128xf32, #tpu.memory_space<vmem>> -> memref<1x80x128xf32, #tpu.memory_space<vmem>>
      %dma_wait3A_295 = tpu.memref_squeeze %dma_wait3A_294 : memref<1x80x128xf32, #tpu.memory_space<vmem>> -> memref<80x128xf32, #tpu.memory_space<vmem>>
      tpu.wait_dma2 semaphore(%dma_wait3A_289 : memref<!tpu.dma_semaphore, #tpu.memory_space<semaphore_mem>>) src(%dma_wait3A_295 : memref<80x128xf32, #tpu.memory_space<vmem>>) dst(%dma_wait3A_291 : memref<80x128xf32, #tpu.memory_space<hbm>>)
      %dma_wait3A_296 = arith.constant 1 : i32
      %dma_wait3A_297 = arith.constant 1 : i32
      %dma_wait3A_298 = arith.constant 0 : i32
      %dma_wait3A_299 = arith.constant 0 : i32
      %dma_wait3A_300 = tpu.memref_slice %arg6[%dma_wait3A_296, %dma_wait3A_298, %dma_wait3A_299] : memref<2x80x128xf32, #tpu.memory_space<vmem>> -> memref<1x80x128xf32, #tpu.memory_space<vmem>>
      %dma_wait3A_301 = tpu.memref_squeeze %dma_wait3A_300 : memref<1x80x128xf32, #tpu.memory_space<vmem>> -> memref<80x128xf32, #tpu.memory_space<vmem>>
      %dma_wait3A_302 = arith.constant 0 : i32
      %dma_wait3A_303 = tpu.memref_slice %arg4[%add3A_202, %dma_wait3A_302] : memref<320000x128xf32, #tpu.memory_space<hbm>> -> memref<80x128xf32, #tpu.memory_space<hbm>>
      %dma_wait3A_304 = tpu.memref_slice %arg8[%dma_wait3A_297] : memref<2x!tpu.dma_semaphore, #tpu.memory_space<semaphore_mem>> -> memref<1x!tpu.dma_semaphore, #tpu.memory_space<semaphore_mem>>
      %dma_wait3A_305 = tpu.memref_squeeze %dma_wait3A_304 : memref<1x!tpu.dma_semaphore, #tpu.memory_space<semaphore_mem>> -> memref<!tpu.dma_semaphore, #tpu.memory_space<semaphore_mem>>
      %dma_wait3A_306 = arith.constant 0 : i32
      %dma_wait3A_307 = tpu.memref_slice %arg4[%add3A_202, %dma_wait3A_306] : memref<320000x128xf32, #tpu.memory_space<hbm>> -> memref<80x128xf32, #tpu.memory_space<hbm>>
      %dma_wait3A_308 = arith.constant 0 : i32
      %dma_wait3A_309 = arith.constant 0 : i32
      %dma_wait3A_310 = tpu.memref_slice %arg6[%dma_wait3A_296, %dma_wait3A_308, %dma_wait3A_309] : memref<2x80x128xf32, #tpu.memory_space<vmem>> -> memref<1x80x128xf32, #tpu.memory_space<vmem>>
      %dma_wait3A_311 = tpu.memref_squeeze %dma_wait3A_310 : memref<1x80x128xf32, #tpu.memory_space<vmem>> -> memref<80x128xf32, #tpu.memory_space<vmem>>
      tpu.wait_dma2 semaphore(%dma_wait3A_305 : memref<!tpu.dma_semaphore, #tpu.memory_space<semaphore_mem>>) src(%dma_wait3A_311 : memref<80x128xf32, #tpu.memory_space<vmem>>) dst(%dma_wait3A_307 : memref<80x128xf32, #tpu.memory_space<hbm>>)
    }
    %scan3A_7 = arith.constant 25 : i32
    return
  }
}

#map = affine_map<(d0, d1) -> (0, 0)>
#map1 = affine_map<(d0, d1) -> (0)>
module attributes {stable_mosaic.version = 14 : i64} {
  func.func @body(%arg0: i32, %arg1: i32, %arg2: memref<10000x256xf32, #tpu.memory_space<hbm>>, %arg3: memref<320000xi32, #tpu.memory_space<hbm>>, %arg4: memref<320000x256xf32, #tpu.memory_space<hbm>>, %arg5: memref<10000xi32, #tpu.memory_space<vmem>>, %arg6: memref<2x80x256xf32, #tpu.memory_space<vmem>>, %arg7: memref<2x!tpu.dma_semaphore, #tpu.memory_space<semaphore_mem>>, %arg8: memref<2x!tpu.dma_semaphore, #tpu.memory_space<semaphore_mem>>) attributes {dimension_semantics = [#tpu.dimension_semantics<core_parallel>, #tpu.dimension_semantics<subcore_parallel>], iteration_bounds = array<i64: 2, 16>, scalar_prefetch = 0 : i64, scratch_operands = 4 : i64, tpu.core_type = #tpu.core_type<sc_vector_subcore>, window_params = [{transform_indices = #map}, {transform_indices = #map1}, {transform_indices = #map}]} {
    %mul3A = arith.constant 2 : i32
    %mul3A_0 = arith.muli %arg1, %mul3A : i32
    %add3A = arith.addi %mul3A_0, %arg0 : i32
    %mul3A_1 = arith.constant 10000 : i32
    %mul3A_2 = arith.muli %add3A, %mul3A_1 : i32
    "tpu.region"() ({
      %run_scoped3A = tpu.sem_alloc : memref<!tpu.dma_semaphore, #tpu.memory_space<semaphore_mem>>
      %dma_start3A = tpu.memref_slice %arg3[%mul3A_2] : memref<320000xi32, #tpu.memory_space<hbm>> -> memref<10000xi32, #tpu.memory_space<hbm>>
      %dma_start3A_8 = tpu.memref_slice %arg3[%mul3A_2] : memref<320000xi32, #tpu.memory_space<hbm>> -> memref<10000xi32, #tpu.memory_space<hbm>>
      tpu.enqueue_dma source(%dma_start3A_8 : memref<10000xi32, #tpu.memory_space<hbm>>) target(%arg5 : memref<10000xi32, #tpu.memory_space<vmem>>) target_semaphore(%run_scoped3A : memref<!tpu.dma_semaphore, #tpu.memory_space<semaphore_mem>>)
      %dma_wait3A = tpu.memref_slice %arg3[%mul3A_2] : memref<320000xi32, #tpu.memory_space<hbm>> -> memref<10000xi32, #tpu.memory_space<hbm>>
      %dma_wait3A_9 = tpu.memref_slice %arg3[%mul3A_2] : memref<320000xi32, #tpu.memory_space<hbm>> -> memref<10000xi32, #tpu.memory_space<hbm>>
      tpu.wait_dma2 semaphore(%run_scoped3A : memref<!tpu.dma_semaphore, #tpu.memory_space<semaphore_mem>>) src(%dma_wait3A_9 : memref<10000xi32, #tpu.memory_space<hbm>>) dst(%arg5 : memref<10000xi32, #tpu.memory_space<vmem>>)
      tpu.yield
    }) : () -> ()
    %scan3A = arith.constant 0 : i32
    %scan3A_3 = arith.constant 0 : i32
    %scan3A_4 = arith.constant 25 : i32
    %scan3A_5 = arith.addi %scan3A_3, %scan3A_4 : i32
    %scan3A_6 = arith.constant 1 : i32
    scf.for %scan3A_8 = %scan3A_3 to %scan3A_5 step %scan3A_6  : i32 {
      %mul3A_9 = arith.constant 400 : i32
      %mul3A_10 = arith.muli %scan3A_8, %mul3A_9 : i32
      %add3A_11 = arith.constant 0 : i32
      %add3A_12 = arith.addi %mul3A_10, %add3A_11 : i32
      %dma_start3A = arith.constant 0 : i32
      %dma_start3A_13 = arith.constant 0 : i32
      %dma_start3A_14 = arith.constant 0 : i32
      %dma_start3A_15 = arith.constant 0 : i32
      %dma_start3A_16 = tpu.memref_slice %arg6[%dma_start3A, %dma_start3A_14, %dma_start3A_15] : memref<2x80x256xf32, #tpu.memory_space<vmem>> -> memref<1x80x256xf32, #tpu.memory_space<vmem>>
      %dma_start3A_17 = tpu.memref_squeeze %dma_start3A_16 : memref<1x80x256xf32, #tpu.memory_space<vmem>> -> memref<80x256xf32, #tpu.memory_space<vmem>>
      %dma_start3A_18 = tpu.memref_slice %arg5[%add3A_12] : memref<10000xi32, #tpu.memory_space<vmem>> -> memref<80xi32, #tpu.memory_space<vmem>>
      %dma_start3A_19 = arith.constant 0 : i32
      %dma_start3A_20 = arith.constant 0 : i32
      %dma_start3A_21 = tpu.memref_slice %arg2[%dma_start3A_19, %dma_start3A_20] : memref<10000x256xf32, #tpu.memory_space<hbm>> -> memref<10000x256xf32, #tpu.memory_space<hbm>>
      %dma_start3A_22 = tpu.memref_slice %arg7[%dma_start3A_13] : memref<2x!tpu.dma_semaphore, #tpu.memory_space<semaphore_mem>> -> memref<1x!tpu.dma_semaphore, #tpu.memory_space<semaphore_mem>>
      %dma_start3A_23 = tpu.memref_squeeze %dma_start3A_22 : memref<1x!tpu.dma_semaphore, #tpu.memory_space<semaphore_mem>> -> memref<!tpu.dma_semaphore, #tpu.memory_space<semaphore_mem>>
      tpu.enqueue_indirect_dma source(%dma_start3A_21 : memref<10000x256xf32, #tpu.memory_space<hbm>>) target(%dma_start3A_17 : memref<80x256xf32, #tpu.memory_space<vmem>>) offsets(%dma_start3A_18 : memref<80xi32, #tpu.memory_space<vmem>>) semaphore(%dma_start3A_23 : memref<!tpu.dma_semaphore, #tpu.memory_space<semaphore_mem>>)
      %dma_wait3A = arith.constant 0 : i32
      %dma_wait3A_24 = arith.constant 0 : i32
      %dma_wait3A_25 = arith.constant 0 : i32
      %dma_wait3A_26 = arith.constant 0 : i32
      %dma_wait3A_27 = tpu.memref_slice %arg6[%dma_wait3A, %dma_wait3A_25, %dma_wait3A_26] : memref<2x80x256xf32, #tpu.memory_space<vmem>> -> memref<1x80x256xf32, #tpu.memory_space<vmem>>
      %dma_wait3A_28 = tpu.memref_squeeze %dma_wait3A_27 : memref<1x80x256xf32, #tpu.memory_space<vmem>> -> memref<80x256xf32, #tpu.memory_space<vmem>>
      %dma_wait3A_29 = tpu.memref_slice %arg5[%add3A_12] : memref<10000xi32, #tpu.memory_space<vmem>> -> memref<80xi32, #tpu.memory_space<vmem>>
      %dma_wait3A_30 = arith.constant 0 : i32
      %dma_wait3A_31 = arith.constant 0 : i32
      %dma_wait3A_32 = tpu.memref_slice %arg2[%dma_wait3A_30, %dma_wait3A_31] : memref<10000x256xf32, #tpu.memory_space<hbm>> -> memref<10000x256xf32, #tpu.memory_space<hbm>>
      %dma_wait3A_33 = tpu.memref_slice %arg7[%dma_wait3A_24] : memref<2x!tpu.dma_semaphore, #tpu.memory_space<semaphore_mem>> -> memref<1x!tpu.dma_semaphore, #tpu.memory_space<semaphore_mem>>
      %dma_wait3A_34 = tpu.memref_squeeze %dma_wait3A_33 : memref<1x!tpu.dma_semaphore, #tpu.memory_space<semaphore_mem>> -> memref<!tpu.dma_semaphore, #tpu.memory_space<semaphore_mem>>
      tpu.wait_indirect_dma semaphore(%dma_wait3A_34 : memref<!tpu.dma_semaphore, #tpu.memory_space<semaphore_mem>>) src(%dma_wait3A_32 : memref<10000x256xf32, #tpu.memory_space<hbm>>) dst(%dma_wait3A_28 : memref<80x256xf32, #tpu.memory_space<vmem>>)
      %add3A_35 = arith.addi %mul3A_2, %add3A_12 : i32
      %dma_start3A_36 = arith.constant 0 : i32
      %dma_start3A_37 = arith.constant 0 : i32
      %dma_start3A_38 = arith.constant 0 : i32
      %dma_start3A_39 = arith.constant 0 : i32
      %dma_start3A_40 = tpu.memref_slice %arg6[%dma_start3A_36, %dma_start3A_38, %dma_start3A_39] : memref<2x80x256xf32, #tpu.memory_space<vmem>> -> memref<1x80x256xf32, #tpu.memory_space<vmem>>
      %dma_start3A_41 = tpu.memref_squeeze %dma_start3A_40 : memref<1x80x256xf32, #tpu.memory_space<vmem>> -> memref<80x256xf32, #tpu.memory_space<vmem>>
      %dma_start3A_42 = arith.constant 0 : i32
      %dma_start3A_43 = tpu.memref_slice %arg4[%add3A_35, %dma_start3A_42] : memref<320000x256xf32, #tpu.memory_space<hbm>> -> memref<80x256xf32, #tpu.memory_space<hbm>>
      %dma_start3A_44 = tpu.memref_slice %arg8[%dma_start3A_37] : memref<2x!tpu.dma_semaphore, #tpu.memory_space<semaphore_mem>> -> memref<1x!tpu.dma_semaphore, #tpu.memory_space<semaphore_mem>>
      %dma_start3A_45 = tpu.memref_squeeze %dma_start3A_44 : memref<1x!tpu.dma_semaphore, #tpu.memory_space<semaphore_mem>> -> memref<!tpu.dma_semaphore, #tpu.memory_space<semaphore_mem>>
      %dma_start3A_46 = arith.constant 0 : i32
      %dma_start3A_47 = tpu.memref_slice %arg4[%add3A_35, %dma_start3A_46] : memref<320000x256xf32, #tpu.memory_space<hbm>> -> memref<80x256xf32, #tpu.memory_space<hbm>>
      %dma_start3A_48 = arith.constant 0 : i32
      %dma_start3A_49 = arith.constant 0 : i32
      %dma_start3A_50 = tpu.memref_slice %arg6[%dma_start3A_36, %dma_start3A_48, %dma_start3A_49] : memref<2x80x256xf32, #tpu.memory_space<vmem>> -> memref<1x80x256xf32, #tpu.memory_space<vmem>>
      %dma_start3A_51 = tpu.memref_squeeze %dma_start3A_50 : memref<1x80x256xf32, #tpu.memory_space<vmem>> -> memref<80x256xf32, #tpu.memory_space<vmem>>
      tpu.enqueue_dma source(%dma_start3A_51 : memref<80x256xf32, #tpu.memory_space<vmem>>) target(%dma_start3A_47 : memref<80x256xf32, #tpu.memory_space<hbm>>) target_semaphore(%dma_start3A_45 : memref<!tpu.dma_semaphore, #tpu.memory_space<semaphore_mem>>)
      %mul3A_52 = arith.constant 400 : i32
      %mul3A_53 = arith.muli %scan3A_8, %mul3A_52 : i32
      %add3A_54 = arith.constant 80 : i32
      %add3A_55 = arith.addi %mul3A_53, %add3A_54 : i32
      %dma_start3A_56 = arith.constant 1 : i32
      %dma_start3A_57 = arith.constant 1 : i32
      %dma_start3A_58 = arith.constant 0 : i32
      %dma_start3A_59 = arith.constant 0 : i32
      %dma_start3A_60 = tpu.memref_slice %arg6[%dma_start3A_56, %dma_start3A_58, %dma_start3A_59] : memref<2x80x256xf32, #tpu.memory_space<vmem>> -> memref<1x80x256xf32, #tpu.memory_space<vmem>>
      %dma_start3A_61 = tpu.memref_squeeze %dma_start3A_60 : memref<1x80x256xf32, #tpu.memory_space<vmem>> -> memref<80x256xf32, #tpu.memory_space<vmem>>
      %dma_start3A_62 = tpu.memref_slice %arg5[%add3A_55] : memref<10000xi32, #tpu.memory_space<vmem>> -> memref<80xi32, #tpu.memory_space<vmem>>
      %dma_start3A_63 = arith.constant 0 : i32
      %dma_start3A_64 = arith.constant 0 : i32
      %dma_start3A_65 = tpu.memref_slice %arg2[%dma_start3A_63, %dma_start3A_64] : memref<10000x256xf32, #tpu.memory_space<hbm>> -> memref<10000x256xf32, #tpu.memory_space<hbm>>
      %dma_start3A_66 = tpu.memref_slice %arg7[%dma_start3A_57] : memref<2x!tpu.dma_semaphore, #tpu.memory_space<semaphore_mem>> -> memref<1x!tpu.dma_semaphore, #tpu.memory_space<semaphore_mem>>
      %dma_start3A_67 = tpu.memref_squeeze %dma_start3A_66 : memref<1x!tpu.dma_semaphore, #tpu.memory_space<semaphore_mem>> -> memref<!tpu.dma_semaphore, #tpu.memory_space<semaphore_mem>>
      tpu.enqueue_indirect_dma source(%dma_start3A_65 : memref<10000x256xf32, #tpu.memory_space<hbm>>) target(%dma_start3A_61 : memref<80x256xf32, #tpu.memory_space<vmem>>) offsets(%dma_start3A_62 : memref<80xi32, #tpu.memory_space<vmem>>) semaphore(%dma_start3A_67 : memref<!tpu.dma_semaphore, #tpu.memory_space<semaphore_mem>>)
      %dma_wait3A_68 = arith.constant 1 : i32
      %dma_wait3A_69 = arith.constant 1 : i32
      %dma_wait3A_70 = arith.constant 0 : i32
      %dma_wait3A_71 = arith.constant 0 : i32
      %dma_wait3A_72 = tpu.memref_slice %arg6[%dma_wait3A_68, %dma_wait3A_70, %dma_wait3A_71] : memref<2x80x256xf32, #tpu.memory_space<vmem>> -> memref<1x80x256xf32, #tpu.memory_space<vmem>>
      %dma_wait3A_73 = tpu.memref_squeeze %dma_wait3A_72 : memref<1x80x256xf32, #tpu.memory_space<vmem>> -> memref<80x256xf32, #tpu.memory_space<vmem>>
      %dma_wait3A_74 = tpu.memref_slice %arg5[%add3A_55] : memref<10000xi32, #tpu.memory_space<vmem>> -> memref<80xi32, #tpu.memory_space<vmem>>
      %dma_wait3A_75 = arith.constant 0 : i32
      %dma_wait3A_76 = arith.constant 0 : i32
      %dma_wait3A_77 = tpu.memref_slice %arg2[%dma_wait3A_75, %dma_wait3A_76] : memref<10000x256xf32, #tpu.memory_space<hbm>> -> memref<10000x256xf32, #tpu.memory_space<hbm>>
      %dma_wait3A_78 = tpu.memref_slice %arg7[%dma_wait3A_69] : memref<2x!tpu.dma_semaphore, #tpu.memory_space<semaphore_mem>> -> memref<1x!tpu.dma_semaphore, #tpu.memory_space<semaphore_mem>>
      %dma_wait3A_79 = tpu.memref_squeeze %dma_wait3A_78 : memref<1x!tpu.dma_semaphore, #tpu.memory_space<semaphore_mem>> -> memref<!tpu.dma_semaphore, #tpu.memory_space<semaphore_mem>>
      tpu.wait_indirect_dma semaphore(%dma_wait3A_79 : memref<!tpu.dma_semaphore, #tpu.memory_space<semaphore_mem>>) src(%dma_wait3A_77 : memref<10000x256xf32, #tpu.memory_space<hbm>>) dst(%dma_wait3A_73 : memref<80x256xf32, #tpu.memory_space<vmem>>)
      %add3A_80 = arith.addi %mul3A_2, %add3A_55 : i32
      %dma_start3A_81 = arith.constant 1 : i32
      %dma_start3A_82 = arith.constant 1 : i32
      %dma_start3A_83 = arith.constant 0 : i32
      %dma_start3A_84 = arith.constant 0 : i32
      %dma_start3A_85 = tpu.memref_slice %arg6[%dma_start3A_81, %dma_start3A_83, %dma_start3A_84] : memref<2x80x256xf32, #tpu.memory_space<vmem>> -> memref<1x80x256xf32, #tpu.memory_space<vmem>>
      %dma_start3A_86 = tpu.memref_squeeze %dma_start3A_85 : memref<1x80x256xf32, #tpu.memory_space<vmem>> -> memref<80x256xf32, #tpu.memory_space<vmem>>
      %dma_start3A_87 = arith.constant 0 : i32
      %dma_start3A_88 = tpu.memref_slice %arg4[%add3A_80, %dma_start3A_87] : memref<320000x256xf32, #tpu.memory_space<hbm>> -> memref<80x256xf32, #tpu.memory_space<hbm>>
      %dma_start3A_89 = tpu.memref_slice %arg8[%dma_start3A_82] : memref<2x!tpu.dma_semaphore, #tpu.memory_space<semaphore_mem>> -> memref<1x!tpu.dma_semaphore, #tpu.memory_space<semaphore_mem>>
      %dma_start3A_90 = tpu.memref_squeeze %dma_start3A_89 : memref<1x!tpu.dma_semaphore, #tpu.memory_space<semaphore_mem>> -> memref<!tpu.dma_semaphore, #tpu.memory_space<semaphore_mem>>
      %dma_start3A_91 = arith.constant 0 : i32
      %dma_start3A_92 = tpu.memref_slice %arg4[%add3A_80, %dma_start3A_91] : memref<320000x256xf32, #tpu.memory_space<hbm>> -> memref<80x256xf32, #tpu.memory_space<hbm>>
      %dma_start3A_93 = arith.constant 0 : i32
      %dma_start3A_94 = arith.constant 0 : i32
      %dma_start3A_95 = tpu.memref_slice %arg6[%dma_start3A_81, %dma_start3A_93, %dma_start3A_94] : memref<2x80x256xf32, #tpu.memory_space<vmem>> -> memref<1x80x256xf32, #tpu.memory_space<vmem>>
      %dma_start3A_96 = tpu.memref_squeeze %dma_start3A_95 : memref<1x80x256xf32, #tpu.memory_space<vmem>> -> memref<80x256xf32, #tpu.memory_space<vmem>>
      tpu.enqueue_dma source(%dma_start3A_96 : memref<80x256xf32, #tpu.memory_space<vmem>>) target(%dma_start3A_92 : memref<80x256xf32, #tpu.memory_space<hbm>>) target_semaphore(%dma_start3A_90 : memref<!tpu.dma_semaphore, #tpu.memory_space<semaphore_mem>>)
      %mul3A_97 = arith.constant 400 : i32
      %mul3A_98 = arith.muli %scan3A_8, %mul3A_97 : i32
      %add3A_99 = arith.constant 160 : i32
      %add3A_100 = arith.addi %mul3A_98, %add3A_99 : i32
      %dma_wait3A_101 = arith.constant 0 : i32
      %dma_wait3A_102 = arith.constant 0 : i32
      %dma_wait3A_103 = arith.constant 0 : i32
      %dma_wait3A_104 = arith.constant 0 : i32
      %dma_wait3A_105 = tpu.memref_slice %arg6[%dma_wait3A_101, %dma_wait3A_103, %dma_wait3A_104] : memref<2x80x256xf32, #tpu.memory_space<vmem>> -> memref<1x80x256xf32, #tpu.memory_space<vmem>>
      %dma_wait3A_106 = tpu.memref_squeeze %dma_wait3A_105 : memref<1x80x256xf32, #tpu.memory_space<vmem>> -> memref<80x256xf32, #tpu.memory_space<vmem>>
      %dma_wait3A_107 = arith.constant 0 : i32
      %dma_wait3A_108 = tpu.memref_slice %arg4[%add3A_35, %dma_wait3A_107] : memref<320000x256xf32, #tpu.memory_space<hbm>> -> memref<80x256xf32, #tpu.memory_space<hbm>>
      %dma_wait3A_109 = tpu.memref_slice %arg8[%dma_wait3A_102] : memref<2x!tpu.dma_semaphore, #tpu.memory_space<semaphore_mem>> -> memref<1x!tpu.dma_semaphore, #tpu.memory_space<semaphore_mem>>
      %dma_wait3A_110 = tpu.memref_squeeze %dma_wait3A_109 : memref<1x!tpu.dma_semaphore, #tpu.memory_space<semaphore_mem>> -> memref<!tpu.dma_semaphore, #tpu.memory_space<semaphore_mem>>
      %dma_wait3A_111 = arith.constant 0 : i32
      %dma_wait3A_112 = tpu.memref_slice %arg4[%add3A_35, %dma_wait3A_111] : memref<320000x256xf32, #tpu.memory_space<hbm>> -> memref<80x256xf32, #tpu.memory_space<hbm>>
      %dma_wait3A_113 = arith.constant 0 : i32
      %dma_wait3A_114 = arith.constant 0 : i32
      %dma_wait3A_115 = tpu.memref_slice %arg6[%dma_wait3A_101, %dma_wait3A_113, %dma_wait3A_114] : memref<2x80x256xf32, #tpu.memory_space<vmem>> -> memref<1x80x256xf32, #tpu.memory_space<vmem>>
      %dma_wait3A_116 = tpu.memref_squeeze %dma_wait3A_115 : memref<1x80x256xf32, #tpu.memory_space<vmem>> -> memref<80x256xf32, #tpu.memory_space<vmem>>
      tpu.wait_dma2 semaphore(%dma_wait3A_110 : memref<!tpu.dma_semaphore, #tpu.memory_space<semaphore_mem>>) src(%dma_wait3A_116 : memref<80x256xf32, #tpu.memory_space<vmem>>) dst(%dma_wait3A_112 : memref<80x256xf32, #tpu.memory_space<hbm>>)
      %dma_start3A_117 = arith.constant 0 : i32
      %dma_start3A_118 = arith.constant 0 : i32
      %dma_start3A_119 = arith.constant 0 : i32
      %dma_start3A_120 = arith.constant 0 : i32
      %dma_start3A_121 = tpu.memref_slice %arg6[%dma_start3A_117, %dma_start3A_119, %dma_start3A_120] : memref<2x80x256xf32, #tpu.memory_space<vmem>> -> memref<1x80x256xf32, #tpu.memory_space<vmem>>
      %dma_start3A_122 = tpu.memref_squeeze %dma_start3A_121 : memref<1x80x256xf32, #tpu.memory_space<vmem>> -> memref<80x256xf32, #tpu.memory_space<vmem>>
      %dma_start3A_123 = tpu.memref_slice %arg5[%add3A_100] : memref<10000xi32, #tpu.memory_space<vmem>> -> memref<80xi32, #tpu.memory_space<vmem>>
      %dma_start3A_124 = arith.constant 0 : i32
      %dma_start3A_125 = arith.constant 0 : i32
      %dma_start3A_126 = tpu.memref_slice %arg2[%dma_start3A_124, %dma_start3A_125] : memref<10000x256xf32, #tpu.memory_space<hbm>> -> memref<10000x256xf32, #tpu.memory_space<hbm>>
      %dma_start3A_127 = tpu.memref_slice %arg7[%dma_start3A_118] : memref<2x!tpu.dma_semaphore, #tpu.memory_space<semaphore_mem>> -> memref<1x!tpu.dma_semaphore, #tpu.memory_space<semaphore_mem>>
      %dma_start3A_128 = tpu.memref_squeeze %dma_start3A_127 : memref<1x!tpu.dma_semaphore, #tpu.memory_space<semaphore_mem>> -> memref<!tpu.dma_semaphore, #tpu.memory_space<semaphore_mem>>
      tpu.enqueue_indirect_dma source(%dma_start3A_126 : memref<10000x256xf32, #tpu.memory_space<hbm>>) target(%dma_start3A_122 : memref<80x256xf32, #tpu.memory_space<vmem>>) offsets(%dma_start3A_123 : memref<80xi32, #tpu.memory_space<vmem>>) semaphore(%dma_start3A_128 : memref<!tpu.dma_semaphore, #tpu.memory_space<semaphore_mem>>)
      %dma_wait3A_129 = arith.constant 0 : i32
      %dma_wait3A_130 = arith.constant 0 : i32
      %dma_wait3A_131 = arith.constant 0 : i32
      %dma_wait3A_132 = arith.constant 0 : i32
      %dma_wait3A_133 = tpu.memref_slice %arg6[%dma_wait3A_129, %dma_wait3A_131, %dma_wait3A_132] : memref<2x80x256xf32, #tpu.memory_space<vmem>> -> memref<1x80x256xf32, #tpu.memory_space<vmem>>
      %dma_wait3A_134 = tpu.memref_squeeze %dma_wait3A_133 : memref<1x80x256xf32, #tpu.memory_space<vmem>> -> memref<80x256xf32, #tpu.memory_space<vmem>>
      %dma_wait3A_135 = tpu.memref_slice %arg5[%add3A_100] : memref<10000xi32, #tpu.memory_space<vmem>> -> memref<80xi32, #tpu.memory_space<vmem>>
      %dma_wait3A_136 = arith.constant 0 : i32
      %dma_wait3A_137 = arith.constant 0 : i32
      %dma_wait3A_138 = tpu.memref_slice %arg2[%dma_wait3A_136, %dma_wait3A_137] : memref<10000x256xf32, #tpu.memory_space<hbm>> -> memref<10000x256xf32, #tpu.memory_space<hbm>>
      %dma_wait3A_139 = tpu.memref_slice %arg7[%dma_wait3A_130] : memref<2x!tpu.dma_semaphore, #tpu.memory_space<semaphore_mem>> -> memref<1x!tpu.dma_semaphore, #tpu.memory_space<semaphore_mem>>
      %dma_wait3A_140 = tpu.memref_squeeze %dma_wait3A_139 : memref<1x!tpu.dma_semaphore, #tpu.memory_space<semaphore_mem>> -> memref<!tpu.dma_semaphore, #tpu.memory_space<semaphore_mem>>
      tpu.wait_indirect_dma semaphore(%dma_wait3A_140 : memref<!tpu.dma_semaphore, #tpu.memory_space<semaphore_mem>>) src(%dma_wait3A_138 : memref<10000x256xf32, #tpu.memory_space<hbm>>) dst(%dma_wait3A_134 : memref<80x256xf32, #tpu.memory_space<vmem>>)
      %add3A_141 = arith.addi %mul3A_2, %add3A_100 : i32
      %dma_start3A_142 = arith.constant 0 : i32
      %dma_start3A_143 = arith.constant 0 : i32
      %dma_start3A_144 = arith.constant 0 : i32
      %dma_start3A_145 = arith.constant 0 : i32
      %dma_start3A_146 = tpu.memref_slice %arg6[%dma_start3A_142, %dma_start3A_144, %dma_start3A_145] : memref<2x80x256xf32, #tpu.memory_space<vmem>> -> memref<1x80x256xf32, #tpu.memory_space<vmem>>
      %dma_start3A_147 = tpu.memref_squeeze %dma_start3A_146 : memref<1x80x256xf32, #tpu.memory_space<vmem>> -> memref<80x256xf32, #tpu.memory_space<vmem>>
      %dma_start3A_148 = arith.constant 0 : i32
      %dma_start3A_149 = tpu.memref_slice %arg4[%add3A_141, %dma_start3A_148] : memref<320000x256xf32, #tpu.memory_space<hbm>> -> memref<80x256xf32, #tpu.memory_space<hbm>>
      %dma_start3A_150 = tpu.memref_slice %arg8[%dma_start3A_143] : memref<2x!tpu.dma_semaphore, #tpu.memory_space<semaphore_mem>> -> memref<1x!tpu.dma_semaphore, #tpu.memory_space<semaphore_mem>>
      %dma_start3A_151 = tpu.memref_squeeze %dma_start3A_150 : memref<1x!tpu.dma_semaphore, #tpu.memory_space<semaphore_mem>> -> memref<!tpu.dma_semaphore, #tpu.memory_space<semaphore_mem>>
      %dma_start3A_152 = arith.constant 0 : i32
      %dma_start3A_153 = tpu.memref_slice %arg4[%add3A_141, %dma_start3A_152] : memref<320000x256xf32, #tpu.memory_space<hbm>> -> memref<80x256xf32, #tpu.memory_space<hbm>>
      %dma_start3A_154 = arith.constant 0 : i32
      %dma_start3A_155 = arith.constant 0 : i32
      %dma_start3A_156 = tpu.memref_slice %arg6[%dma_start3A_142, %dma_start3A_154, %dma_start3A_155] : memref<2x80x256xf32, #tpu.memory_space<vmem>> -> memref<1x80x256xf32, #tpu.memory_space<vmem>>
      %dma_start3A_157 = tpu.memref_squeeze %dma_start3A_156 : memref<1x80x256xf32, #tpu.memory_space<vmem>> -> memref<80x256xf32, #tpu.memory_space<vmem>>
      tpu.enqueue_dma source(%dma_start3A_157 : memref<80x256xf32, #tpu.memory_space<vmem>>) target(%dma_start3A_153 : memref<80x256xf32, #tpu.memory_space<hbm>>) target_semaphore(%dma_start3A_151 : memref<!tpu.dma_semaphore, #tpu.memory_space<semaphore_mem>>)
      %mul3A_158 = arith.constant 400 : i32
      %mul3A_159 = arith.muli %scan3A_8, %mul3A_158 : i32
      %add3A_160 = arith.constant 240 : i32
      %add3A_161 = arith.addi %mul3A_159, %add3A_160 : i32
      %dma_wait3A_162 = arith.constant 1 : i32
      %dma_wait3A_163 = arith.constant 1 : i32
      %dma_wait3A_164 = arith.constant 0 : i32
      %dma_wait3A_165 = arith.constant 0 : i32
      %dma_wait3A_166 = tpu.memref_slice %arg6[%dma_wait3A_162, %dma_wait3A_164, %dma_wait3A_165] : memref<2x80x256xf32, #tpu.memory_space<vmem>> -> memref<1x80x256xf32, #tpu.memory_space<vmem>>
      %dma_wait3A_167 = tpu.memref_squeeze %dma_wait3A_166 : memref<1x80x256xf32, #tpu.memory_space<vmem>> -> memref<80x256xf32, #tpu.memory_space<vmem>>
      %dma_wait3A_168 = arith.constant 0 : i32
      %dma_wait3A_169 = tpu.memref_slice %arg4[%add3A_80, %dma_wait3A_168] : memref<320000x256xf32, #tpu.memory_space<hbm>> -> memref<80x256xf32, #tpu.memory_space<hbm>>
      %dma_wait3A_170 = tpu.memref_slice %arg8[%dma_wait3A_163] : memref<2x!tpu.dma_semaphore, #tpu.memory_space<semaphore_mem>> -> memref<1x!tpu.dma_semaphore, #tpu.memory_space<semaphore_mem>>
      %dma_wait3A_171 = tpu.memref_squeeze %dma_wait3A_170 : memref<1x!tpu.dma_semaphore, #tpu.memory_space<semaphore_mem>> -> memref<!tpu.dma_semaphore, #tpu.memory_space<semaphore_mem>>
      %dma_wait3A_172 = arith.constant 0 : i32
      %dma_wait3A_173 = tpu.memref_slice %arg4[%add3A_80, %dma_wait3A_172] : memref<320000x256xf32, #tpu.memory_space<hbm>> -> memref<80x256xf32, #tpu.memory_space<hbm>>
      %dma_wait3A_174 = arith.constant 0 : i32
      %dma_wait3A_175 = arith.constant 0 : i32
      %dma_wait3A_176 = tpu.memref_slice %arg6[%dma_wait3A_162, %dma_wait3A_174, %dma_wait3A_175] : memref<2x80x256xf32, #tpu.memory_space<vmem>> -> memref<1x80x256xf32, #tpu.memory_space<vmem>>
      %dma_wait3A_177 = tpu.memref_squeeze %dma_wait3A_176 : memref<1x80x256xf32, #tpu.memory_space<vmem>> -> memref<80x256xf32, #tpu.memory_space<vmem>>
      tpu.wait_dma2 semaphore(%dma_wait3A_171 : memref<!tpu.dma_semaphore, #tpu.memory_space<semaphore_mem>>) src(%dma_wait3A_177 : memref<80x256xf32, #tpu.memory_space<vmem>>) dst(%dma_wait3A_173 : memref<80x256xf32, #tpu.memory_space<hbm>>)
      %dma_start3A_178 = arith.constant 1 : i32
      %dma_start3A_179 = arith.constant 1 : i32
      %dma_start3A_180 = arith.constant 0 : i32
      %dma_start3A_181 = arith.constant 0 : i32
      %dma_start3A_182 = tpu.memref_slice %arg6[%dma_start3A_178, %dma_start3A_180, %dma_start3A_181] : memref<2x80x256xf32, #tpu.memory_space<vmem>> -> memref<1x80x256xf32, #tpu.memory_space<vmem>>
      %dma_start3A_183 = tpu.memref_squeeze %dma_start3A_182 : memref<1x80x256xf32, #tpu.memory_space<vmem>> -> memref<80x256xf32, #tpu.memory_space<vmem>>
      %dma_start3A_184 = tpu.memref_slice %arg5[%add3A_161] : memref<10000xi32, #tpu.memory_space<vmem>> -> memref<80xi32, #tpu.memory_space<vmem>>
      %dma_start3A_185 = arith.constant 0 : i32
      %dma_start3A_186 = arith.constant 0 : i32
      %dma_start3A_187 = tpu.memref_slice %arg2[%dma_start3A_185, %dma_start3A_186] : memref<10000x256xf32, #tpu.memory_space<hbm>> -> memref<10000x256xf32, #tpu.memory_space<hbm>>
      %dma_start3A_188 = tpu.memref_slice %arg7[%dma_start3A_179] : memref<2x!tpu.dma_semaphore, #tpu.memory_space<semaphore_mem>> -> memref<1x!tpu.dma_semaphore, #tpu.memory_space<semaphore_mem>>
      %dma_start3A_189 = tpu.memref_squeeze %dma_start3A_188 : memref<1x!tpu.dma_semaphore, #tpu.memory_space<semaphore_mem>> -> memref<!tpu.dma_semaphore, #tpu.memory_space<semaphore_mem>>
      tpu.enqueue_indirect_dma source(%dma_start3A_187 : memref<10000x256xf32, #tpu.memory_space<hbm>>) target(%dma_start3A_183 : memref<80x256xf32, #tpu.memory_space<vmem>>) offsets(%dma_start3A_184 : memref<80xi32, #tpu.memory_space<vmem>>) semaphore(%dma_start3A_189 : memref<!tpu.dma_semaphore, #tpu.memory_space<semaphore_mem>>)
      %dma_wait3A_190 = arith.constant 1 : i32
      %dma_wait3A_191 = arith.constant 1 : i32
      %dma_wait3A_192 = arith.constant 0 : i32
      %dma_wait3A_193 = arith.constant 0 : i32
      %dma_wait3A_194 = tpu.memref_slice %arg6[%dma_wait3A_190, %dma_wait3A_192, %dma_wait3A_193] : memref<2x80x256xf32, #tpu.memory_space<vmem>> -> memref<1x80x256xf32, #tpu.memory_space<vmem>>
      %dma_wait3A_195 = tpu.memref_squeeze %dma_wait3A_194 : memref<1x80x256xf32, #tpu.memory_space<vmem>> -> memref<80x256xf32, #tpu.memory_space<vmem>>
      %dma_wait3A_196 = tpu.memref_slice %arg5[%add3A_161] : memref<10000xi32, #tpu.memory_space<vmem>> -> memref<80xi32, #tpu.memory_space<vmem>>
      %dma_wait3A_197 = arith.constant 0 : i32
      %dma_wait3A_198 = arith.constant 0 : i32
      %dma_wait3A_199 = tpu.memref_slice %arg2[%dma_wait3A_197, %dma_wait3A_198] : memref<10000x256xf32, #tpu.memory_space<hbm>> -> memref<10000x256xf32, #tpu.memory_space<hbm>>
      %dma_wait3A_200 = tpu.memref_slice %arg7[%dma_wait3A_191] : memref<2x!tpu.dma_semaphore, #tpu.memory_space<semaphore_mem>> -> memref<1x!tpu.dma_semaphore, #tpu.memory_space<semaphore_mem>>
      %dma_wait3A_201 = tpu.memref_squeeze %dma_wait3A_200 : memref<1x!tpu.dma_semaphore, #tpu.memory_space<semaphore_mem>> -> memref<!tpu.dma_semaphore, #tpu.memory_space<semaphore_mem>>
      tpu.wait_indirect_dma semaphore(%dma_wait3A_201 : memref<!tpu.dma_semaphore, #tpu.memory_space<semaphore_mem>>) src(%dma_wait3A_199 : memref<10000x256xf32, #tpu.memory_space<hbm>>) dst(%dma_wait3A_195 : memref<80x256xf32, #tpu.memory_space<vmem>>)
      %add3A_202 = arith.addi %mul3A_2, %add3A_161 : i32
      %dma_start3A_203 = arith.constant 1 : i32
      %dma_start3A_204 = arith.constant 1 : i32
      %dma_start3A_205 = arith.constant 0 : i32
      %dma_start3A_206 = arith.constant 0 : i32
      %dma_start3A_207 = tpu.memref_slice %arg6[%dma_start3A_203, %dma_start3A_205, %dma_start3A_206] : memref<2x80x256xf32, #tpu.memory_space<vmem>> -> memref<1x80x256xf32, #tpu.memory_space<vmem>>
      %dma_start3A_208 = tpu.memref_squeeze %dma_start3A_207 : memref<1x80x256xf32, #tpu.memory_space<vmem>> -> memref<80x256xf32, #tpu.memory_space<vmem>>
      %dma_start3A_209 = arith.constant 0 : i32
      %dma_start3A_210 = tpu.memref_slice %arg4[%add3A_202, %dma_start3A_209] : memref<320000x256xf32, #tpu.memory_space<hbm>> -> memref<80x256xf32, #tpu.memory_space<hbm>>
      %dma_start3A_211 = tpu.memref_slice %arg8[%dma_start3A_204] : memref<2x!tpu.dma_semaphore, #tpu.memory_space<semaphore_mem>> -> memref<1x!tpu.dma_semaphore, #tpu.memory_space<semaphore_mem>>
      %dma_start3A_212 = tpu.memref_squeeze %dma_start3A_211 : memref<1x!tpu.dma_semaphore, #tpu.memory_space<semaphore_mem>> -> memref<!tpu.dma_semaphore, #tpu.memory_space<semaphore_mem>>
      %dma_start3A_213 = arith.constant 0 : i32
      %dma_start3A_214 = tpu.memref_slice %arg4[%add3A_202, %dma_start3A_213] : memref<320000x256xf32, #tpu.memory_space<hbm>> -> memref<80x256xf32, #tpu.memory_space<hbm>>
      %dma_start3A_215 = arith.constant 0 : i32
      %dma_start3A_216 = arith.constant 0 : i32
      %dma_start3A_217 = tpu.memref_slice %arg6[%dma_start3A_203, %dma_start3A_215, %dma_start3A_216] : memref<2x80x256xf32, #tpu.memory_space<vmem>> -> memref<1x80x256xf32, #tpu.memory_space<vmem>>
      %dma_start3A_218 = tpu.memref_squeeze %dma_start3A_217 : memref<1x80x256xf32, #tpu.memory_space<vmem>> -> memref<80x256xf32, #tpu.memory_space<vmem>>
      tpu.enqueue_dma source(%dma_start3A_218 : memref<80x256xf32, #tpu.memory_space<vmem>>) target(%dma_start3A_214 : memref<80x256xf32, #tpu.memory_space<hbm>>) target_semaphore(%dma_start3A_212 : memref<!tpu.dma_semaphore, #tpu.memory_space<semaphore_mem>>)
      %mul3A_219 = arith.constant 400 : i32
      %mul3A_220 = arith.muli %scan3A_8, %mul3A_219 : i32
      %add3A_221 = arith.constant 320 : i32
      %add3A_222 = arith.addi %mul3A_220, %add3A_221 : i32
      %dma_wait3A_223 = arith.constant 0 : i32
      %dma_wait3A_224 = arith.constant 0 : i32
      %dma_wait3A_225 = arith.constant 0 : i32
      %dma_wait3A_226 = arith.constant 0 : i32
      %dma_wait3A_227 = tpu.memref_slice %arg6[%dma_wait3A_223, %dma_wait3A_225, %dma_wait3A_226] : memref<2x80x256xf32, #tpu.memory_space<vmem>> -> memref<1x80x256xf32, #tpu.memory_space<vmem>>
      %dma_wait3A_228 = tpu.memref_squeeze %dma_wait3A_227 : memref<1x80x256xf32, #tpu.memory_space<vmem>> -> memref<80x256xf32, #tpu.memory_space<vmem>>
      %dma_wait3A_229 = arith.constant 0 : i32
      %dma_wait3A_230 = tpu.memref_slice %arg4[%add3A_141, %dma_wait3A_229] : memref<320000x256xf32, #tpu.memory_space<hbm>> -> memref<80x256xf32, #tpu.memory_space<hbm>>
      %dma_wait3A_231 = tpu.memref_slice %arg8[%dma_wait3A_224] : memref<2x!tpu.dma_semaphore, #tpu.memory_space<semaphore_mem>> -> memref<1x!tpu.dma_semaphore, #tpu.memory_space<semaphore_mem>>
      %dma_wait3A_232 = tpu.memref_squeeze %dma_wait3A_231 : memref<1x!tpu.dma_semaphore, #tpu.memory_space<semaphore_mem>> -> memref<!tpu.dma_semaphore, #tpu.memory_space<semaphore_mem>>
      %dma_wait3A_233 = arith.constant 0 : i32
      %dma_wait3A_234 = tpu.memref_slice %arg4[%add3A_141, %dma_wait3A_233] : memref<320000x256xf32, #tpu.memory_space<hbm>> -> memref<80x256xf32, #tpu.memory_space<hbm>>
      %dma_wait3A_235 = arith.constant 0 : i32
      %dma_wait3A_236 = arith.constant 0 : i32
      %dma_wait3A_237 = tpu.memref_slice %arg6[%dma_wait3A_223, %dma_wait3A_235, %dma_wait3A_236] : memref<2x80x256xf32, #tpu.memory_space<vmem>> -> memref<1x80x256xf32, #tpu.memory_space<vmem>>
      %dma_wait3A_238 = tpu.memref_squeeze %dma_wait3A_237 : memref<1x80x256xf32, #tpu.memory_space<vmem>> -> memref<80x256xf32, #tpu.memory_space<vmem>>
      tpu.wait_dma2 semaphore(%dma_wait3A_232 : memref<!tpu.dma_semaphore, #tpu.memory_space<semaphore_mem>>) src(%dma_wait3A_238 : memref<80x256xf32, #tpu.memory_space<vmem>>) dst(%dma_wait3A_234 : memref<80x256xf32, #tpu.memory_space<hbm>>)
      %dma_start3A_239 = arith.constant 0 : i32
      %dma_start3A_240 = arith.constant 0 : i32
      %dma_start3A_241 = arith.constant 0 : i32
      %dma_start3A_242 = arith.constant 0 : i32
      %dma_start3A_243 = tpu.memref_slice %arg6[%dma_start3A_239, %dma_start3A_241, %dma_start3A_242] : memref<2x80x256xf32, #tpu.memory_space<vmem>> -> memref<1x80x256xf32, #tpu.memory_space<vmem>>
      %dma_start3A_244 = tpu.memref_squeeze %dma_start3A_243 : memref<1x80x256xf32, #tpu.memory_space<vmem>> -> memref<80x256xf32, #tpu.memory_space<vmem>>
      %dma_start3A_245 = tpu.memref_slice %arg5[%add3A_222] : memref<10000xi32, #tpu.memory_space<vmem>> -> memref<80xi32, #tpu.memory_space<vmem>>
      %dma_start3A_246 = arith.constant 0 : i32
      %dma_start3A_247 = arith.constant 0 : i32
      %dma_start3A_248 = tpu.memref_slice %arg2[%dma_start3A_246, %dma_start3A_247] : memref<10000x256xf32, #tpu.memory_space<hbm>> -> memref<10000x256xf32, #tpu.memory_space<hbm>>
      %dma_start3A_249 = tpu.memref_slice %arg7[%dma_start3A_240] : memref<2x!tpu.dma_semaphore, #tpu.memory_space<semaphore_mem>> -> memref<1x!tpu.dma_semaphore, #tpu.memory_space<semaphore_mem>>
      %dma_start3A_250 = tpu.memref_squeeze %dma_start3A_249 : memref<1x!tpu.dma_semaphore, #tpu.memory_space<semaphore_mem>> -> memref<!tpu.dma_semaphore, #tpu.memory_space<semaphore_mem>>
      tpu.enqueue_indirect_dma source(%dma_start3A_248 : memref<10000x256xf32, #tpu.memory_space<hbm>>) target(%dma_start3A_244 : memref<80x256xf32, #tpu.memory_space<vmem>>) offsets(%dma_start3A_245 : memref<80xi32, #tpu.memory_space<vmem>>) semaphore(%dma_start3A_250 : memref<!tpu.dma_semaphore, #tpu.memory_space<semaphore_mem>>)
      %dma_wait3A_251 = arith.constant 0 : i32
      %dma_wait3A_252 = arith.constant 0 : i32
      %dma_wait3A_253 = arith.constant 0 : i32
      %dma_wait3A_254 = arith.constant 0 : i32
      %dma_wait3A_255 = tpu.memref_slice %arg6[%dma_wait3A_251, %dma_wait3A_253, %dma_wait3A_254] : memref<2x80x256xf32, #tpu.memory_space<vmem>> -> memref<1x80x256xf32, #tpu.memory_space<vmem>>
      %dma_wait3A_256 = tpu.memref_squeeze %dma_wait3A_255 : memref<1x80x256xf32, #tpu.memory_space<vmem>> -> memref<80x256xf32, #tpu.memory_space<vmem>>
      %dma_wait3A_257 = tpu.memref_slice %arg5[%add3A_222] : memref<10000xi32, #tpu.memory_space<vmem>> -> memref<80xi32, #tpu.memory_space<vmem>>
      %dma_wait3A_258 = arith.constant 0 : i32
      %dma_wait3A_259 = arith.constant 0 : i32
      %dma_wait3A_260 = tpu.memref_slice %arg2[%dma_wait3A_258, %dma_wait3A_259] : memref<10000x256xf32, #tpu.memory_space<hbm>> -> memref<10000x256xf32, #tpu.memory_space<hbm>>
      %dma_wait3A_261 = tpu.memref_slice %arg7[%dma_wait3A_252] : memref<2x!tpu.dma_semaphore, #tpu.memory_space<semaphore_mem>> -> memref<1x!tpu.dma_semaphore, #tpu.memory_space<semaphore_mem>>
      %dma_wait3A_262 = tpu.memref_squeeze %dma_wait3A_261 : memref<1x!tpu.dma_semaphore, #tpu.memory_space<semaphore_mem>> -> memref<!tpu.dma_semaphore, #tpu.memory_space<semaphore_mem>>
      tpu.wait_indirect_dma semaphore(%dma_wait3A_262 : memref<!tpu.dma_semaphore, #tpu.memory_space<semaphore_mem>>) src(%dma_wait3A_260 : memref<10000x256xf32, #tpu.memory_space<hbm>>) dst(%dma_wait3A_256 : memref<80x256xf32, #tpu.memory_space<vmem>>)
      %add3A_263 = arith.addi %mul3A_2, %add3A_222 : i32
      %dma_start3A_264 = arith.constant 0 : i32
      %dma_start3A_265 = arith.constant 0 : i32
      %dma_start3A_266 = arith.constant 0 : i32
      %dma_start3A_267 = arith.constant 0 : i32
      %dma_start3A_268 = tpu.memref_slice %arg6[%dma_start3A_264, %dma_start3A_266, %dma_start3A_267] : memref<2x80x256xf32, #tpu.memory_space<vmem>> -> memref<1x80x256xf32, #tpu.memory_space<vmem>>
      %dma_start3A_269 = tpu.memref_squeeze %dma_start3A_268 : memref<1x80x256xf32, #tpu.memory_space<vmem>> -> memref<80x256xf32, #tpu.memory_space<vmem>>
      %dma_start3A_270 = arith.constant 0 : i32
      %dma_start3A_271 = tpu.memref_slice %arg4[%add3A_263, %dma_start3A_270] : memref<320000x256xf32, #tpu.memory_space<hbm>> -> memref<80x256xf32, #tpu.memory_space<hbm>>
      %dma_start3A_272 = tpu.memref_slice %arg8[%dma_start3A_265] : memref<2x!tpu.dma_semaphore, #tpu.memory_space<semaphore_mem>> -> memref<1x!tpu.dma_semaphore, #tpu.memory_space<semaphore_mem>>
      %dma_start3A_273 = tpu.memref_squeeze %dma_start3A_272 : memref<1x!tpu.dma_semaphore, #tpu.memory_space<semaphore_mem>> -> memref<!tpu.dma_semaphore, #tpu.memory_space<semaphore_mem>>
      %dma_start3A_274 = arith.constant 0 : i32
      %dma_start3A_275 = tpu.memref_slice %arg4[%add3A_263, %dma_start3A_274] : memref<320000x256xf32, #tpu.memory_space<hbm>> -> memref<80x256xf32, #tpu.memory_space<hbm>>
      %dma_start3A_276 = arith.constant 0 : i32
      %dma_start3A_277 = arith.constant 0 : i32
      %dma_start3A_278 = tpu.memref_slice %arg6[%dma_start3A_264, %dma_start3A_276, %dma_start3A_277] : memref<2x80x256xf32, #tpu.memory_space<vmem>> -> memref<1x80x256xf32, #tpu.memory_space<vmem>>
      %dma_start3A_279 = tpu.memref_squeeze %dma_start3A_278 : memref<1x80x256xf32, #tpu.memory_space<vmem>> -> memref<80x256xf32, #tpu.memory_space<vmem>>
      tpu.enqueue_dma source(%dma_start3A_279 : memref<80x256xf32, #tpu.memory_space<vmem>>) target(%dma_start3A_275 : memref<80x256xf32, #tpu.memory_space<hbm>>) target_semaphore(%dma_start3A_273 : memref<!tpu.dma_semaphore, #tpu.memory_space<semaphore_mem>>)
      %dma_wait3A_280 = arith.constant 0 : i32
      %dma_wait3A_281 = arith.constant 0 : i32
      %dma_wait3A_282 = arith.constant 0 : i32
      %dma_wait3A_283 = arith.constant 0 : i32
      %dma_wait3A_284 = tpu.memref_slice %arg6[%dma_wait3A_280, %dma_wait3A_282, %dma_wait3A_283] : memref<2x80x256xf32, #tpu.memory_space<vmem>> -> memref<1x80x256xf32, #tpu.memory_space<vmem>>
      %dma_wait3A_285 = tpu.memref_squeeze %dma_wait3A_284 : memref<1x80x256xf32, #tpu.memory_space<vmem>> -> memref<80x256xf32, #tpu.memory_space<vmem>>
      %dma_wait3A_286 = arith.constant 0 : i32
      %dma_wait3A_287 = tpu.memref_slice %arg4[%add3A_263, %dma_wait3A_286] : memref<320000x256xf32, #tpu.memory_space<hbm>> -> memref<80x256xf32, #tpu.memory_space<hbm>>
      %dma_wait3A_288 = tpu.memref_slice %arg8[%dma_wait3A_281] : memref<2x!tpu.dma_semaphore, #tpu.memory_space<semaphore_mem>> -> memref<1x!tpu.dma_semaphore, #tpu.memory_space<semaphore_mem>>
      %dma_wait3A_289 = tpu.memref_squeeze %dma_wait3A_288 : memref<1x!tpu.dma_semaphore, #tpu.memory_space<semaphore_mem>> -> memref<!tpu.dma_semaphore, #tpu.memory_space<semaphore_mem>>
      %dma_wait3A_290 = arith.constant 0 : i32
      %dma_wait3A_291 = tpu.memref_slice %arg4[%add3A_263, %dma_wait3A_290] : memref<320000x256xf32, #tpu.memory_space<hbm>> -> memref<80x256xf32, #tpu.memory_space<hbm>>
      %dma_wait3A_292 = arith.constant 0 : i32
      %dma_wait3A_293 = arith.constant 0 : i32
      %dma_wait3A_294 = tpu.memref_slice %arg6[%dma_wait3A_280, %dma_wait3A_292, %dma_wait3A_293] : memref<2x80x256xf32, #tpu.memory_space<vmem>> -> memref<1x80x256xf32, #tpu.memory_space<vmem>>
      %dma_wait3A_295 = tpu.memref_squeeze %dma_wait3A_294 : memref<1x80x256xf32, #tpu.memory_space<vmem>> -> memref<80x256xf32, #tpu.memory_space<vmem>>
      tpu.wait_dma2 semaphore(%dma_wait3A_289 : memref<!tpu.dma_semaphore, #tpu.memory_space<semaphore_mem>>) src(%dma_wait3A_295 : memref<80x256xf32, #tpu.memory_space<vmem>>) dst(%dma_wait3A_291 : memref<80x256xf32, #tpu.memory_space<hbm>>)
      %dma_wait3A_296 = arith.constant 1 : i32
      %dma_wait3A_297 = arith.constant 1 : i32
      %dma_wait3A_298 = arith.constant 0 : i32
      %dma_wait3A_299 = arith.constant 0 : i32
      %dma_wait3A_300 = tpu.memref_slice %arg6[%dma_wait3A_296, %dma_wait3A_298, %dma_wait3A_299] : memref<2x80x256xf32, #tpu.memory_space<vmem>> -> memref<1x80x256xf32, #tpu.memory_space<vmem>>
      %dma_wait3A_301 = tpu.memref_squeeze %dma_wait3A_300 : memref<1x80x256xf32, #tpu.memory_space<vmem>> -> memref<80x256xf32, #tpu.memory_space<vmem>>
      %dma_wait3A_302 = arith.constant 0 : i32
      %dma_wait3A_303 = tpu.memref_slice %arg4[%add3A_202, %dma_wait3A_302] : memref<320000x256xf32, #tpu.memory_space<hbm>> -> memref<80x256xf32, #tpu.memory_space<hbm>>
      %dma_wait3A_304 = tpu.memref_slice %arg8[%dma_wait3A_297] : memref<2x!tpu.dma_semaphore, #tpu.memory_space<semaphore_mem>> -> memref<1x!tpu.dma_semaphore, #tpu.memory_space<semaphore_mem>>
      %dma_wait3A_305 = tpu.memref_squeeze %dma_wait3A_304 : memref<1x!tpu.dma_semaphore, #tpu.memory_space<semaphore_mem>> -> memref<!tpu.dma_semaphore, #tpu.memory_space<semaphore_mem>>
      %dma_wait3A_306 = arith.constant 0 : i32
      %dma_wait3A_307 = tpu.memref_slice %arg4[%add3A_202, %dma_wait3A_306] : memref<320000x256xf32, #tpu.memory_space<hbm>> -> memref<80x256xf32, #tpu.memory_space<hbm>>
      %dma_wait3A_308 = arith.constant 0 : i32
      %dma_wait3A_309 = arith.constant 0 : i32
      %dma_wait3A_310 = tpu.memref_slice %arg6[%dma_wait3A_296, %dma_wait3A_308, %dma_wait3A_309] : memref<2x80x256xf32, #tpu.memory_space<vmem>> -> memref<1x80x256xf32, #tpu.memory_space<vmem>>
      %dma_wait3A_311 = tpu.memref_squeeze %dma_wait3A_310 : memref<1x80x256xf32, #tpu.memory_space<vmem>> -> memref<80x256xf32, #tpu.memory_space<vmem>>
      tpu.wait_dma2 semaphore(%dma_wait3A_305 : memref<!tpu.dma_semaphore, #tpu.memory_space<semaphore_mem>>) src(%dma_wait3A_311 : memref<80x256xf32, #tpu.memory_space<vmem>>) dst(%dma_wait3A_307 : memref<80x256xf32, #tpu.memory_space<hbm>>)
    }
    %scan3A_7 = arith.constant 25 : i32
    return
  }
}

#map = affine_map<(d0, d1) -> (0, 0, 0)>
#map1 = affine_map<(d0, d1) -> (0, 0)>
module attributes {stable_mosaic.version = 14 : i64} {
  func.func @body(%arg0: i32, %arg1: i32, %arg2: memref<2x320000x128xf32, #tpu.memory_space<hbm>>, %arg3: memref<16x250x80xi32, #tpu.memory_space<hbm>>, %arg4: memref<1000x128xf32, #tpu.memory_space<hbm>>, %arg5: memref<2x10000x128xf32, #tpu.memory_space<hbm>>, %arg6: memref<80xi32, #tpu.memory_space<vmem>>, %arg7: memref<80xi32, #tpu.memory_space<vmem>>, %arg8: memref<2x80x128xf32, #tpu.memory_space<vmem>>, %arg9: memref<2x!tpu.dma_semaphore, #tpu.memory_space<semaphore_mem>>, %arg10: memref<2x!tpu.dma_semaphore, #tpu.memory_space<semaphore_mem>>, %arg11: memref<10000x128xf32, #tpu.memory_space<vmem_shared>>) attributes {dimension_semantics = [#tpu.dimension_semantics<core_parallel>, #tpu.dimension_semantics<subcore_parallel>], iteration_bounds = array<i64: 2, 16>, scalar_prefetch = 0 : i64, scratch_operands = 6 : i64, tpu.core_type = #tpu.core_type<sc_vector_subcore>, window_params = [{transform_indices = #map}, {transform_indices = #map}, {transform_indices = #map1}, {transform_indices = #map}]} {
    %lt3A = arith.constant 10 : i32
    %lt3A_0 = arith.cmpi slt, %arg1, %lt3A : i32
    %convert_element_type3A = arith.extui %lt3A_0 : i1 to i32
    %cond3A = arith.constant 0 : i32
    %cond3A_1 = arith.cmpi ne, %convert_element_type3A, %cond3A : i32
    scf.if %cond3A_1 {
      %mul3A_100 = arith.constant 1000 : i32
      %mul3A_101 = arith.muli %arg1, %mul3A_100 : i32
      "tpu.region"() ({
        %run_scoped3A = tpu.sem_alloc : memref<!tpu.dma_semaphore, #tpu.memory_space<semaphore_mem>>
        %dma_start3A_102 = arith.constant 0 : i32
        %dma_start3A_103 = tpu.memref_slice %arg11[%mul3A_101, %dma_start3A_102] : memref<10000x128xf32, #tpu.memory_space<vmem_shared>> -> memref<1000x128xf32, #tpu.memory_space<vmem_shared>>
        tpu.enqueue_dma source(%arg4 : memref<1000x128xf32, #tpu.memory_space<hbm>>) target(%dma_start3A_103 : memref<1000x128xf32, #tpu.memory_space<vmem_shared>>) target_semaphore(%run_scoped3A : memref<!tpu.dma_semaphore, #tpu.memory_space<semaphore_mem>>)
        %dma_wait3A = arith.constant 0 : i32
        %dma_wait3A_104 = tpu.memref_slice %arg11[%mul3A_101, %dma_wait3A] : memref<10000x128xf32, #tpu.memory_space<vmem_shared>> -> memref<1000x128xf32, #tpu.memory_space<vmem_shared>>
        tpu.wait_dma2 semaphore(%run_scoped3A : memref<!tpu.dma_semaphore, #tpu.memory_space<semaphore_mem>>) src(%arg4 : memref<1000x128xf32, #tpu.memory_space<hbm>>) dst(%dma_wait3A_104 : memref<1000x128xf32, #tpu.memory_space<vmem_shared>>)
        tpu.yield
      }) : () -> ()
    } else {
    }
    %barrier3A = arith.constant 0 : index
    tpu.barrier barrier_id(%barrier3A)
    %mul3A = arith.constant 20000 : i32
    %mul3A_2 = arith.muli %arg1, %mul3A : i32
    %dma_start3A = arith.constant 0 : i32
    %dma_start3A_3 = arith.constant 0 : i32
    %dma_start3A_4 = arith.constant 0 : i32
    %dma_start3A_5 = arith.constant 0 : i32
    %dma_start3A_6 = tpu.memref_slice %arg3[%arg1, %dma_start3A_4, %dma_start3A_5] : memref<16x250x80xi32, #tpu.memory_space<hbm>> -> memref<1x250x80xi32, #tpu.memory_space<hbm>>
    %dma_start3A_7 = tpu.memref_squeeze %dma_start3A_6 : memref<1x250x80xi32, #tpu.memory_space<hbm>> -> memref<250x80xi32, #tpu.memory_space<hbm>>
    %dma_start3A_8 = arith.constant 0 : i32
    %dma_start3A_9 = tpu.memref_slice %dma_start3A_7[%dma_start3A, %dma_start3A_8] : memref<250x80xi32, #tpu.memory_space<hbm>> -> memref<1x80xi32, #tpu.memory_space<hbm>>
    %dma_start3A_10 = tpu.memref_squeeze %dma_start3A_9 : memref<1x80xi32, #tpu.memory_space<hbm>> -> memref<80xi32, #tpu.memory_space<hbm>>
    %dma_start3A_11 = tpu.memref_slice %arg9[%dma_start3A_3] : memref<2x!tpu.dma_semaphore, #tpu.memory_space<semaphore_mem>> -> memref<1x!tpu.dma_semaphore, #tpu.memory_space<semaphore_mem>>
    %dma_start3A_12 = tpu.memref_squeeze %dma_start3A_11 : memref<1x!tpu.dma_semaphore, #tpu.memory_space<semaphore_mem>> -> memref<!tpu.dma_semaphore, #tpu.memory_space<semaphore_mem>>
    %dma_start3A_13 = arith.constant 0 : i32
    %dma_start3A_14 = arith.constant 0 : i32
    %dma_start3A_15 = tpu.memref_slice %arg3[%arg1, %dma_start3A_13, %dma_start3A_14] : memref<16x250x80xi32, #tpu.memory_space<hbm>> -> memref<1x250x80xi32, #tpu.memory_space<hbm>>
    %dma_start3A_16 = tpu.memref_squeeze %dma_start3A_15 : memref<1x250x80xi32, #tpu.memory_space<hbm>> -> memref<250x80xi32, #tpu.memory_space<hbm>>
    %dma_start3A_17 = arith.constant 0 : i32
    %dma_start3A_18 = tpu.memref_slice %dma_start3A_16[%dma_start3A, %dma_start3A_17] : memref<250x80xi32, #tpu.memory_space<hbm>> -> memref<1x80xi32, #tpu.memory_space<hbm>>
    %dma_start3A_19 = tpu.memref_squeeze %dma_start3A_18 : memref<1x80xi32, #tpu.memory_space<hbm>> -> memref<80xi32, #tpu.memory_space<hbm>>
    tpu.enqueue_dma source(%dma_start3A_19 : memref<80xi32, #tpu.memory_space<hbm>>) target(%arg6 : memref<80xi32, #tpu.memory_space<vmem>>) target_semaphore(%dma_start3A_12 : memref<!tpu.dma_semaphore, #tpu.memory_space<semaphore_mem>>)
    %add3A = arith.constant 0 : i32
    %add3A_20 = arith.addi %mul3A_2, %add3A : i32
    %dma_start3A_21 = arith.constant 0 : i32
    %dma_start3A_22 = arith.constant 0 : i32
    %dma_start3A_23 = arith.constant 0 : i32
    %dma_start3A_24 = arith.constant 0 : i32
    %dma_start3A_25 = tpu.memref_slice %arg8[%dma_start3A_21, %dma_start3A_23, %dma_start3A_24] : memref<2x80x128xf32, #tpu.memory_space<vmem>> -> memref<1x80x128xf32, #tpu.memory_space<vmem>>
    %dma_start3A_26 = tpu.memref_squeeze %dma_start3A_25 : memref<1x80x128xf32, #tpu.memory_space<vmem>> -> memref<80x128xf32, #tpu.memory_space<vmem>>
    %dma_start3A_27 = arith.constant 0 : i32
    %dma_start3A_28 = arith.constant 0 : i32
    %dma_start3A_29 = tpu.memref_slice %arg2[%arg0, %dma_start3A_27, %dma_start3A_28] : memref<2x320000x128xf32, #tpu.memory_space<hbm>> -> memref<1x320000x128xf32, #tpu.memory_space<hbm>>
    %dma_start3A_30 = tpu.memref_squeeze %dma_start3A_29 : memref<1x320000x128xf32, #tpu.memory_space<hbm>> -> memref<320000x128xf32, #tpu.memory_space<hbm>>
    %dma_start3A_31 = arith.constant 0 : i32
    %dma_start3A_32 = tpu.memref_slice %dma_start3A_30[%add3A_20, %dma_start3A_31] : memref<320000x128xf32, #tpu.memory_space<hbm>> -> memref<80x128xf32, #tpu.memory_space<hbm>>
    %dma_start3A_33 = tpu.memref_slice %arg10[%dma_start3A_22] : memref<2x!tpu.dma_semaphore, #tpu.memory_space<semaphore_mem>> -> memref<1x!tpu.dma_semaphore, #tpu.memory_space<semaphore_mem>>
    %dma_start3A_34 = tpu.memref_squeeze %dma_start3A_33 : memref<1x!tpu.dma_semaphore, #tpu.memory_space<semaphore_mem>> -> memref<!tpu.dma_semaphore, #tpu.memory_space<semaphore_mem>>
    %dma_start3A_35 = arith.constant 0 : i32
    %dma_start3A_36 = arith.constant 0 : i32
    %dma_start3A_37 = tpu.memref_slice %arg8[%dma_start3A_21, %dma_start3A_35, %dma_start3A_36] : memref<2x80x128xf32, #tpu.memory_space<vmem>> -> memref<1x80x128xf32, #tpu.memory_space<vmem>>
    %dma_start3A_38 = tpu.memref_squeeze %dma_start3A_37 : memref<1x80x128xf32, #tpu.memory_space<vmem>> -> memref<80x128xf32, #tpu.memory_space<vmem>>
    %dma_start3A_39 = arith.constant 0 : i32
    %dma_start3A_40 = arith.constant 0 : i32
    %dma_start3A_41 = tpu.memref_slice %arg2[%arg0, %dma_start3A_39, %dma_start3A_40] : memref<2x320000x128xf32, #tpu.memory_space<hbm>> -> memref<1x320000x128xf32, #tpu.memory_space<hbm>>
    %dma_start3A_42 = tpu.memref_squeeze %dma_start3A_41 : memref<1x320000x128xf32, #tpu.memory_space<hbm>> -> memref<320000x128xf32, #tpu.memory_space<hbm>>
    %dma_start3A_43 = arith.constant 0 : i32
    %dma_start3A_44 = tpu.memref_slice %dma_start3A_42[%add3A_20, %dma_start3A_43] : memref<320000x128xf32, #tpu.memory_space<hbm>> -> memref<80x128xf32, #tpu.memory_space<hbm>>
    tpu.enqueue_dma source(%dma_start3A_44 : memref<80x128xf32, #tpu.memory_space<hbm>>) target(%dma_start3A_38 : memref<80x128xf32, #tpu.memory_space<vmem>>) target_semaphore(%dma_start3A_34 : memref<!tpu.dma_semaphore, #tpu.memory_space<semaphore_mem>>)
    %dma_start3A_45 = arith.constant 1 : i32
    %dma_start3A_46 = arith.constant 1 : i32
    %dma_start3A_47 = arith.constant 0 : i32
    %dma_start3A_48 = arith.constant 0 : i32
    %dma_start3A_49 = tpu.memref_slice %arg3[%arg1, %dma_start3A_47, %dma_start3A_48] : memref<16x250x80xi32, #tpu.memory_space<hbm>> -> memref<1x250x80xi32, #tpu.memory_space<hbm>>
    %dma_start3A_50 = tpu.memref_squeeze %dma_start3A_49 : memref<1x250x80xi32, #tpu.memory_space<hbm>> -> memref<250x80xi32, #tpu.memory_space<hbm>>
    %dma_start3A_51 = arith.constant 0 : i32
    %dma_start3A_52 = tpu.memref_slice %dma_start3A_50[%dma_start3A_45, %dma_start3A_51] : memref<250x80xi32, #tpu.memory_space<hbm>> -> memref<1x80xi32, #tpu.memory_space<hbm>>
    %dma_start3A_53 = tpu.memref_squeeze %dma_start3A_52 : memref<1x80xi32, #tpu.memory_space<hbm>> -> memref<80xi32, #tpu.memory_space<hbm>>
    %dma_start3A_54 = tpu.memref_slice %arg9[%dma_start3A_46] : memref<2x!tpu.dma_semaphore, #tpu.memory_space<semaphore_mem>> -> memref<1x!tpu.dma_semaphore, #tpu.memory_space<semaphore_mem>>
    %dma_start3A_55 = tpu.memref_squeeze %dma_start3A_54 : memref<1x!tpu.dma_semaphore, #tpu.memory_space<semaphore_mem>> -> memref<!tpu.dma_semaphore, #tpu.memory_space<semaphore_mem>>
    %dma_start3A_56 = arith.constant 0 : i32
    %dma_start3A_57 = arith.constant 0 : i32
    %dma_start3A_58 = tpu.memref_slice %arg3[%arg1, %dma_start3A_56, %dma_start3A_57] : memref<16x250x80xi32, #tpu.memory_space<hbm>> -> memref<1x250x80xi32, #tpu.memory_space<hbm>>
    %dma_start3A_59 = tpu.memref_squeeze %dma_start3A_58 : memref<1x250x80xi32, #tpu.memory_space<hbm>> -> memref<250x80xi32, #tpu.memory_space<hbm>>
    %dma_start3A_60 = arith.constant 0 : i32
    %dma_start3A_61 = tpu.memref_slice %dma_start3A_59[%dma_start3A_45, %dma_start3A_60] : memref<250x80xi32, #tpu.memory_space<hbm>> -> memref<1x80xi32, #tpu.memory_space<hbm>>
    %dma_start3A_62 = tpu.memref_squeeze %dma_start3A_61 : memref<1x80xi32, #tpu.memory_space<hbm>> -> memref<80xi32, #tpu.memory_space<hbm>>
    tpu.enqueue_dma source(%dma_start3A_62 : memref<80xi32, #tpu.memory_space<hbm>>) target(%arg7 : memref<80xi32, #tpu.memory_space<vmem>>) target_semaphore(%dma_start3A_55 : memref<!tpu.dma_semaphore, #tpu.memory_space<semaphore_mem>>)
    %add3A_63 = arith.constant 80 : i32
    %add3A_64 = arith.addi %mul3A_2, %add3A_63 : i32
    %dma_start3A_65 = arith.constant 1 : i32
    %dma_start3A_66 = arith.constant 1 : i32
    %dma_start3A_67 = arith.constant 0 : i32
    %dma_start3A_68 = arith.constant 0 : i32
    %dma_start3A_69 = tpu.memref_slice %arg8[%dma_start3A_65, %dma_start3A_67, %dma_start3A_68] : memref<2x80x128xf32, #tpu.memory_space<vmem>> -> memref<1x80x128xf32, #tpu.memory_space<vmem>>
    %dma_start3A_70 = tpu.memref_squeeze %dma_start3A_69 : memref<1x80x128xf32, #tpu.memory_space<vmem>> -> memref<80x128xf32, #tpu.memory_space<vmem>>
    %dma_start3A_71 = arith.constant 0 : i32
    %dma_start3A_72 = arith.constant 0 : i32
    %dma_start3A_73 = tpu.memref_slice %arg2[%arg0, %dma_start3A_71, %dma_start3A_72] : memref<2x320000x128xf32, #tpu.memory_space<hbm>> -> memref<1x320000x128xf32, #tpu.memory_space<hbm>>
    %dma_start3A_74 = tpu.memref_squeeze %dma_start3A_73 : memref<1x320000x128xf32, #tpu.memory_space<hbm>> -> memref<320000x128xf32, #tpu.memory_space<hbm>>
    %dma_start3A_75 = arith.constant 0 : i32
    %dma_start3A_76 = tpu.memref_slice %dma_start3A_74[%add3A_64, %dma_start3A_75] : memref<320000x128xf32, #tpu.memory_space<hbm>> -> memref<80x128xf32, #tpu.memory_space<hbm>>
    %dma_start3A_77 = tpu.memref_slice %arg10[%dma_start3A_66] : memref<2x!tpu.dma_semaphore, #tpu.memory_space<semaphore_mem>> -> memref<1x!tpu.dma_semaphore, #tpu.memory_space<semaphore_mem>>
    %dma_start3A_78 = tpu.memref_squeeze %dma_start3A_77 : memref<1x!tpu.dma_semaphore, #tpu.memory_space<semaphore_mem>> -> memref<!tpu.dma_semaphore, #tpu.memory_space<semaphore_mem>>
    %dma_start3A_79 = arith.constant 0 : i32
    %dma_start3A_80 = arith.constant 0 : i32
    %dma_start3A_81 = tpu.memref_slice %arg8[%dma_start3A_65, %dma_start3A_79, %dma_start3A_80] : memref<2x80x128xf32, #tpu.memory_space<vmem>> -> memref<1x80x128xf32, #tpu.memory_space<vmem>>
    %dma_start3A_82 = tpu.memref_squeeze %dma_start3A_81 : memref<1x80x128xf32, #tpu.memory_space<vmem>> -> memref<80x128xf32, #tpu.memory_space<vmem>>
    %dma_start3A_83 = arith.constant 0 : i32
    %dma_start3A_84 = arith.constant 0 : i32
    %dma_start3A_85 = tpu.memref_slice %arg2[%arg0, %dma_start3A_83, %dma_start3A_84] : memref<2x320000x128xf32, #tpu.memory_space<hbm>> -> memref<1x320000x128xf32, #tpu.memory_space<hbm>>
    %dma_start3A_86 = tpu.memref_squeeze %dma_start3A_85 : memref<1x320000x128xf32, #tpu.memory_space<hbm>> -> memref<320000x128xf32, #tpu.memory_space<hbm>>
    %dma_start3A_87 = arith.constant 0 : i32
    %dma_start3A_88 = tpu.memref_slice %dma_start3A_86[%add3A_64, %dma_start3A_87] : memref<320000x128xf32, #tpu.memory_space<hbm>> -> memref<80x128xf32, #tpu.memory_space<hbm>>
    tpu.enqueue_dma source(%dma_start3A_88 : memref<80x128xf32, #tpu.memory_space<hbm>>) target(%dma_start3A_82 : memref<80x128xf32, #tpu.memory_space<vmem>>) target_semaphore(%dma_start3A_78 : memref<!tpu.dma_semaphore, #tpu.memory_space<semaphore_mem>>)
    %scan3A = arith.constant 0 : i32
    %scan3A_89 = arith.constant 0 : i32
    %scan3A_90 = arith.constant 125 : i32
    %scan3A_91 = arith.addi %scan3A_89, %scan3A_90 : i32
    %scan3A_92 = arith.constant 1 : i32
    scf.for %scan3A_100 = %scan3A_89 to %scan3A_91 step %scan3A_92  : i32 {
      %mul3A_101 = arith.constant 2 : i32
      %mul3A_102 = arith.muli %scan3A_100, %mul3A_101 : i32
      %add3A_103 = arith.constant 0 : i32
      %add3A_104 = arith.addi %mul3A_102, %add3A_103 : i32
      %dma_wait3A = arith.constant 0 : i32
      %dma_wait3A_105 = arith.constant 0 : i32
      %dma_wait3A_106 = arith.constant 0 : i32
      %dma_wait3A_107 = arith.constant 0 : i32
      %dma_wait3A_108 = tpu.memref_slice %arg3[%arg1, %dma_wait3A_106, %dma_wait3A_107] : memref<16x250x80xi32, #tpu.memory_space<hbm>> -> memref<1x250x80xi32, #tpu.memory_space<hbm>>
      %dma_wait3A_109 = tpu.memref_squeeze %dma_wait3A_108 : memref<1x250x80xi32, #tpu.memory_space<hbm>> -> memref<250x80xi32, #tpu.memory_space<hbm>>
      %dma_wait3A_110 = arith.constant 0 : i32
      %dma_wait3A_111 = tpu.memref_slice %dma_wait3A_109[%dma_wait3A, %dma_wait3A_110] : memref<250x80xi32, #tpu.memory_space<hbm>> -> memref<1x80xi32, #tpu.memory_space<hbm>>
      %dma_wait3A_112 = tpu.memref_squeeze %dma_wait3A_111 : memref<1x80xi32, #tpu.memory_space<hbm>> -> memref<80xi32, #tpu.memory_space<hbm>>
      %dma_wait3A_113 = tpu.memref_slice %arg9[%dma_wait3A_105] : memref<2x!tpu.dma_semaphore, #tpu.memory_space<semaphore_mem>> -> memref<1x!tpu.dma_semaphore, #tpu.memory_space<semaphore_mem>>
      %dma_wait3A_114 = tpu.memref_squeeze %dma_wait3A_113 : memref<1x!tpu.dma_semaphore, #tpu.memory_space<semaphore_mem>> -> memref<!tpu.dma_semaphore, #tpu.memory_space<semaphore_mem>>
      %dma_wait3A_115 = arith.constant 0 : i32
      %dma_wait3A_116 = arith.constant 0 : i32
      %dma_wait3A_117 = tpu.memref_slice %arg3[%arg1, %dma_wait3A_115, %dma_wait3A_116] : memref<16x250x80xi32, #tpu.memory_space<hbm>> -> memref<1x250x80xi32, #tpu.memory_space<hbm>>
      %dma_wait3A_118 = tpu.memref_squeeze %dma_wait3A_117 : memref<1x250x80xi32, #tpu.memory_space<hbm>> -> memref<250x80xi32, #tpu.memory_space<hbm>>
      %dma_wait3A_119 = arith.constant 0 : i32
      %dma_wait3A_120 = tpu.memref_slice %dma_wait3A_118[%dma_wait3A, %dma_wait3A_119] : memref<250x80xi32, #tpu.memory_space<hbm>> -> memref<1x80xi32, #tpu.memory_space<hbm>>
      %dma_wait3A_121 = tpu.memref_squeeze %dma_wait3A_120 : memref<1x80xi32, #tpu.memory_space<hbm>> -> memref<80xi32, #tpu.memory_space<hbm>>
      tpu.wait_dma2 semaphore(%dma_wait3A_114 : memref<!tpu.dma_semaphore, #tpu.memory_space<semaphore_mem>>) src(%dma_wait3A_121 : memref<80xi32, #tpu.memory_space<hbm>>) dst(%arg6 : memref<80xi32, #tpu.memory_space<vmem>>)
      %dma_wait3A_122 = arith.constant 0 : i32
      %dma_wait3A_123 = arith.constant 0 : i32
      %dma_wait3A_124 = arith.constant 0 : i32
      %dma_wait3A_125 = arith.constant 0 : i32
      %dma_wait3A_126 = tpu.memref_slice %arg8[%dma_wait3A_122, %dma_wait3A_124, %dma_wait3A_125] : memref<2x80x128xf32, #tpu.memory_space<vmem>> -> memref<1x80x128xf32, #tpu.memory_space<vmem>>
      %dma_wait3A_127 = tpu.memref_squeeze %dma_wait3A_126 : memref<1x80x128xf32, #tpu.memory_space<vmem>> -> memref<80x128xf32, #tpu.memory_space<vmem>>
      %dma_wait3A_128 = arith.constant 0 : i32
      %dma_wait3A_129 = arith.constant 0 : i32
      %dma_wait3A_130 = tpu.memref_slice %arg2[%arg0, %dma_wait3A_128, %dma_wait3A_129] : memref<2x320000x128xf32, #tpu.memory_space<hbm>> -> memref<1x320000x128xf32, #tpu.memory_space<hbm>>
      %dma_wait3A_131 = tpu.memref_squeeze %dma_wait3A_130 : memref<1x320000x128xf32, #tpu.memory_space<hbm>> -> memref<320000x128xf32, #tpu.memory_space<hbm>>
      %dma_wait3A_132 = arith.constant 0 : i32
      %dma_wait3A_133 = arith.constant 0 : i32
      %dma_wait3A_134 = tpu.memref_slice %dma_wait3A_131[%dma_wait3A_132, %dma_wait3A_133] : memref<320000x128xf32, #tpu.memory_space<hbm>> -> memref<80x128xf32, #tpu.memory_space<hbm>>
      %dma_wait3A_135 = tpu.memref_slice %arg10[%dma_wait3A_123] : memref<2x!tpu.dma_semaphore, #tpu.memory_space<semaphore_mem>> -> memref<1x!tpu.dma_semaphore, #tpu.memory_space<semaphore_mem>>
      %dma_wait3A_136 = tpu.memref_squeeze %dma_wait3A_135 : memref<1x!tpu.dma_semaphore, #tpu.memory_space<semaphore_mem>> -> memref<!tpu.dma_semaphore, #tpu.memory_space<semaphore_mem>>
      %dma_wait3A_137 = arith.constant 0 : i32
      %dma_wait3A_138 = arith.constant 0 : i32
      %dma_wait3A_139 = tpu.memref_slice %arg8[%dma_wait3A_122, %dma_wait3A_137, %dma_wait3A_138] : memref<2x80x128xf32, #tpu.memory_space<vmem>> -> memref<1x80x128xf32, #tpu.memory_space<vmem>>
      %dma_wait3A_140 = tpu.memref_squeeze %dma_wait3A_139 : memref<1x80x128xf32, #tpu.memory_space<vmem>> -> memref<80x128xf32, #tpu.memory_space<vmem>>
      %dma_wait3A_141 = arith.constant 0 : i32
      %dma_wait3A_142 = arith.constant 0 : i32
      %dma_wait3A_143 = tpu.memref_slice %arg2[%arg0, %dma_wait3A_141, %dma_wait3A_142] : memref<2x320000x128xf32, #tpu.memory_space<hbm>> -> memref<1x320000x128xf32, #tpu.memory_space<hbm>>
      %dma_wait3A_144 = tpu.memref_squeeze %dma_wait3A_143 : memref<1x320000x128xf32, #tpu.memory_space<hbm>> -> memref<320000x128xf32, #tpu.memory_space<hbm>>
      %dma_wait3A_145 = arith.constant 0 : i32
      %dma_wait3A_146 = arith.constant 0 : i32
      %dma_wait3A_147 = tpu.memref_slice %dma_wait3A_144[%dma_wait3A_145, %dma_wait3A_146] : memref<320000x128xf32, #tpu.memory_space<hbm>> -> memref<80x128xf32, #tpu.memory_space<hbm>>
      tpu.wait_dma2 semaphore(%dma_wait3A_136 : memref<!tpu.dma_semaphore, #tpu.memory_space<semaphore_mem>>) src(%dma_wait3A_147 : memref<80x128xf32, #tpu.memory_space<hbm>>) dst(%dma_wait3A_140 : memref<80x128xf32, #tpu.memory_space<vmem>>)
      %run_scoped3A = arith.constant 0 : i32
      "tpu.region"() ({
        %run_scoped3A_211 = tpu.sem_alloc : memref<!tpu.dma_semaphore, #tpu.memory_space<semaphore_mem>>
        %dma_start3A_212 = arith.constant 0 : i32
        %dma_start3A_213 = arith.constant 0 : i32
        %dma_start3A_214 = tpu.memref_slice %arg8[%run_scoped3A, %dma_start3A_212, %dma_start3A_213] : memref<2x80x128xf32, #tpu.memory_space<vmem>> -> memref<1x80x128xf32, #tpu.memory_space<vmem>>
        %dma_start3A_215 = tpu.memref_squeeze %dma_start3A_214 : memref<1x80x128xf32, #tpu.memory_space<vmem>> -> memref<80x128xf32, #tpu.memory_space<vmem>>
        %dma_start3A_216 = arith.constant 0 : i32
        %dma_start3A_217 = arith.constant 0 : i32
        %dma_start3A_218 = tpu.memref_slice %arg11[%dma_start3A_216, %dma_start3A_217] : memref<10000x128xf32, #tpu.memory_space<vmem_shared>> -> memref<10000x128xf32, #tpu.memory_space<vmem_shared>>
        tpu.enqueue_indirect_dma source(%dma_start3A_215 : memref<80x128xf32, #tpu.memory_space<vmem>>) target(%dma_start3A_218 : memref<10000x128xf32, #tpu.memory_space<vmem_shared>>) offsets(%arg6 : memref<80xi32, #tpu.memory_space<vmem>>) semaphore(%run_scoped3A_211 : memref<!tpu.dma_semaphore, #tpu.memory_space<semaphore_mem>>) {add = true}
        %dma_wait3A_219 = arith.constant 0 : i32
        %dma_wait3A_220 = arith.constant 0 : i32
        %dma_wait3A_221 = tpu.memref_slice %arg8[%run_scoped3A, %dma_wait3A_219, %dma_wait3A_220] : memref<2x80x128xf32, #tpu.memory_space<vmem>> -> memref<1x80x128xf32, #tpu.memory_space<vmem>>
        %dma_wait3A_222 = tpu.memref_squeeze %dma_wait3A_221 : memref<1x80x128xf32, #tpu.memory_space<vmem>> -> memref<80x128xf32, #tpu.memory_space<vmem>>
        %dma_wait3A_223 = arith.constant 0 : i32
        %dma_wait3A_224 = arith.constant 0 : i32
        %dma_wait3A_225 = tpu.memref_slice %arg11[%dma_wait3A_223, %dma_wait3A_224] : memref<10000x128xf32, #tpu.memory_space<vmem_shared>> -> memref<10000x128xf32, #tpu.memory_space<vmem_shared>>
        tpu.wait_indirect_dma semaphore(%run_scoped3A_211 : memref<!tpu.dma_semaphore, #tpu.memory_space<semaphore_mem>>) src(%dma_wait3A_222 : memref<80x128xf32, #tpu.memory_space<vmem>>) dst(%dma_wait3A_225 : memref<10000x128xf32, #tpu.memory_space<vmem_shared>>)
        tpu.yield
      }) : () -> ()
      %add3A_148 = arith.constant 2 : i32
      %add3A_149 = arith.addi %add3A_104, %add3A_148 : i32
      %lt3A_150 = arith.constant 250 : i32
      %lt3A_151 = arith.cmpi slt, %add3A_149, %lt3A_150 : i32
      %convert_element_type3A_152 = arith.extui %lt3A_151 : i1 to i32
      %cond3A_153 = arith.constant 0 : i32
      %cond3A_154 = arith.cmpi ne, %convert_element_type3A_152, %cond3A_153 : i32
      scf.if %cond3A_154 {
        %add3A_211 = arith.constant 2 : i32
        %add3A_212 = arith.addi %add3A_104, %add3A_211 : i32
        %dma_start3A_213 = arith.constant 0 : i32
        %dma_start3A_214 = arith.constant 0 : i32
        %dma_start3A_215 = arith.constant 0 : i32
        %dma_start3A_216 = tpu.memref_slice %arg3[%arg1, %dma_start3A_214, %dma_start3A_215] : memref<16x250x80xi32, #tpu.memory_space<hbm>> -> memref<1x250x80xi32, #tpu.memory_space<hbm>>
        %dma_start3A_217 = tpu.memref_squeeze %dma_start3A_216 : memref<1x250x80xi32, #tpu.memory_space<hbm>> -> memref<250x80xi32, #tpu.memory_space<hbm>>
        %dma_start3A_218 = arith.constant 0 : i32
        %dma_start3A_219 = tpu.memref_slice %dma_start3A_217[%add3A_212, %dma_start3A_218] : memref<250x80xi32, #tpu.memory_space<hbm>> -> memref<1x80xi32, #tpu.memory_space<hbm>>
        %dma_start3A_220 = tpu.memref_squeeze %dma_start3A_219 : memref<1x80xi32, #tpu.memory_space<hbm>> -> memref<80xi32, #tpu.memory_space<hbm>>
        %dma_start3A_221 = tpu.memref_slice %arg9[%dma_start3A_213] : memref<2x!tpu.dma_semaphore, #tpu.memory_space<semaphore_mem>> -> memref<1x!tpu.dma_semaphore, #tpu.memory_space<semaphore_mem>>
        %dma_start3A_222 = tpu.memref_squeeze %dma_start3A_221 : memref<1x!tpu.dma_semaphore, #tpu.memory_space<semaphore_mem>> -> memref<!tpu.dma_semaphore, #tpu.memory_space<semaphore_mem>>
        %dma_start3A_223 = arith.constant 0 : i32
        %dma_start3A_224 = arith.constant 0 : i32
        %dma_start3A_225 = tpu.memref_slice %arg3[%arg1, %dma_start3A_223, %dma_start3A_224] : memref<16x250x80xi32, #tpu.memory_space<hbm>> -> memref<1x250x80xi32, #tpu.memory_space<hbm>>
        %dma_start3A_226 = tpu.memref_squeeze %dma_start3A_225 : memref<1x250x80xi32, #tpu.memory_space<hbm>> -> memref<250x80xi32, #tpu.memory_space<hbm>>
        %dma_start3A_227 = arith.constant 0 : i32
        %dma_start3A_228 = tpu.memref_slice %dma_start3A_226[%add3A_212, %dma_start3A_227] : memref<250x80xi32, #tpu.memory_space<hbm>> -> memref<1x80xi32, #tpu.memory_space<hbm>>
        %dma_start3A_229 = tpu.memref_squeeze %dma_start3A_228 : memref<1x80xi32, #tpu.memory_space<hbm>> -> memref<80xi32, #tpu.memory_space<hbm>>
        tpu.enqueue_dma source(%dma_start3A_229 : memref<80xi32, #tpu.memory_space<hbm>>) target(%arg6 : memref<80xi32, #tpu.memory_space<vmem>>) target_semaphore(%dma_start3A_222 : memref<!tpu.dma_semaphore, #tpu.memory_space<semaphore_mem>>)
        %mul3A_230 = arith.constant 80 : i32
        %mul3A_231 = arith.muli %add3A_212, %mul3A_230 : i32
        %add3A_232 = arith.addi %mul3A_2, %mul3A_231 : i32
        %dma_start3A_233 = arith.constant 0 : i32
        %dma_start3A_234 = arith.constant 0 : i32
        %dma_start3A_235 = arith.constant 0 : i32
        %dma_start3A_236 = arith.constant 0 : i32
        %dma_start3A_237 = tpu.memref_slice %arg8[%dma_start3A_233, %dma_start3A_235, %dma_start3A_236] : memref<2x80x128xf32, #tpu.memory_space<vmem>> -> memref<1x80x128xf32, #tpu.memory_space<vmem>>
        %dma_start3A_238 = tpu.memref_squeeze %dma_start3A_237 : memref<1x80x128xf32, #tpu.memory_space<vmem>> -> memref<80x128xf32, #tpu.memory_space<vmem>>
        %dma_start3A_239 = arith.constant 0 : i32
        %dma_start3A_240 = arith.constant 0 : i32
        %dma_start3A_241 = tpu.memref_slice %arg2[%arg0, %dma_start3A_239, %dma_start3A_240] : memref<2x320000x128xf32, #tpu.memory_space<hbm>> -> memref<1x320000x128xf32, #tpu.memory_space<hbm>>
        %dma_start3A_242 = tpu.memref_squeeze %dma_start3A_241 : memref<1x320000x128xf32, #tpu.memory_space<hbm>> -> memref<320000x128xf32, #tpu.memory_space<hbm>>
        %dma_start3A_243 = arith.constant 0 : i32
        %dma_start3A_244 = tpu.memref_slice %dma_start3A_242[%add3A_232, %dma_start3A_243] : memref<320000x128xf32, #tpu.memory_space<hbm>> -> memref<80x128xf32, #tpu.memory_space<hbm>>
        %dma_start3A_245 = tpu.memref_slice %arg10[%dma_start3A_234] : memref<2x!tpu.dma_semaphore, #tpu.memory_space<semaphore_mem>> -> memref<1x!tpu.dma_semaphore, #tpu.memory_space<semaphore_mem>>
        %dma_start3A_246 = tpu.memref_squeeze %dma_start3A_245 : memref<1x!tpu.dma_semaphore, #tpu.memory_space<semaphore_mem>> -> memref<!tpu.dma_semaphore, #tpu.memory_space<semaphore_mem>>
        %dma_start3A_247 = arith.constant 0 : i32
        %dma_start3A_248 = arith.constant 0 : i32
        %dma_start3A_249 = tpu.memref_slice %arg8[%dma_start3A_233, %dma_start3A_247, %dma_start3A_248] : memref<2x80x128xf32, #tpu.memory_space<vmem>> -> memref<1x80x128xf32, #tpu.memory_space<vmem>>
        %dma_start3A_250 = tpu.memref_squeeze %dma_start3A_249 : memref<1x80x128xf32, #tpu.memory_space<vmem>> -> memref<80x128xf32, #tpu.memory_space<vmem>>
        %dma_start3A_251 = arith.constant 0 : i32
        %dma_start3A_252 = arith.constant 0 : i32
        %dma_start3A_253 = tpu.memref_slice %arg2[%arg0, %dma_start3A_251, %dma_start3A_252] : memref<2x320000x128xf32, #tpu.memory_space<hbm>> -> memref<1x320000x128xf32, #tpu.memory_space<hbm>>
        %dma_start3A_254 = tpu.memref_squeeze %dma_start3A_253 : memref<1x320000x128xf32, #tpu.memory_space<hbm>> -> memref<320000x128xf32, #tpu.memory_space<hbm>>
        %dma_start3A_255 = arith.constant 0 : i32
        %dma_start3A_256 = tpu.memref_slice %dma_start3A_254[%add3A_232, %dma_start3A_255] : memref<320000x128xf32, #tpu.memory_space<hbm>> -> memref<80x128xf32, #tpu.memory_space<hbm>>
        tpu.enqueue_dma source(%dma_start3A_256 : memref<80x128xf32, #tpu.memory_space<hbm>>) target(%dma_start3A_250 : memref<80x128xf32, #tpu.memory_space<vmem>>) target_semaphore(%dma_start3A_246 : memref<!tpu.dma_semaphore, #tpu.memory_space<semaphore_mem>>)
      } else {
      }
      %mul3A_155 = arith.constant 2 : i32
      %mul3A_156 = arith.muli %scan3A_100, %mul3A_155 : i32
      %add3A_157 = arith.constant 1 : i32
      %add3A_158 = arith.addi %mul3A_156, %add3A_157 : i32
      %dma_wait3A_159 = arith.constant 0 : i32
      %dma_wait3A_160 = arith.constant 1 : i32
      %dma_wait3A_161 = arith.constant 0 : i32
      %dma_wait3A_162 = arith.constant 0 : i32
      %dma_wait3A_163 = tpu.memref_slice %arg3[%arg1, %dma_wait3A_161, %dma_wait3A_162] : memref<16x250x80xi32, #tpu.memory_space<hbm>> -> memref<1x250x80xi32, #tpu.memory_space<hbm>>
      %dma_wait3A_164 = tpu.memref_squeeze %dma_wait3A_163 : memref<1x250x80xi32, #tpu.memory_space<hbm>> -> memref<250x80xi32, #tpu.memory_space<hbm>>
      %dma_wait3A_165 = arith.constant 0 : i32
      %dma_wait3A_166 = tpu.memref_slice %dma_wait3A_164[%dma_wait3A_159, %dma_wait3A_165] : memref<250x80xi32, #tpu.memory_space<hbm>> -> memref<1x80xi32, #tpu.memory_space<hbm>>
      %dma_wait3A_167 = tpu.memref_squeeze %dma_wait3A_166 : memref<1x80xi32, #tpu.memory_space<hbm>> -> memref<80xi32, #tpu.memory_space<hbm>>
      %dma_wait3A_168 = tpu.memref_slice %arg9[%dma_wait3A_160] : memref<2x!tpu.dma_semaphore, #tpu.memory_space<semaphore_mem>> -> memref<1x!tpu.dma_semaphore, #tpu.memory_space<semaphore_mem>>
      %dma_wait3A_169 = tpu.memref_squeeze %dma_wait3A_168 : memref<1x!tpu.dma_semaphore, #tpu.memory_space<semaphore_mem>> -> memref<!tpu.dma_semaphore, #tpu.memory_space<semaphore_mem>>
      %dma_wait3A_170 = arith.constant 0 : i32
      %dma_wait3A_171 = arith.constant 0 : i32
      %dma_wait3A_172 = tpu.memref_slice %arg3[%arg1, %dma_wait3A_170, %dma_wait3A_171] : memref<16x250x80xi32, #tpu.memory_space<hbm>> -> memref<1x250x80xi32, #tpu.memory_space<hbm>>
      %dma_wait3A_173 = tpu.memref_squeeze %dma_wait3A_172 : memref<1x250x80xi32, #tpu.memory_space<hbm>> -> memref<250x80xi32, #tpu.memory_space<hbm>>
      %dma_wait3A_174 = arith.constant 0 : i32
      %dma_wait3A_175 = tpu.memref_slice %dma_wait3A_173[%dma_wait3A_159, %dma_wait3A_174] : memref<250x80xi32, #tpu.memory_space<hbm>> -> memref<1x80xi32, #tpu.memory_space<hbm>>
      %dma_wait3A_176 = tpu.memref_squeeze %dma_wait3A_175 : memref<1x80xi32, #tpu.memory_space<hbm>> -> memref<80xi32, #tpu.memory_space<hbm>>
      tpu.wait_dma2 semaphore(%dma_wait3A_169 : memref<!tpu.dma_semaphore, #tpu.memory_space<semaphore_mem>>) src(%dma_wait3A_176 : memref<80xi32, #tpu.memory_space<hbm>>) dst(%arg7 : memref<80xi32, #tpu.memory_space<vmem>>)
      %dma_wait3A_177 = arith.constant 1 : i32
      %dma_wait3A_178 = arith.constant 1 : i32
      %dma_wait3A_179 = arith.constant 0 : i32
      %dma_wait3A_180 = arith.constant 0 : i32
      %dma_wait3A_181 = tpu.memref_slice %arg8[%dma_wait3A_177, %dma_wait3A_179, %dma_wait3A_180] : memref<2x80x128xf32, #tpu.memory_space<vmem>> -> memref<1x80x128xf32, #tpu.memory_space<vmem>>
      %dma_wait3A_182 = tpu.memref_squeeze %dma_wait3A_181 : memref<1x80x128xf32, #tpu.memory_space<vmem>> -> memref<80x128xf32, #tpu.memory_space<vmem>>
      %dma_wait3A_183 = arith.constant 0 : i32
      %dma_wait3A_184 = arith.constant 0 : i32
      %dma_wait3A_185 = tpu.memref_slice %arg2[%arg0, %dma_wait3A_183, %dma_wait3A_184] : memref<2x320000x128xf32, #tpu.memory_space<hbm>> -> memref<1x320000x128xf32, #tpu.memory_space<hbm>>
      %dma_wait3A_186 = tpu.memref_squeeze %dma_wait3A_185 : memref<1x320000x128xf32, #tpu.memory_space<hbm>> -> memref<320000x128xf32, #tpu.memory_space<hbm>>
      %dma_wait3A_187 = arith.constant 0 : i32
      %dma_wait3A_188 = arith.constant 0 : i32
      %dma_wait3A_189 = tpu.memref_slice %dma_wait3A_186[%dma_wait3A_187, %dma_wait3A_188] : memref<320000x128xf32, #tpu.memory_space<hbm>> -> memref<80x128xf32, #tpu.memory_space<hbm>>
      %dma_wait3A_190 = tpu.memref_slice %arg10[%dma_wait3A_178] : memref<2x!tpu.dma_semaphore, #tpu.memory_space<semaphore_mem>> -> memref<1x!tpu.dma_semaphore, #tpu.memory_space<semaphore_mem>>
      %dma_wait3A_191 = tpu.memref_squeeze %dma_wait3A_190 : memref<1x!tpu.dma_semaphore, #tpu.memory_space<semaphore_mem>> -> memref<!tpu.dma_semaphore, #tpu.memory_space<semaphore_mem>>
      %dma_wait3A_192 = arith.constant 0 : i32
      %dma_wait3A_193 = arith.constant 0 : i32
      %dma_wait3A_194 = tpu.memref_slice %arg8[%dma_wait3A_177, %dma_wait3A_192, %dma_wait3A_193] : memref<2x80x128xf32, #tpu.memory_space<vmem>> -> memref<1x80x128xf32, #tpu.memory_space<vmem>>
      %dma_wait3A_195 = tpu.memref_squeeze %dma_wait3A_194 : memref<1x80x128xf32, #tpu.memory_space<vmem>> -> memref<80x128xf32, #tpu.memory_space<vmem>>
      %dma_wait3A_196 = arith.constant 0 : i32
      %dma_wait3A_197 = arith.constant 0 : i32
      %dma_wait3A_198 = tpu.memref_slice %arg2[%arg0, %dma_wait3A_196, %dma_wait3A_197] : memref<2x320000x128xf32, #tpu.memory_space<hbm>> -> memref<1x320000x128xf32, #tpu.memory_space<hbm>>
      %dma_wait3A_199 = tpu.memref_squeeze %dma_wait3A_198 : memref<1x320000x128xf32, #tpu.memory_space<hbm>> -> memref<320000x128xf32, #tpu.memory_space<hbm>>
      %dma_wait3A_200 = arith.constant 0 : i32
      %dma_wait3A_201 = arith.constant 0 : i32
      %dma_wait3A_202 = tpu.memref_slice %dma_wait3A_199[%dma_wait3A_200, %dma_wait3A_201] : memref<320000x128xf32, #tpu.memory_space<hbm>> -> memref<80x128xf32, #tpu.memory_space<hbm>>
      tpu.wait_dma2 semaphore(%dma_wait3A_191 : memref<!tpu.dma_semaphore, #tpu.memory_space<semaphore_mem>>) src(%dma_wait3A_202 : memref<80x128xf32, #tpu.memory_space<hbm>>) dst(%dma_wait3A_195 : memref<80x128xf32, #tpu.memory_space<vmem>>)
      %run_scoped3A_203 = arith.constant 1 : i32
      "tpu.region"() ({
        %run_scoped3A_211 = tpu.sem_alloc : memref<!tpu.dma_semaphore, #tpu.memory_space<semaphore_mem>>
        %dma_start3A_212 = arith.constant 0 : i32
        %dma_start3A_213 = arith.constant 0 : i32
        %dma_start3A_214 = tpu.memref_slice %arg8[%run_scoped3A_203, %dma_start3A_212, %dma_start3A_213] : memref<2x80x128xf32, #tpu.memory_space<vmem>> -> memref<1x80x128xf32, #tpu.memory_space<vmem>>
        %dma_start3A_215 = tpu.memref_squeeze %dma_start3A_214 : memref<1x80x128xf32, #tpu.memory_space<vmem>> -> memref<80x128xf32, #tpu.memory_space<vmem>>
        %dma_start3A_216 = arith.constant 0 : i32
        %dma_start3A_217 = arith.constant 0 : i32
        %dma_start3A_218 = tpu.memref_slice %arg11[%dma_start3A_216, %dma_start3A_217] : memref<10000x128xf32, #tpu.memory_space<vmem_shared>> -> memref<10000x128xf32, #tpu.memory_space<vmem_shared>>
        tpu.enqueue_indirect_dma source(%dma_start3A_215 : memref<80x128xf32, #tpu.memory_space<vmem>>) target(%dma_start3A_218 : memref<10000x128xf32, #tpu.memory_space<vmem_shared>>) offsets(%arg7 : memref<80xi32, #tpu.memory_space<vmem>>) semaphore(%run_scoped3A_211 : memref<!tpu.dma_semaphore, #tpu.memory_space<semaphore_mem>>) {add = true}
        %dma_wait3A_219 = arith.constant 0 : i32
        %dma_wait3A_220 = arith.constant 0 : i32
        %dma_wait3A_221 = tpu.memref_slice %arg8[%run_scoped3A_203, %dma_wait3A_219, %dma_wait3A_220] : memref<2x80x128xf32, #tpu.memory_space<vmem>> -> memref<1x80x128xf32, #tpu.memory_space<vmem>>
        %dma_wait3A_222 = tpu.memref_squeeze %dma_wait3A_221 : memref<1x80x128xf32, #tpu.memory_space<vmem>> -> memref<80x128xf32, #tpu.memory_space<vmem>>
        %dma_wait3A_223 = arith.constant 0 : i32
        %dma_wait3A_224 = arith.constant 0 : i32
        %dma_wait3A_225 = tpu.memref_slice %arg11[%dma_wait3A_223, %dma_wait3A_224] : memref<10000x128xf32, #tpu.memory_space<vmem_shared>> -> memref<10000x128xf32, #tpu.memory_space<vmem_shared>>
        tpu.wait_indirect_dma semaphore(%run_scoped3A_211 : memref<!tpu.dma_semaphore, #tpu.memory_space<semaphore_mem>>) src(%dma_wait3A_222 : memref<80x128xf32, #tpu.memory_space<vmem>>) dst(%dma_wait3A_225 : memref<10000x128xf32, #tpu.memory_space<vmem_shared>>)
        tpu.yield
      }) : () -> ()
      %add3A_204 = arith.constant 2 : i32
      %add3A_205 = arith.addi %add3A_158, %add3A_204 : i32
      %lt3A_206 = arith.constant 250 : i32
      %lt3A_207 = arith.cmpi slt, %add3A_205, %lt3A_206 : i32
      %convert_element_type3A_208 = arith.extui %lt3A_207 : i1 to i32
      %cond3A_209 = arith.constant 0 : i32
      %cond3A_210 = arith.cmpi ne, %convert_element_type3A_208, %cond3A_209 : i32
      scf.if %cond3A_210 {
        %add3A_211 = arith.constant 2 : i32
        %add3A_212 = arith.addi %add3A_158, %add3A_211 : i32
        %dma_start3A_213 = arith.constant 1 : i32
        %dma_start3A_214 = arith.constant 0 : i32
        %dma_start3A_215 = arith.constant 0 : i32
        %dma_start3A_216 = tpu.memref_slice %arg3[%arg1, %dma_start3A_214, %dma_start3A_215] : memref<16x250x80xi32, #tpu.memory_space<hbm>> -> memref<1x250x80xi32, #tpu.memory_space<hbm>>
        %dma_start3A_217 = tpu.memref_squeeze %dma_start3A_216 : memref<1x250x80xi32, #tpu.memory_space<hbm>> -> memref<250x80xi32, #tpu.memory_space<hbm>>
        %dma_start3A_218 = arith.constant 0 : i32
        %dma_start3A_219 = tpu.memref_slice %dma_start3A_217[%add3A_212, %dma_start3A_218] : memref<250x80xi32, #tpu.memory_space<hbm>> -> memref<1x80xi32, #tpu.memory_space<hbm>>
        %dma_start3A_220 = tpu.memref_squeeze %dma_start3A_219 : memref<1x80xi32, #tpu.memory_space<hbm>> -> memref<80xi32, #tpu.memory_space<hbm>>
        %dma_start3A_221 = tpu.memref_slice %arg9[%dma_start3A_213] : memref<2x!tpu.dma_semaphore, #tpu.memory_space<semaphore_mem>> -> memref<1x!tpu.dma_semaphore, #tpu.memory_space<semaphore_mem>>
        %dma_start3A_222 = tpu.memref_squeeze %dma_start3A_221 : memref<1x!tpu.dma_semaphore, #tpu.memory_space<semaphore_mem>> -> memref<!tpu.dma_semaphore, #tpu.memory_space<semaphore_mem>>
        %dma_start3A_223 = arith.constant 0 : i32
        %dma_start3A_224 = arith.constant 0 : i32
        %dma_start3A_225 = tpu.memref_slice %arg3[%arg1, %dma_start3A_223, %dma_start3A_224] : memref<16x250x80xi32, #tpu.memory_space<hbm>> -> memref<1x250x80xi32, #tpu.memory_space<hbm>>
        %dma_start3A_226 = tpu.memref_squeeze %dma_start3A_225 : memref<1x250x80xi32, #tpu.memory_space<hbm>> -> memref<250x80xi32, #tpu.memory_space<hbm>>
        %dma_start3A_227 = arith.constant 0 : i32
        %dma_start3A_228 = tpu.memref_slice %dma_start3A_226[%add3A_212, %dma_start3A_227] : memref<250x80xi32, #tpu.memory_space<hbm>> -> memref<1x80xi32, #tpu.memory_space<hbm>>
        %dma_start3A_229 = tpu.memref_squeeze %dma_start3A_228 : memref<1x80xi32, #tpu.memory_space<hbm>> -> memref<80xi32, #tpu.memory_space<hbm>>
        tpu.enqueue_dma source(%dma_start3A_229 : memref<80xi32, #tpu.memory_space<hbm>>) target(%arg7 : memref<80xi32, #tpu.memory_space<vmem>>) target_semaphore(%dma_start3A_222 : memref<!tpu.dma_semaphore, #tpu.memory_space<semaphore_mem>>)
        %mul3A_230 = arith.constant 80 : i32
        %mul3A_231 = arith.muli %add3A_212, %mul3A_230 : i32
        %add3A_232 = arith.addi %mul3A_2, %mul3A_231 : i32
        %dma_start3A_233 = arith.constant 1 : i32
        %dma_start3A_234 = arith.constant 1 : i32
        %dma_start3A_235 = arith.constant 0 : i32
        %dma_start3A_236 = arith.constant 0 : i32
        %dma_start3A_237 = tpu.memref_slice %arg8[%dma_start3A_233, %dma_start3A_235, %dma_start3A_236] : memref<2x80x128xf32, #tpu.memory_space<vmem>> -> memref<1x80x128xf32, #tpu.memory_space<vmem>>
        %dma_start3A_238 = tpu.memref_squeeze %dma_start3A_237 : memref<1x80x128xf32, #tpu.memory_space<vmem>> -> memref<80x128xf32, #tpu.memory_space<vmem>>
        %dma_start3A_239 = arith.constant 0 : i32
        %dma_start3A_240 = arith.constant 0 : i32
        %dma_start3A_241 = tpu.memref_slice %arg2[%arg0, %dma_start3A_239, %dma_start3A_240] : memref<2x320000x128xf32, #tpu.memory_space<hbm>> -> memref<1x320000x128xf32, #tpu.memory_space<hbm>>
        %dma_start3A_242 = tpu.memref_squeeze %dma_start3A_241 : memref<1x320000x128xf32, #tpu.memory_space<hbm>> -> memref<320000x128xf32, #tpu.memory_space<hbm>>
        %dma_start3A_243 = arith.constant 0 : i32
        %dma_start3A_244 = tpu.memref_slice %dma_start3A_242[%add3A_232, %dma_start3A_243] : memref<320000x128xf32, #tpu.memory_space<hbm>> -> memref<80x128xf32, #tpu.memory_space<hbm>>
        %dma_start3A_245 = tpu.memref_slice %arg10[%dma_start3A_234] : memref<2x!tpu.dma_semaphore, #tpu.memory_space<semaphore_mem>> -> memref<1x!tpu.dma_semaphore, #tpu.memory_space<semaphore_mem>>
        %dma_start3A_246 = tpu.memref_squeeze %dma_start3A_245 : memref<1x!tpu.dma_semaphore, #tpu.memory_space<semaphore_mem>> -> memref<!tpu.dma_semaphore, #tpu.memory_space<semaphore_mem>>
        %dma_start3A_247 = arith.constant 0 : i32
        %dma_start3A_248 = arith.constant 0 : i32
        %dma_start3A_249 = tpu.memref_slice %arg8[%dma_start3A_233, %dma_start3A_247, %dma_start3A_248] : memref<2x80x128xf32, #tpu.memory_space<vmem>> -> memref<1x80x128xf32, #tpu.memory_space<vmem>>
        %dma_start3A_250 = tpu.memref_squeeze %dma_start3A_249 : memref<1x80x128xf32, #tpu.memory_space<vmem>> -> memref<80x128xf32, #tpu.memory_space<vmem>>
        %dma_start3A_251 = arith.constant 0 : i32
        %dma_start3A_252 = arith.constant 0 : i32
        %dma_start3A_253 = tpu.memref_slice %arg2[%arg0, %dma_start3A_251, %dma_start3A_252] : memref<2x320000x128xf32, #tpu.memory_space<hbm>> -> memref<1x320000x128xf32, #tpu.memory_space<hbm>>
        %dma_start3A_254 = tpu.memref_squeeze %dma_start3A_253 : memref<1x320000x128xf32, #tpu.memory_space<hbm>> -> memref<320000x128xf32, #tpu.memory_space<hbm>>
        %dma_start3A_255 = arith.constant 0 : i32
        %dma_start3A_256 = tpu.memref_slice %dma_start3A_254[%add3A_232, %dma_start3A_255] : memref<320000x128xf32, #tpu.memory_space<hbm>> -> memref<80x128xf32, #tpu.memory_space<hbm>>
        tpu.enqueue_dma source(%dma_start3A_256 : memref<80x128xf32, #tpu.memory_space<hbm>>) target(%dma_start3A_250 : memref<80x128xf32, #tpu.memory_space<vmem>>) target_semaphore(%dma_start3A_246 : memref<!tpu.dma_semaphore, #tpu.memory_space<semaphore_mem>>)
      } else {
      }
    }
    %scan3A_93 = arith.constant 125 : i32
    %barrier3A_94 = arith.constant 0 : index
    tpu.barrier barrier_id(%barrier3A_94)
    %lt3A_95 = arith.constant 10 : i32
    %lt3A_96 = arith.cmpi slt, %arg1, %lt3A_95 : i32
    %convert_element_type3A_97 = arith.extui %lt3A_96 : i1 to i32
    %cond3A_98 = arith.constant 0 : i32
    %cond3A_99 = arith.cmpi ne, %convert_element_type3A_97, %cond3A_98 : i32
    scf.if %cond3A_99 {
      %mul3A_100 = arith.constant 1000 : i32
      %mul3A_101 = arith.muli %arg1, %mul3A_100 : i32
      %mul3A_102 = arith.constant 1000 : i32
      %mul3A_103 = arith.muli %arg1, %mul3A_102 : i32
      "tpu.region"() ({
        %run_scoped3A = tpu.sem_alloc : memref<!tpu.dma_semaphore, #tpu.memory_space<semaphore_mem>>
        %dma_start3A_104 = arith.constant 0 : i32
        %dma_start3A_105 = arith.constant 0 : i32
        %dma_start3A_106 = tpu.memref_slice %arg5[%arg0, %dma_start3A_104, %dma_start3A_105] : memref<2x10000x128xf32, #tpu.memory_space<hbm>> -> memref<1x10000x128xf32, #tpu.memory_space<hbm>>
        %dma_start3A_107 = tpu.memref_squeeze %dma_start3A_106 : memref<1x10000x128xf32, #tpu.memory_space<hbm>> -> memref<10000x128xf32, #tpu.memory_space<hbm>>
        %dma_start3A_108 = arith.constant 0 : i32
        %dma_start3A_109 = tpu.memref_slice %dma_start3A_107[%mul3A_103, %dma_start3A_108] : memref<10000x128xf32, #tpu.memory_space<hbm>> -> memref<1000x128xf32, #tpu.memory_space<hbm>>
        %dma_start3A_110 = arith.constant 0 : i32
        %dma_start3A_111 = tpu.memref_slice %arg11[%mul3A_101, %dma_start3A_110] : memref<10000x128xf32, #tpu.memory_space<vmem_shared>> -> memref<1000x128xf32, #tpu.memory_space<vmem_shared>>
        tpu.enqueue_dma source(%dma_start3A_111 : memref<1000x128xf32, #tpu.memory_space<vmem_shared>>) target(%dma_start3A_109 : memref<1000x128xf32, #tpu.memory_space<hbm>>) target_semaphore(%run_scoped3A : memref<!tpu.dma_semaphore, #tpu.memory_space<semaphore_mem>>)
        %dma_wait3A = arith.constant 0 : i32
        %dma_wait3A_112 = arith.constant 0 : i32
        %dma_wait3A_113 = tpu.memref_slice %arg5[%arg0, %dma_wait3A, %dma_wait3A_112] : memref<2x10000x128xf32, #tpu.memory_space<hbm>> -> memref<1x10000x128xf32, #tpu.memory_space<hbm>>
        %dma_wait3A_114 = tpu.memref_squeeze %dma_wait3A_113 : memref<1x10000x128xf32, #tpu.memory_space<hbm>> -> memref<10000x128xf32, #tpu.memory_space<hbm>>
        %dma_wait3A_115 = arith.constant 0 : i32
        %dma_wait3A_116 = tpu.memref_slice %dma_wait3A_114[%mul3A_103, %dma_wait3A_115] : memref<10000x128xf32, #tpu.memory_space<hbm>> -> memref<1000x128xf32, #tpu.memory_space<hbm>>
        %dma_wait3A_117 = arith.constant 0 : i32
        %dma_wait3A_118 = tpu.memref_slice %arg11[%mul3A_101, %dma_wait3A_117] : memref<10000x128xf32, #tpu.memory_space<vmem_shared>> -> memref<1000x128xf32, #tpu.memory_space<vmem_shared>>
        tpu.wait_dma2 semaphore(%run_scoped3A : memref<!tpu.dma_semaphore, #tpu.memory_space<semaphore_mem>>) src(%dma_wait3A_118 : memref<1000x128xf32, #tpu.memory_space<vmem_shared>>) dst(%dma_wait3A_116 : memref<1000x128xf32, #tpu.memory_space<hbm>>)
        tpu.yield
      }) : () -> ()
    } else {
    }
    return
  }
}

module attributes {stable_mosaic.version = 14 : i64} {
  func.func @body(%arg0: i32, %arg1: memref<2000x128xf32, #tpu.memory_space<vmem>>, %arg2: memref<2000x16xf32, #tpu.memory_space<vmem>>, %arg3: memref<144x256xf32, #tpu.memory_space<vmem>>, %arg4: memref<1x256xf32, #tpu.memory_space<vmem>>, %arg5: memref<2x2000x128xf32, #tpu.memory_space<vmem>>) attributes {dimension_semantics = [#tpu.dimension_semantics<arbitrary>], iteration_bounds = array<i64: 160>, scalar_prefetch = 0 : i64, scratch_operands = 0 : i64, tpu.core_type = #tpu.core_type<tc>, window_params = [{transform_indices = @transform_0, window_bounds = array<i64: 2000, 128>}, {transform_indices = @transform_1, window_bounds = array<i64: 2000, 16>}, {pipeline_mode = #tpu.pipeline_mode<synchronous>, transform_indices = @transform_2, window_bounds = array<i64: 144, 256>}, {pipeline_mode = #tpu.pipeline_mode<synchronous>, transform_indices = @transform_3, window_bounds = array<i64: 1, 256>}, {transform_indices = @transform_4, window_bounds = array<i64: 2, 2000, 128>}]} {
    %get3A = arith.constant 0 : index
    %get3A_0 = arith.constant 0 : index
    %get3A_1 = vector.load %arg1[%get3A, %get3A_0] : memref<2000x128xf32, #tpu.memory_space<vmem>>, vector<2000x128xf32>
    %get3A_2 = arith.constant 0 : index
    %get3A_3 = arith.constant 0 : index
    %get3A_4 = vector.load %arg3[%get3A_2, %get3A_3] : memref<144x256xf32, #tpu.memory_space<vmem>>, vector<128x256xf32>
    %dot_general3A = arith.constant dense<0.000000e+00> : vector<2000x256xf32>
    %dot_general3A_5 = tpu.matmul %get3A_1, %get3A_4, %dot_general3A {dimension_numbers = #tpu.dot_dimension_numbers<[1], [0], [0], [1], [0, 0, 1, 1], [], []>, transpose_lhs_hint = false} : vector<2000x128xf32>, vector<128x256xf32>, vector<2000x256xf32> -> vector<2000x256xf32>
    %get3A_6 = arith.constant 0 : index
    %get3A_7 = arith.constant 0 : index
    %get3A_8 = vector.load %arg2[%get3A_6, %get3A_7] : memref<2000x16xf32, #tpu.memory_space<vmem>>, vector<2000x16xf32>
    %get3A_9 = arith.constant 128 : index
    %get3A_10 = arith.constant 0 : index
    %get3A_11 = vector.load %arg3[%get3A_9, %get3A_10] : memref<144x256xf32, #tpu.memory_space<vmem>>, vector<16x256xf32>
    %dot_general3A_12 = arith.constant dense<0.000000e+00> : vector<2000x256xf32>
    %dot_general3A_13 = tpu.matmul %get3A_8, %get3A_11, %dot_general3A_12 {dimension_numbers = #tpu.dot_dimension_numbers<[1], [0], [0], [1], [0, 0, 1, 1], [], []>, transpose_lhs_hint = false} : vector<2000x16xf32>, vector<16x256xf32>, vector<2000x256xf32> -> vector<2000x256xf32>
    %add3A = arith.addf %dot_general3A_5, %dot_general3A_13 : vector<2000x256xf32>
    %get3A_14 = arith.constant 0 : index
    %get3A_15 = arith.constant 0 : index
    %get3A_16 = vector.load %arg4[%get3A_14, %get3A_15] : memref<1x256xf32, #tpu.memory_space<vmem>>, vector<1x256xf32>
    %add3A_17 = vector.broadcast %get3A_16 : vector<1x256xf32> to vector<2000x256xf32>
    %add3A_18 = arith.addf %add3A, %add3A_17 : vector<2000x256xf32>
    %max3A = arith.constant 0.000000e+00 : f32
    %max3A_19 = vector.broadcast %max3A : f32 to vector<2000x256xf32>
    %max3A_20 = arith.maximumf %add3A_18, %max3A_19 : vector<2000x256xf32>
    %slice3A = vector.extract_strided_slice %max3A_20 {offsets = [0, 0], sizes = [2000, 128], strides = [1, 1]} : vector<2000x256xf32> to vector<2000x128xf32>
    %swap3A = arith.constant 0 : index
    %swap3A_21 = arith.constant 0 : index
    %swap3A_22 = arith.constant 0 : index
    %swap3A_23 = vector.load %arg5[%swap3A, %swap3A_21, %swap3A_22] : memref<2x2000x128xf32, #tpu.memory_space<vmem>>, vector<1x2000x128xf32>
    %swap3A_24 = vector.shape_cast %swap3A_23 : vector<1x2000x128xf32> to vector<2000x128xf32>
    %swap3A_25 = vector.shape_cast %slice3A : vector<2000x128xf32> to vector<1x2000x128xf32>
    tpu.vector_store %arg5[%swap3A, %swap3A_21, %swap3A_22], %swap3A_25 {strides = array<i32>} : memref<2x2000x128xf32, #tpu.memory_space<vmem>>, vector<1x2000x128xf32>,
    %slice3A_26 = vector.extract_strided_slice %max3A_20 {offsets = [0, 128], sizes = [2000, 128], strides = [1, 1]} : vector<2000x256xf32> to vector<2000x128xf32>
    %swap3A_27 = arith.constant 1 : index
    %swap3A_28 = arith.constant 0 : index
    %swap3A_29 = arith.constant 0 : index
    %swap3A_30 = vector.load %arg5[%swap3A_27, %swap3A_28, %swap3A_29] : memref<2x2000x128xf32, #tpu.memory_space<vmem>>, vector<1x2000x128xf32>
    %swap3A_31 = vector.shape_cast %swap3A_30 : vector<1x2000x128xf32> to vector<2000x128xf32>
    %swap3A_32 = vector.shape_cast %slice3A_26 : vector<2000x128xf32> to vector<1x2000x128xf32>
    tpu.vector_store %arg5[%swap3A_27, %swap3A_28, %swap3A_29], %swap3A_32 {strides = array<i32>} : memref<2x2000x128xf32, #tpu.memory_space<vmem>>, vector<1x2000x128xf32>,
    return
  }
  func.func @transform_0(%arg0: i32) -> (i32, i32) {
    %c0_i32 = arith.constant 0 : i32
    %c0_i32_0 = arith.constant 0 : i32
    return %arg0, %c0_i32 : i32, i32
  }
  func.func @transform_1(%arg0: i32) -> (i32, i32) {
    %c0_i32 = arith.constant 0 : i32
    %c0_i32_0 = arith.constant 0 : i32
    return %arg0, %c0_i32 : i32, i32
  }
  func.func @transform_2(%arg0: i32) -> (i32, i32) {
    %c0_i32 = arith.constant 0 : i32
    %c0_i32_0 = arith.constant 0 : i32
    %c0_i32_1 = arith.constant 0 : i32
    return %c0_i32, %c0_i32_0 : i32, i32
  }
  func.func @transform_3(%arg0: i32) -> (i32, i32) {
    %c0_i32 = arith.constant 0 : i32
    %c0_i32_0 = arith.constant 0 : i32
    %c0_i32_1 = arith.constant 0 : i32
    return %c0_i32, %c0_i32_0 : i32, i32
  }
  func.func @transform_4(%arg0: i32) -> (i32, i32, i32) {
    %c0_i32 = arith.constant 0 : i32
    %c0_i32_0 = arith.constant 0 : i32
    %c0_i32_1 = arith.constant 0 : i32
    return %c0_i32, %arg0, %c0_i32_0 : i32, i32, i32
  }
}

module attributes {stable_mosaic.version = 14 : i64} {
  func.func @body(%arg0: i32, %arg1: memref<2x1000x128xf32, #tpu.memory_space<vmem>>, %arg2: memref<1000x128xf32, #tpu.memory_space<vmem>>, %arg3: memref<1000x256xf32, #tpu.memory_space<vmem>>, %arg4: memref<384x256xf32, #tpu.memory_space<vmem>>, %arg5: memref<1x256xf32, #tpu.memory_space<vmem>>, %arg6: memref<256x768xf32, #tpu.memory_space<vmem>>, %arg7: memref<256x768xf32, #tpu.memory_space<vmem>>, %arg8: memref<1x768xf32, #tpu.memory_space<vmem>>, %arg9: memref<1x768xf32, #tpu.memory_space<vmem>>, %arg10: memref<256x256xf32, #tpu.memory_space<vmem>>, %arg11: memref<1x256xf32, #tpu.memory_space<vmem>>, %arg12: memref<256x1xf32, #tpu.memory_space<vmem>>, %arg13: memref<1x1xf32, #tpu.memory_space<vmem>>, %arg14: memref<1000x256xf32, #tpu.memory_space<vmem>>, %arg15: memref<1000x256xf32, #tpu.memory_space<vmem>>, %arg16: memref<1000x1xf32, #tpu.memory_space<vmem>>) attributes {dimension_semantics = [#tpu.dimension_semantics<arbitrary>], iteration_bounds = array<i64: 10>, scalar_prefetch = 0 : i64, scratch_operands = 0 : i64, tpu.core_type = #tpu.core_type<tc>, window_params = [{transform_indices = @transform_0, window_bounds = array<i64: 2, 1000, 128>}, {transform_indices = @transform_1, window_bounds = array<i64: 1000, 128>}, {transform_indices = @transform_2, window_bounds = array<i64: 1000, 256>}, {pipeline_mode = #tpu.pipeline_mode<synchronous>, transform_indices = @transform_3, window_bounds = array<i64: 384, 256>}, {pipeline_mode = #tpu.pipeline_mode<synchronous>, transform_indices = @transform_4, window_bounds = array<i64: 1, 256>}, {pipeline_mode = #tpu.pipeline_mode<synchronous>, transform_indices = @transform_5, window_bounds = array<i64: 256, 768>}, {pipeline_mode = #tpu.pipeline_mode<synchronous>, transform_indices = @transform_6, window_bounds = array<i64: 256, 768>}, {pipeline_mode = #tpu.pipeline_mode<synchronous>, transform_indices = @transform_7, window_bounds = array<i64: 1, 768>}, {pipeline_mode = #tpu.pipeline_mode<synchronous>, transform_indices = @transform_8, window_bounds = array<i64: 1, 768>}, {pipeline_mode = #tpu.pipeline_mode<synchronous>, transform_indices = @transform_9, window_bounds = array<i64: 256, 256>}, {pipeline_mode = #tpu.pipeline_mode<synchronous>, transform_indices = @transform_10, window_bounds = array<i64: 1, 256>}, {pipeline_mode = #tpu.pipeline_mode<synchronous>, transform_indices = @transform_11, window_bounds = array<i64: 256, 1>}, {pipeline_mode = #tpu.pipeline_mode<synchronous>, transform_indices = @transform_12, window_bounds = array<i64: 1, 1>}, {transform_indices = @transform_13, window_bounds = array<i64: 1000, 256>}, {transform_indices = @transform_14, window_bounds = array<i64: 1000, 256>}, {transform_indices = @transform_15, window_bounds = array<i64: 1000, 1>}]} {
    %get3A = arith.constant 0 : index
    %get3A_0 = arith.constant 0 : index
    %get3A_1 = arith.constant 0 : index
    %get3A_2 = vector.load %arg1[%get3A, %get3A_0, %get3A_1] : memref<2x1000x128xf32, #tpu.memory_space<vmem>>, vector<1x1000x128xf32>
    %get3A_3 = vector.shape_cast %get3A_2 : vector<1x1000x128xf32> to vector<1000x128xf32>
    %get3A_4 = arith.constant 0 : index
    %get3A_5 = arith.constant 0 : index
    %get3A_6 = vector.load %arg4[%get3A_4, %get3A_5] : memref<384x256xf32, #tpu.memory_space<vmem>>, vector<128x256xf32>
    %dot_general3A = arith.constant dense<0.000000e+00> : vector<1000x256xf32>
    %dot_general3A_7 = tpu.matmul %get3A_3, %get3A_6, %dot_general3A {dimension_numbers = #tpu.dot_dimension_numbers<[1], [0], [0], [1], [0, 0, 1, 1], [], []>, transpose_lhs_hint = false} : vector<1000x128xf32>, vector<128x256xf32>, vector<1000x256xf32> -> vector<1000x256xf32>
    %get3A_8 = arith.constant 1 : index
    %get3A_9 = arith.constant 0 : index
    %get3A_10 = arith.constant 0 : index
    %get3A_11 = vector.load %arg1[%get3A_8, %get3A_9, %get3A_10] : memref<2x1000x128xf32, #tpu.memory_space<vmem>>, vector<1x1000x128xf32>
    %get3A_12 = vector.shape_cast %get3A_11 : vector<1x1000x128xf32> to vector<1000x128xf32>
    %get3A_13 = arith.constant 128 : index
    %get3A_14 = arith.constant 0 : index
    %get3A_15 = vector.load %arg4[%get3A_13, %get3A_14] : memref<384x256xf32, #tpu.memory_space<vmem>>, vector<128x256xf32>
    %dot_general3A_16 = arith.constant dense<0.000000e+00> : vector<1000x256xf32>
    %dot_general3A_17 = tpu.matmul %get3A_12, %get3A_15, %dot_general3A_16 {dimension_numbers = #tpu.dot_dimension_numbers<[1], [0], [0], [1], [0, 0, 1, 1], [], []>, transpose_lhs_hint = false} : vector<1000x128xf32>, vector<128x256xf32>, vector<1000x256xf32> -> vector<1000x256xf32>
    %add3A = arith.addf %dot_general3A_7, %dot_general3A_17 : vector<1000x256xf32>
    %get3A_18 = arith.constant 0 : index
    %get3A_19 = arith.constant 0 : index
    %get3A_20 = vector.load %arg2[%get3A_18, %get3A_19] : memref<1000x128xf32, #tpu.memory_space<vmem>>, vector<1000x128xf32>
    %get3A_21 = arith.constant 256 : index
    %get3A_22 = arith.constant 0 : index
    %get3A_23 = vector.load %arg4[%get3A_21, %get3A_22] : memref<384x256xf32, #tpu.memory_space<vmem>>, vector<128x256xf32>
    %dot_general3A_24 = arith.constant dense<0.000000e+00> : vector<1000x256xf32>
    %dot_general3A_25 = tpu.matmul %get3A_20, %get3A_23, %dot_general3A_24 {dimension_numbers = #tpu.dot_dimension_numbers<[1], [0], [0], [1], [0, 0, 1, 1], [], []>, transpose_lhs_hint = false} : vector<1000x128xf32>, vector<128x256xf32>, vector<1000x256xf32> -> vector<1000x256xf32>
    %add3A_26 = arith.addf %add3A, %dot_general3A_25 : vector<1000x256xf32>
    %get3A_27 = arith.constant 0 : index
    %get3A_28 = arith.constant 0 : index
    %get3A_29 = vector.load %arg5[%get3A_27, %get3A_28] : memref<1x256xf32, #tpu.memory_space<vmem>>, vector<1x256xf32>
    %add3A_30 = vector.broadcast %get3A_29 : vector<1x256xf32> to vector<1000x256xf32>
    %add3A_31 = arith.addf %add3A_26, %add3A_30 : vector<1000x256xf32>
    %max3A = arith.constant 0.000000e+00 : f32
    %max3A_32 = vector.broadcast %max3A : f32 to vector<1000x256xf32>
    %max3A_33 = arith.maximumf %add3A_31, %max3A_32 : vector<1000x256xf32>
    %get3A_34 = arith.constant 0 : index
    %get3A_35 = arith.constant 0 : index
    %get3A_36 = vector.load %arg3[%get3A_34, %get3A_35] : memref<1000x256xf32, #tpu.memory_space<vmem>>, vector<1000x256xf32>
    %get3A_37 = arith.constant 0 : index
    %get3A_38 = arith.constant 0 : index
    %get3A_39 = vector.load %arg6[%get3A_37, %get3A_38] : memref<256x768xf32, #tpu.memory_space<vmem>>, vector<256x768xf32>
    %dot_general3A_40 = arith.constant dense<0.000000e+00> : vector<1000x768xf32>
    %dot_general3A_41 = tpu.matmul %max3A_33, %get3A_39, %dot_general3A_40 {dimension_numbers = #tpu.dot_dimension_numbers<[1], [0], [0], [1], [0, 0, 1, 1], [], []>, transpose_lhs_hint = false} : vector<1000x256xf32>, vector<256x768xf32>, vector<1000x768xf32> -> vector<1000x768xf32>
    %get3A_42 = arith.constant 0 : index
    %get3A_43 = arith.constant 0 : index
    %get3A_44 = vector.load %arg8[%get3A_42, %get3A_43] : memref<1x768xf32, #tpu.memory_space<vmem>>, vector<1x768xf32>
    %add3A_45 = vector.broadcast %get3A_44 : vector<1x768xf32> to vector<1000x768xf32>
    %add3A_46 = arith.addf %dot_general3A_41, %add3A_45 : vector<1000x768xf32>
    %get3A_47 = arith.constant 0 : index
    %get3A_48 = arith.constant 0 : index
    %get3A_49 = vector.load %arg7[%get3A_47, %get3A_48] : memref<256x768xf32, #tpu.memory_space<vmem>>, vector<256x768xf32>
    %dot_general3A_50 = arith.constant dense<0.000000e+00> : vector<1000x768xf32>
    %dot_general3A_51 = tpu.matmul %get3A_36, %get3A_49, %dot_general3A_50 {dimension_numbers = #tpu.dot_dimension_numbers<[1], [0], [0], [1], [0, 0, 1, 1], [], []>, transpose_lhs_hint = false} : vector<1000x256xf32>, vector<256x768xf32>, vector<1000x768xf32> -> vector<1000x768xf32>
    %get3A_52 = arith.constant 0 : index
    %get3A_53 = arith.constant 0 : index
    %get3A_54 = vector.load %arg9[%get3A_52, %get3A_53] : memref<1x768xf32, #tpu.memory_space<vmem>>, vector<1x768xf32>
    %add3A_55 = vector.broadcast %get3A_54 : vector<1x768xf32> to vector<1000x768xf32>
    %add3A_56 = arith.addf %dot_general3A_51, %add3A_55 : vector<1000x768xf32>
    %slice3A = vector.extract_strided_slice %add3A_46 {offsets = [0, 0], sizes = [1000, 256], strides = [1, 1]} : vector<1000x768xf32> to vector<1000x256xf32>
    %slice3A_57 = vector.extract_strided_slice %add3A_56 {offsets = [0, 0], sizes = [1000, 256], strides = [1, 1]} : vector<1000x768xf32> to vector<1000x256xf32>
    %add3A_58 = arith.addf %slice3A, %slice3A_57 : vector<1000x256xf32>
    %logistic3A = arith.negf %add3A_58 : vector<1000x256xf32>
    %logistic3A_59 = math.exp %logistic3A : vector<1000x256xf32>
    %logistic3A_60 = arith.constant 1.000000e+00 : f32
    %logistic3A_61 = vector.broadcast %logistic3A_60 : f32 to vector<1000x256xf32>
    %logistic3A_62 = arith.addf %logistic3A_61, %logistic3A_59 : vector<1000x256xf32>
    %logistic3A_63 = arith.divf %logistic3A_61, %logistic3A_62 : vector<1000x256xf32>
    %slice3A_64 = vector.extract_strided_slice %add3A_46 {offsets = [0, 256], sizes = [1000, 256], strides = [1, 1]} : vector<1000x768xf32> to vector<1000x256xf32>
    %slice3A_65 = vector.extract_strided_slice %add3A_56 {offsets = [0, 256], sizes = [1000, 256], strides = [1, 1]} : vector<1000x768xf32> to vector<1000x256xf32>
    %add3A_66 = arith.addf %slice3A_64, %slice3A_65 : vector<1000x256xf32>
    %logistic3A_67 = arith.negf %add3A_66 : vector<1000x256xf32>
    %logistic3A_68 = math.exp %logistic3A_67 : vector<1000x256xf32>
    %logistic3A_69 = arith.constant 1.000000e+00 : f32
    %logistic3A_70 = vector.broadcast %logistic3A_69 : f32 to vector<1000x256xf32>
    %logistic3A_71 = arith.addf %logistic3A_70, %logistic3A_68 : vector<1000x256xf32>
    %logistic3A_72 = arith.divf %logistic3A_70, %logistic3A_71 : vector<1000x256xf32>
    %slice3A_73 = vector.extract_strided_slice %add3A_46 {offsets = [0, 512], sizes = [1000, 256], strides = [1, 1]} : vector<1000x768xf32> to vector<1000x256xf32>
    %slice3A_74 = vector.extract_strided_slice %add3A_56 {offsets = [0, 512], sizes = [1000, 256], strides = [1, 1]} : vector<1000x768xf32> to vector<1000x256xf32>
    %mul3A = arith.mulf %logistic3A_63, %slice3A_74 : vector<1000x256xf32>
    %add3A_75 = arith.addf %slice3A_73, %mul3A : vector<1000x256xf32>
    %tanh3A = math.tanh %add3A_75 : vector<1000x256xf32>
    %sub3A = arith.constant 1.000000e+00 : f32
    %sub3A_76 = vector.broadcast %sub3A : f32 to vector<1000x256xf32>
    %sub3A_77 = arith.subf %sub3A_76, %logistic3A_72 : vector<1000x256xf32>
    %mul3A_78 = arith.mulf %sub3A_77, %tanh3A : vector<1000x256xf32>
    %mul3A_79 = arith.mulf %logistic3A_72, %get3A_36 : vector<1000x256xf32>
    %add3A_80 = arith.addf %mul3A_78, %mul3A_79 : vector<1000x256xf32>
    %swap3A = arith.constant 0 : index
    %swap3A_81 = arith.constant 0 : index
    %swap3A_82 = vector.load %arg14[%swap3A, %swap3A_81] : memref<1000x256xf32, #tpu.memory_space<vmem>>, vector<1000x256xf32>
    tpu.vector_store %arg14[%swap3A, %swap3A_81], %add3A_80 {strides = array<i32>} : memref<1000x256xf32, #tpu.memory_space<vmem>>, vector<1000x256xf32>,
    %get3A_83 = arith.constant 0 : index
    %get3A_84 = arith.constant 0 : index
    %get3A_85 = vector.load %arg10[%get3A_83, %get3A_84] : memref<256x256xf32, #tpu.memory_space<vmem>>, vector<256x256xf32>
    %dot_general3A_86 = arith.constant dense<0.000000e+00> : vector<1000x256xf32>
    %dot_general3A_87 = tpu.matmul %add3A_80, %get3A_85, %dot_general3A_86 {dimension_numbers = #tpu.dot_dimension_numbers<[1], [0], [0], [1], [0, 0, 1, 1], [], []>, transpose_lhs_hint = false} : vector<1000x256xf32>, vector<256x256xf32>, vector<1000x256xf32> -> vector<1000x256xf32>
    %get3A_88 = arith.constant 0 : index
    %get3A_89 = arith.constant 0 : index
    %get3A_90 = vector.load %arg11[%get3A_88, %get3A_89] : memref<1x256xf32, #tpu.memory_space<vmem>>, vector<1x256xf32>
    %add3A_91 = vector.broadcast %get3A_90 : vector<1x256xf32> to vector<1000x256xf32>
    %add3A_92 = arith.addf %dot_general3A_87, %add3A_91 : vector<1000x256xf32>
    %swap3A_93 = arith.constant 0 : index
    %swap3A_94 = arith.constant 0 : index
    %swap3A_95 = vector.load %arg15[%swap3A_93, %swap3A_94] : memref<1000x256xf32, #tpu.memory_space<vmem>>, vector<1000x256xf32>
    tpu.vector_store %arg15[%swap3A_93, %swap3A_94], %add3A_92 {strides = array<i32>} : memref<1000x256xf32, #tpu.memory_space<vmem>>, vector<1000x256xf32>,
    %get3A_96 = arith.constant 0 : index
    %get3A_97 = arith.constant 0 : index
    %get3A_98 = vector.load %arg12[%get3A_96, %get3A_97] : memref<256x1xf32, #tpu.memory_space<vmem>>, vector<256x1xf32>
    %dot_general3A_99 = arith.constant dense<0.000000e+00> : vector<1000x1xf32>
    %dot_general3A_100 = tpu.matmul %add3A_80, %get3A_98, %dot_general3A_99 {dimension_numbers = #tpu.dot_dimension_numbers<[1], [0], [0], [1], [0, 0, 1, 1], [], []>, transpose_lhs_hint = false} : vector<1000x256xf32>, vector<256x1xf32>, vector<1000x1xf32> -> vector<1000x1xf32>
    %get3A_101 = arith.constant 0 : index
    %get3A_102 = arith.constant 0 : index
    %get3A_103 = vector.load %arg13[%get3A_101, %get3A_102] : memref<1x1xf32, #tpu.memory_space<vmem>>, vector<1x1xf32>
    %add3A_104 = vector.broadcast %get3A_103 : vector<1x1xf32> to vector<1000x1xf32>
    %add3A_105 = arith.addf %dot_general3A_100, %add3A_104 : vector<1000x1xf32>
    %swap3A_106 = arith.constant 0 : index
    %swap3A_107 = arith.constant 0 : index
    %swap3A_108 = vector.load %arg16[%swap3A_106, %swap3A_107] : memref<1000x1xf32, #tpu.memory_space<vmem>>, vector<1000x1xf32>
    tpu.vector_store %arg16[%swap3A_106, %swap3A_107], %add3A_105 {strides = array<i32>} : memref<1000x1xf32, #tpu.memory_space<vmem>>, vector<1000x1xf32>,
    return
  }
  func.func @transform_0(%arg0: i32) -> (i32, i32, i32) {
    %c0_i32 = arith.constant 0 : i32
    %c0_i32_0 = arith.constant 0 : i32
    %c0_i32_1 = arith.constant 0 : i32
    return %c0_i32, %arg0, %c0_i32_0 : i32, i32, i32
  }
  func.func @transform_1(%arg0: i32) -> (i32, i32) {
    %c0_i32 = arith.constant 0 : i32
    %c0_i32_0 = arith.constant 0 : i32
    return %arg0, %c0_i32 : i32, i32
  }
  func.func @transform_2(%arg0: i32) -> (i32, i32) {
    %c0_i32 = arith.constant 0 : i32
    %c0_i32_0 = arith.constant 0 : i32
    return %arg0, %c0_i32 : i32, i32
  }
  func.func @transform_3(%arg0: i32) -> (i32, i32) {
    %c0_i32 = arith.constant 0 : i32
    %c0_i32_0 = arith.constant 0 : i32
    %c0_i32_1 = arith.constant 0 : i32
    return %c0_i32, %c0_i32_0 : i32, i32
  }
  func.func @transform_4(%arg0: i32) -> (i32, i32) {
    %c0_i32 = arith.constant 0 : i32
    %c0_i32_0 = arith.constant 0 : i32
    %c0_i32_1 = arith.constant 0 : i32
    return %c0_i32, %c0_i32_0 : i32, i32
  }
  func.func @transform_5(%arg0: i32) -> (i32, i32) {
    %c0_i32 = arith.constant 0 : i32
    %c0_i32_0 = arith.constant 0 : i32
    %c0_i32_1 = arith.constant 0 : i32
    return %c0_i32, %c0_i32_0 : i32, i32
  }
  func.func @transform_6(%arg0: i32) -> (i32, i32) {
    %c0_i32 = arith.constant 0 : i32
    %c0_i32_0 = arith.constant 0 : i32
    %c0_i32_1 = arith.constant 0 : i32
    return %c0_i32, %c0_i32_0 : i32, i32
  }
  func.func @transform_7(%arg0: i32) -> (i32, i32) {
    %c0_i32 = arith.constant 0 : i32
    %c0_i32_0 = arith.constant 0 : i32
    %c0_i32_1 = arith.constant 0 : i32
    return %c0_i32, %c0_i32_0 : i32, i32
  }
  func.func @transform_8(%arg0: i32) -> (i32, i32) {
    %c0_i32 = arith.constant 0 : i32
    %c0_i32_0 = arith.constant 0 : i32
    %c0_i32_1 = arith.constant 0 : i32
    return %c0_i32, %c0_i32_0 : i32, i32
  }
  func.func @transform_9(%arg0: i32) -> (i32, i32) {
    %c0_i32 = arith.constant 0 : i32
    %c0_i32_0 = arith.constant 0 : i32
    %c0_i32_1 = arith.constant 0 : i32
    return %c0_i32, %c0_i32_0 : i32, i32
  }
  func.func @transform_10(%arg0: i32) -> (i32, i32) {
    %c0_i32 = arith.constant 0 : i32
    %c0_i32_0 = arith.constant 0 : i32
    %c0_i32_1 = arith.constant 0 : i32
    return %c0_i32, %c0_i32_0 : i32, i32
  }
  func.func @transform_11(%arg0: i32) -> (i32, i32) {
    %c0_i32 = arith.constant 0 : i32
    %c0_i32_0 = arith.constant 0 : i32
    %c0_i32_1 = arith.constant 0 : i32
    return %c0_i32, %c0_i32_0 : i32, i32
  }
  func.func @transform_12(%arg0: i32) -> (i32, i32) {
    %c0_i32 = arith.constant 0 : i32
    %c0_i32_0 = arith.constant 0 : i32
    %c0_i32_1 = arith.constant 0 : i32
    return %c0_i32, %c0_i32_0 : i32, i32
  }
  func.func @transform_13(%arg0: i32) -> (i32, i32) {
    %c0_i32 = arith.constant 0 : i32
    %c0_i32_0 = arith.constant 0 : i32
    return %arg0, %c0_i32 : i32, i32
  }
  func.func @transform_14(%arg0: i32) -> (i32, i32) {
    %c0_i32 = arith.constant 0 : i32
    %c0_i32_0 = arith.constant 0 : i32
    return %arg0, %c0_i32 : i32, i32
  }
  func.func @transform_15(%arg0: i32) -> (i32, i32) {
    %c0_i32 = arith.constant 0 : i32
    %c0_i32_0 = arith.constant 0 : i32
    return %arg0, %c0_i32 : i32, i32
  }
}

module attributes {stable_mosaic.version = 14 : i64} {
  func.func @body(%arg0: i32, %arg1: memref<2000x128xf32, #tpu.memory_space<vmem>>, %arg2: memref<2000x256xf32, #tpu.memory_space<vmem>>, %arg3: memref<2000x16xf32, #tpu.memory_space<vmem>>, %arg4: memref<128x256xf32, #tpu.memory_space<vmem>>, %arg5: memref<16x256xf32, #tpu.memory_space<vmem>>, %arg6: memref<256x8xf32, #tpu.memory_space<vmem>>, %arg7: memref<1x8xf32, #tpu.memory_space<vmem>>, %arg8: memref<2000x8xf32, #tpu.memory_space<vmem>>) attributes {dimension_semantics = [#tpu.dimension_semantics<arbitrary>], iteration_bounds = array<i64: 160>, scalar_prefetch = 0 : i64, scratch_operands = 0 : i64, tpu.core_type = #tpu.core_type<tc>, window_params = [{transform_indices = @transform_0, window_bounds = array<i64: 2000, 128>}, {transform_indices = @transform_1, window_bounds = array<i64: 2000, 256>}, {transform_indices = @transform_2, window_bounds = array<i64: 2000, 16>}, {pipeline_mode = #tpu.pipeline_mode<synchronous>, transform_indices = @transform_3, window_bounds = array<i64: 128, 256>}, {pipeline_mode = #tpu.pipeline_mode<synchronous>, transform_indices = @transform_4, window_bounds = array<i64: 16, 256>}, {pipeline_mode = #tpu.pipeline_mode<synchronous>, transform_indices = @transform_5, window_bounds = array<i64: 256, 8>}, {pipeline_mode = #tpu.pipeline_mode<synchronous>, transform_indices = @transform_6, window_bounds = array<i64: 1, 8>}, {transform_indices = @transform_7, window_bounds = array<i64: 2000, 8>}]} {
    %get3A = arith.constant 0 : index
    %get3A_0 = arith.constant 0 : index
    %get3A_1 = vector.load %arg1[%get3A, %get3A_0] : memref<2000x128xf32, #tpu.memory_space<vmem>>, vector<2000x128xf32>
    %get3A_2 = arith.constant 0 : index
    %get3A_3 = arith.constant 0 : index
    %get3A_4 = vector.load %arg4[%get3A_2, %get3A_3] : memref<128x256xf32, #tpu.memory_space<vmem>>, vector<128x256xf32>
    %dot_general3A = arith.constant dense<0.000000e+00> : vector<2000x256xf32>
    %dot_general3A_5 = tpu.matmul %get3A_1, %get3A_4, %dot_general3A {dimension_numbers = #tpu.dot_dimension_numbers<[1], [0], [0], [1], [0, 0, 1, 1], [], []>, transpose_lhs_hint = false} : vector<2000x128xf32>, vector<128x256xf32>, vector<2000x256xf32> -> vector<2000x256xf32>
    %get3A_6 = arith.constant 0 : index
    %get3A_7 = arith.constant 0 : index
    %get3A_8 = vector.load %arg3[%get3A_6, %get3A_7] : memref<2000x16xf32, #tpu.memory_space<vmem>>, vector<2000x16xf32>
    %get3A_9 = arith.constant 0 : index
    %get3A_10 = arith.constant 0 : index
    %get3A_11 = vector.load %arg5[%get3A_9, %get3A_10] : memref<16x256xf32, #tpu.memory_space<vmem>>, vector<16x256xf32>
    %dot_general3A_12 = arith.constant dense<0.000000e+00> : vector<2000x256xf32>
    %dot_general3A_13 = tpu.matmul %get3A_8, %get3A_11, %dot_general3A_12 {dimension_numbers = #tpu.dot_dimension_numbers<[1], [0], [0], [1], [0, 0, 1, 1], [], []>, transpose_lhs_hint = false} : vector<2000x16xf32>, vector<16x256xf32>, vector<2000x256xf32> -> vector<2000x256xf32>
    %add3A = arith.addf %dot_general3A_5, %dot_general3A_13 : vector<2000x256xf32>
    %get3A_14 = arith.constant 0 : index
    %get3A_15 = arith.constant 0 : index
    %get3A_16 = vector.load %arg2[%get3A_14, %get3A_15] : memref<2000x256xf32, #tpu.memory_space<vmem>>, vector<2000x256xf32>
    %add3A_17 = arith.addf %add3A, %get3A_16 : vector<2000x256xf32>
    %max3A = arith.constant 0.000000e+00 : f32
    %max3A_18 = vector.broadcast %max3A : f32 to vector<2000x256xf32>
    %max3A_19 = arith.maximumf %add3A_17, %max3A_18 : vector<2000x256xf32>
    %get3A_20 = arith.constant 0 : index
    %get3A_21 = arith.constant 0 : index
    %get3A_22 = vector.load %arg6[%get3A_20, %get3A_21] : memref<256x8xf32, #tpu.memory_space<vmem>>, vector<256x8xf32>
    %dot_general3A_23 = arith.constant dense<0.000000e+00> : vector<2000x8xf32>
    %dot_general3A_24 = tpu.matmul %max3A_19, %get3A_22, %dot_general3A_23 {dimension_numbers = #tpu.dot_dimension_numbers<[1], [0], [0], [1], [0, 0, 1, 1], [], []>, transpose_lhs_hint = false} : vector<2000x256xf32>, vector<256x8xf32>, vector<2000x8xf32> -> vector<2000x8xf32>
    %get3A_25 = arith.constant 0 : index
    %get3A_26 = arith.constant 0 : index
    %get3A_27 = vector.load %arg7[%get3A_25, %get3A_26] : memref<1x8xf32, #tpu.memory_space<vmem>>, vector<1x8xf32>
    %add3A_28 = vector.broadcast %get3A_27 : vector<1x8xf32> to vector<2000x8xf32>
    %add3A_29 = arith.addf %dot_general3A_24, %add3A_28 : vector<2000x8xf32>
    %swap3A = arith.constant 0 : index
    %swap3A_30 = arith.constant 0 : index
    %swap3A_31 = vector.load %arg8[%swap3A, %swap3A_30] : memref<2000x8xf32, #tpu.memory_space<vmem>>, vector<2000x8xf32>
    tpu.vector_store %arg8[%swap3A, %swap3A_30], %add3A_29 {strides = array<i32>} : memref<2000x8xf32, #tpu.memory_space<vmem>>, vector<2000x8xf32>,
    return
  }
  func.func @transform_0(%arg0: i32) -> (i32, i32) {
    %c0_i32 = arith.constant 0 : i32
    %c0_i32_0 = arith.constant 0 : i32
    return %arg0, %c0_i32 : i32, i32
  }
  func.func @transform_1(%arg0: i32) -> (i32, i32) {
    %c0_i32 = arith.constant 0 : i32
    %c0_i32_0 = arith.constant 0 : i32
    return %arg0, %c0_i32 : i32, i32
  }
  func.func @transform_2(%arg0: i32) -> (i32, i32) {
    %c0_i32 = arith.constant 0 : i32
    %c0_i32_0 = arith.constant 0 : i32
    return %arg0, %c0_i32 : i32, i32
  }
  func.func @transform_3(%arg0: i32) -> (i32, i32) {
    %c0_i32 = arith.constant 0 : i32
    %c0_i32_0 = arith.constant 0 : i32
    %c0_i32_1 = arith.constant 0 : i32
    return %c0_i32, %c0_i32_0 : i32, i32
  }
  func.func @transform_4(%arg0: i32) -> (i32, i32) {
    %c0_i32 = arith.constant 0 : i32
    %c0_i32_0 = arith.constant 0 : i32
    %c0_i32_1 = arith.constant 0 : i32
    return %c0_i32, %c0_i32_0 : i32, i32
  }
  func.func @transform_5(%arg0: i32) -> (i32, i32) {
    %c0_i32 = arith.constant 0 : i32
    %c0_i32_0 = arith.constant 0 : i32
    %c0_i32_1 = arith.constant 0 : i32
    return %c0_i32, %c0_i32_0 : i32, i32
  }
  func.func @transform_6(%arg0: i32) -> (i32, i32) {
    %c0_i32 = arith.constant 0 : i32
    %c0_i32_0 = arith.constant 0 : i32
    %c0_i32_1 = arith.constant 0 : i32
    return %c0_i32, %c0_i32_0 : i32, i32
  }
  func.func @transform_7(%arg0: i32) -> (i32, i32) {
    %c0_i32 = arith.constant 0 : i32
    %c0_i32_0 = arith.constant 0 : i32
    return %arg0, %c0_i32 : i32, i32
  }
}

</mosaic_0001>

<sc_bundles>
// kernel: gather_offload_async_start.1
scs
__scs_entry_jumppad:
0x0: {  	(pc) =	sbr.rel $0x88, $3  }
0x1: {  	(tag) =	ssettag $0x0;
	lr =	simm.s32 $0x1  }
0x2: {  	[smem:$0x3F8E] =	sst lr;
	_ =	strace $0xD0000000  }
0x3: {  	_ = 	snop  }
0x4: {  	_ = 	snop  }
0x5: {  	_ = 	snop  }
0x6: {  	_ = 	snop  }
0x7: {  	_ = 	snop  }
__scs_overlays_trampoline_lowered:
0x8: {  	[smem:$0x3F9D] =	sst s0  }
0x9: {  	[smem:$0x3F9E] =	sst s1  }
0xa: {  	[smem:$0x3F9F] =	sst s2  }
0xb: {  	[smem:$0x3FA0] =	sst s3  }
0xc: {  	[smem:$0x3FA1] =	sst s4  }
0xd: {  	[smem:$0x3FA2] =	sst s5  }
0xe: {  	[smem:$0x3FA3] =	sst s6  }
0xf: {  	[smem:$0x3FA4] =	sst s7  }
0x10: {  	[smem:$0x3FA5] =	sst s8  }
0x11: {  	[smem:$0x3FA6] =	sst s9;
	s0 =	simm.s32 @!p0 $0x0  }
0x12: {  	s1 =	sld [smem:$0x3F8C];
	s0 =	simm.s32 @p0 $0x1  }
0x13: {  	[smem:$0x3FA7] =	sst s0;
	s0 =	simm.s32 @!p1 $0x0  }
0x14: {  	s2 =	sld [smem:$0x3F8B];
	s0 =	simm.s32 @p1 $0x1  }
0x15: {  	[smem:$0x3FA8] =	sst s0;
	s0 =	simm.s32 @!p2 $0x0  }
0x16: {  	s3 =	sld [smem:$0x3FDB];
	s0 =	simm.s32 @p2 $0x1  }
0x17: {  	s4 =	simm.s32 $0x1BF5;
	[smem:$0x3FAA] =	sst s0  }
0x18: {  	s0 =	sld [smem:$0x3F8D];
	_ =	swait.ge [sflag:s4], $0x0  }
0x19: {  	s7 =	sld [smem:$0x3F8E]  }
0x1a: {  	s8 =	sadd.s32 $0xFFFFE003, lr  }
0x1b: {  	s9 =	sadd.s32 $0xFFFFFEF7, lr;
	s5 =	simm.s32 $0xFFFFFFFF;
	p2 =	slt.u32 s8, $0xFFFFF086  }
0x1c: {  	p1 =	slt.u32 s9, $0xF7A;
	s5 =	simm.s32 @!p2 $0x0  }
0x1d: {  	s5 =	simm.s32 @p1 $0x1;
	p0 =	seq.s32 s7, s2  }
0x1e: {  	s7 =	smul.u32 @!p0 $0xF7A, s2;
	p2 =	seq.s32 @!p0 s5, $0x0  }
0x1f: {  	s9 =	smul.u32 $0xF7A, s1;
	s8 =	simm.s32 @!p0 $0x1BF5;
	p2 =	por !p2, p0  }
0x20: {  	[sflag:s8] =	ssyncset.s32 @!p0 $0xFFFFF086;
	s6 =	sadd.s32 @!p0 s3, s7;
	s7 =	simm.s32 @!p0 $0x108  }
0x21: {  	s3 =	sadd.s32 s3, s9;
	s6 =	sadd.s32 @!p0 $0x88, s6;
	s7 =	simm.s32 @p2 $0x1082  }
0x22: {  	[simem:s7], [sflag:s8] =	dma.local @!p0 [hbm:s6], $0xF7A  }
0x23: {  	s9 =	sor.u32 $0xD0000000, s2;
	s6 =	simm.s32 $0x108;
	_ =	swait.ge @!p0 [sflag:s8], $0x0  }
0x24: {  	s3 =	sadd.s32 $0x88, s3;
	s6 =	simm.s32 @!p1 $0x1082;
	[sflag:s4] =	ssyncset.s32 $0xFFFFF086  }
0x25: {  	[simem:s6], [sflag:s4] =	dma.local [hbm:s3], $0xF7A  }
0x26: {  	[smem:$0x3F8E] =	sst s1;
	(tag) =	ssettag s2;
	_ =	strace s9  }
0x27: {  	s1 =	sld [smem:$0x3F9E]  }
0x28: {  	s2 =	sld [smem:$0x3F9F]  }
0x29: {  	s4 =	sld [smem:$0x3FA1]  }
0x2a: {  	p0 =	seq.s32 s5, $0x0;
	s5 =	sld [smem:$0x3FA2]  }
0x2b: {  	s6 =	sld [smem:$0x3FA3]  }
0x2c: {  	s7 =	sld [smem:$0x3FA4]  }
0x2d: {  	s3 =	simm.s32 $0x108;
	s8 =	sld [smem:$0x3FA5]  }
0x2e: {  	s3 =	simm.s32 @!p0 $0x1082;
	s9 =	sld [smem:$0x3FA6]  }
0x2f: {  	lr =	sadd.s32 s0, s3;
	s0 =	sld [smem:$0x3F9D]  }
0x30: {  	s3 =	sld [smem:$0x3FA0]  }
0x31: {  	[smem:$0x3FA9] =	sst s10  }
0x32: {  	s10 =	sld [smem:$0x3FA7];
	_ =	sdelay $0x3  }
0x33: {  	p0 =	seq.s32 s10, $0x1;
	s10 =	sld [smem:$0x3FA9];
	_ =	sdelay $0x3  }
0x34: {  	[smem:$0x3FA9] =	sst s10  }
0x35: {  	s10 =	sld [smem:$0x3FA8];
	_ =	sdelay $0x3  }
0x36: {  	p1 =	seq.s32 s10, $0x1;
	s10 =	sld [smem:$0x3FA9];
	_ =	sdelay $0x3  }
0x37: {  	[smem:$0x3FA9] =	sst s10  }
0x38: {  	s10 =	sld [smem:$0x3FAA]  }
0x39: {  	_ = 	snop;
	(pc) =	sbr.ind lr, $3  }
0x3a: {  	_ = 	snop  }
0x3b: {  	_ = 	snop  }
0x3c: {  	p2 =	seq.s32 s10, $0x1;
	s10 =	sld [smem:$0x3FA9]  }
0x3d: {  	_ =	shalt  }
0x3e: {  	_ =	shalt  }
0x3f: {  	_ =	shalt  }
0x40: {  	_ =	shalt  }
0x41: {  	_ =	shalt  }
0x42: {  	_ =	shalt  }
0x43: {  	_ =	shalt  }
0x44: {  	_ =	shalt  }
0x45: {  	_ =	shalt  }
0x46: {  	_ =	shalt  }
0x47: {  	_ =	shalt  }
0x48: {  	_ =	shalt  }
0x49: {  	_ =	shalt  }
0x4a: {  	_ =	shalt  }
0x4b: {  	_ =	shalt  }
0x4c: {  	_ =	shalt  }
0x4d: {  	_ =	shalt  }
0x4e: {  	_ =	shalt  }
0x4f: {  	_ =	shalt  }
0x50: {  	_ =	shalt  }
0x51: {  	_ =	shalt  }
0x52: {  	_ =	shalt  }
0x53: {  	_ =	shalt  }
0x54: {  	_ =	shalt  }
0x55: {  	_ =	shalt  }
0x56: {  	_ =	shalt  }
0x57: {  	_ =	shalt  }
0x58: {  	_ =	shalt  }
0x59: {  	_ =	shalt  }
0x5a: {  	_ =	shalt  }
0x5b: {  	_ =	shalt  }
0x5c: {  	_ =	shalt  }
0x5d: {  	_ =	shalt  }
0x5e: {  	_ =	shalt  }
0x5f: {  	_ =	shalt  }
0x60: {  	_ =	shalt  }
0x61: {  	_ =	shalt  }
0x62: {  	_ =	shalt  }
0x63: {  	_ =	shalt  }
0x64: {  	_ =	shalt  }
0x65: {  	_ =	shalt  }
0x66: {  	_ =	shalt  }
0x67: {  	_ =	shalt  }
0x68: {  	_ =	shalt  }
0x69: {  	_ =	shalt  }
0x6a: {  	_ =	shalt  }
0x6b: {  	_ =	shalt  }
0x6c: {  	_ =	shalt  }
0x6d: {  	_ =	shalt  }
0x6e: {  	_ =	shalt  }
0x6f: {  	_ =	shalt  }
0x70: {  	_ =	shalt  }
0x71: {  	_ =	shalt  }
0x72: {  	_ =	shalt  }
0x73: {  	_ =	shalt  }
0x74: {  	_ =	shalt  }
0x75: {  	_ =	shalt  }
0x76: {  	_ =	shalt  }
0x77: {  	_ =	shalt  }
0x78: {  	_ =	shalt  }
0x79: {  	_ =	shalt  }
0x7a: {  	_ =	shalt  }
0x7b: {  	_ =	shalt  }
0x7c: {  	_ =	shalt  }
0x7d: {  	_ =	shalt  }
0x7e: {  	_ =	shalt  }
0x7f: {  	_ =	shalt  }
0x80: {  	_ =	shalt  }
0x81: {  	_ =	shalt  }
0x82: {  	_ =	shalt  }
0x83: {  	_ =	shalt  }
0x84: {  	_ =	shalt  }
0x85: {  	_ =	shalt  }
0x86: {  	_ =	shalt  }
0x87: {  	_ =	shalt  }
.Lfunc_end0:
.L_simem_size_0:
called_computation.1_lowered:
.L_overlay_start_0:
0x88: {  	s2 =	sld [smem:$0x3FD9]  }
0x89: {  	s3 =	sld [smem:$0x3FFE];
	_ =	sdelay $0x1  }
0x8a: {  	s1 =	srdreg.scid  }
0x8b: {  	s0 =	sand.u32 $0x1, s1  }
0x8c: {  	s16 =	sshll.u32 s0, $0xA;
	s2 =	sadd.s32 s3, s2  }
0x8d: {  	s2 =	sadd.s32 s2, s16  }
0x8e: {  	[smem:$0x3FB5] =	sst s2  }
0x8f: {  	_ = 	snop  }
0x90: {  	(tm) =	ssettm $0x1  }
0x91: {  	s17 =	sld [smem:$0x3FFB];
	_ =	sdelay $0x3  }
0x92: {  	_ =	strace s17  }
0x93: {  	s2 =	sld [smem:$0x3FFC];
	_ =	sdelay $0x3  }
0x94: {  	_ =	strace s2  }
0x95: {  	s2 =	sld [smem:$0x3FFD];
	_ =	sdelay $0x3  }
0x96: {  	_ =	strace s2  }
0x97: {  	_ =	strace $0x8FFFFFFF  }
0x98: {  	s18 =	sld [smem:$0x3FDB];
	_ =	sdelay $0x1  }
0x99: {  	s19 =	simm.s32 $_scs_section_size  }
0x9a: {  	s4 =	simm.s32 $_size__tile_overlayer_lowered;
	s5 =	simm.s32 $_tile_overlayer_lowered  }
0x9b: {  	s22 =	simm.s32 $0x1BFF;
	s21 =	sshll.u32 s5, $0x1;
	s2 =	sadd.s32 s19, s18  }
0x9c: {  	s6 =	simm.s32 $0x0;
	s20 =	sshll.u32 s4, $0x1;
	s4 =	sadd.s32 s21, s2  }
0x9d: {  	[timem:s6], [sflag:s22] =	dma.local [hbm:s4], s20  }
0x9e: {  	_ =	swait.ge [sflag:s22], s20  }
0x9f: {  	s3 =	ssub.s32 $0x0, s20;
	[sflag:s22] =	ssyncset.done $0x0  }
0xa0: {  	[sflag:s22] =	ssyncadd.s32 s3;
	_ =	sdelay $0x1  }
0xa1: {  	s23 =	simm.s32 $0x1B8B  }
0xa2: {  	_ =	swait.ge [sflag:s23], $0x1  }
0xa3: {  	[sflag:s23] =	ssyncset.done $0x0  }
0xa4: {  	s25 =	simm.s32 $0x1B8E;
	s24 =	sld [smem:$0x3FFE];
	[sflag:s23] =	ssyncadd.s32 $0xFFFFFFFF  }
0xa5: {  	s26 =	simm.s32 $execute0_lowered;
	[smem:$0x3FD2] =	sst s25  }
0xa6: {  	s4 =	sshll.u32 s26, $0x1;
	_ =	strace $0x8000004C;
	[dreg:$0x1] =	wrdreg $0xFFFFFFFF  }
0xa7: {  	s28 =	simm.s32 $_size_execute0_lowered;
	s2 =	sadd.s32 s2, s4;
	[dreg:$0x0] =	wrdreg $0x0  }
0xa8: {  	s4 =	sshll.u32 s28, $0x1;
	[dreg:$0x2] =	wrdreg s2  }
0xa9: {  	[dreg:$0x3] =	wrdreg s4  }
0xaa: {  	[dreg:$0x4] =	wrdreg $0xC0  }
0xab: {  	_ =	task [dreg:s6], $0x5FFFF  }
0xac: {  	[dreg:$0x1] =	wrdreg $0xFFFFFFFF  }
0xad: {  	[dreg:$0x0] =	wrdreg $0x60  }
0xae: {  	[dreg:$0x2] =	wrdreg s24  }
0xaf: {  	[dreg:$0x3] =	wrdreg $0x9  }
0xb0: {  	_ =	task.clear_ibuf [dreg:s6], $0x4FFFF;
	_ =	strace $0x9000004C  }
0xb1: {  	s29 =	simm.s32 $0x9;
	_ =	strace $0x8000004E  }
0xb2: {  	_ =	swait.ge [sflag:s29], $0x1  }
0xb3: {  	[sflag:s29] =	ssyncadd.s32 $0xFFFFFFFF  }
0xb4: {  	_ =	strace $0x9000004E  }
0xb5: {  	_ =	sfence  }
0xb6: {  	s30 =	sld [smem:$0x0];
	_ =	sdelay $0x2  }
0xb7: {  	s31 =	sshll.u32 s1, $0xD;
	s1 =	sshrl.u32 s1, $0x2  }
0xb8: {  	s3 =	sand.u32 $0x4000, s31;
	s1 =	sadd.s32 s1, s30  }
0xb9: {  	s0 =	sor.u32 s3, s0;
	s1 =	sshll.u32 s1, $0x11  }
0xba: {  	s0 =	sor.u32 s1, s0  }
0xbb: {  	s0 =	sadd.s32 $0x8F2B, s0  }
0xbc: {  	[sflag:s0] =	ssyncadd.remote.s32 $0x1  }
0xbd: {  	_ =	sfence.sel $0xFFFF  }
0xbe: {  	[dreg:$0x0] =	wrdreg $0xFFFFFFFF;
	(pc) =	sbr.abs _section_cstart, $3  }
0xbf: {  	[dreg:$0x1] =	wrdreg $0xFFFFFFFF  }
0xc0: {  	_ =	task.clear_ibuf [dreg:s6], $0x2FFFF;
	_ =	strace $0x9FFFFFFF  }
0xc1: {  	(tm) =	ssettm $0x7FFFFFFF  }
tec
execute0_lowered:
.L_overlay_start_1:
0x0: {  	(tag) =	ssettag $0x1  }
0x1: {  	s8 =	rddreg [dreg:$0x0]  }
0x2: {  	s0 =	rddreg [dreg:$0x1];
	_ =	strace $0x8000004D;
	s1 =	stileid.u32  }
0x3: {  	s3 =	srdreg.scid;
	s4 =	simm.s32 $0x1;
	s7 =	simm.s32 $0x1  }
0x4: {  	s9 =	simm.s32 $0x1;
	s10 =	simm.s32 $0x3;
	s13 =	simm.s32 $0x0  }
0x5: {  	s12 =	simm.s32 $0x0;
	s5 =	sand.u32 $0x1, s3;
	s6 =	sshll.u32 s1, $0x1  }
0x6: {  	s2 =	sadd.s32 $0x2E00, s8;
	s3 =	sadd.s32 $0x13FAC00, s8;
	s5 =	sor.u32 s6, s5  }
.Ltmp0:
0x7: {  	[sflag:s4] =	ssyncpa.u1 $0x0;
	p0 =	slt.u32 s5, $0x9;
	(pc) =	sbr.rel .LBB2_1-.Ltmp0, $4  }
0x8: {  	s6 =	simm.s32 $0x2;
	s7 =	simm.s32 @!p0 $0x0;
	p0 =	sne.s32 s5, $0x8  }
0x9: {  	[sflag:s6] =	ssyncpa.u1 $0x0;
	s5 =	smul.u32 $0x1F40, s5;
	s9 =	simm.s32 @!p0 $0x0  }
0xa: {  	s8 =	sadd.s32 $0xA1EE00, s8;
	[sflag:s10] =	ssyncpa.u1 $0x0;
	s7 =	sadd.s32 s9, s7  }
0xb: {  	vm0 =	vmmov $0xffff;
	s10 =	simm.s32 $0x0;
	s11 =	smov.u32 s5;
	s9 =	sadd.s32 $0x1, s7  }
.LBB2_4:
0xc: {  	v2 =	vnsel vm1, $0x0, v2  }
0xd: {  	vm1 =	vgt.s32 v0, $0x0;
	v2 =	vmin.u32 v2, $0x4E1FF  }
0xe: {  	v0 =	vnsel vm1, $0x0, v0  }
0xf: {  	v0 =	vmin.u32 v0, $0x4E1FF  }
0x10: {  	[tilespmem:s18], [sflag:$0x1] =	stream.indirect_vreg.gather [hbm4b:s2+s10], $0x1, v1, vm0, $0x4038;
	[tilespmem:$0x7D00] =	vst v63  }
0x11: {  	(ifvalue) =	ssetifvalue $0x7FFFFFFF  }
0x12: {  	[tilespmem:s15], [sflag:$0x1] =	stream.indirect_vreg.gather [hbm4b:s2+s10], $0x1, v2, vm0, $0x4038;
	[tilespmem:$0x7D00] =	vst v63  }
0x13: {  	s29 =	sadd.s32 $0x10, s15;
	(ifvalue) =	ssetifvalue $0x7FFFFFFF  }
0x14: {  	[tilespmem:s29], [sflag:$0x1] =	stream.indirect_vreg.gather [hbm4b:s2+s10], $0x1, v0, vm0, $0x4038;
	[tilespmem:$0x7D00] =	vst v63  }
0x15: {  	_ =	swait.ge [sflag:s4], $0x1F40  }
0x16: {  	s30 =	sshrl.u32 s13, $0x3;
	[sflag:s4] =	ssyncset.done $0x0  }
0x17: {  	s31 =	sand.u32 $0x7, s13;
	s15 =	sadd.s32 s8, s30;
	[sflag:s4] =	ssyncadd.s32 $0xFFFFE0C0  }
0x18: {  	[hbm4b:s15+s31] =	stream.linear.scatter [tilespmem:s14], [sflag:$0x3], $0x1F40, $0x38;
	[tilespmem:$0x7D00] =	vst v63  }
.LBB2_5:
0x19: {  	s15 =	sadd.s32 $0x3E800, s11  }
0x1a: {  	p1 =	sgt.s32 s15, $0x4E1FF  }
0x1b: {  	s15 =	smov.u32 @p1 s5;
	p1 =	sne.s32 s12, s9  }
.Ltmp1:
0x1c: {  	p0 =	slt.u32 s12, $0x2;
	(pc) =	sbr.rel @!p1 .LBB2_6-.Ltmp1, $4  }
0x1d: {  	s14 =	simm.s32 @!p0 $0x3  }
0x1e: {  	_ =	swait.ge @!p0 [sflag:s14], $0x1F40  }
0x1f: {  	s16 =	sadd.s32 $0x1, s12;
	s13 =	smov.u32 s11;
	[sflag:s14] =	ssyncset.done @!p0 $0x0  }
0x20: {  	s12 =	smov.u32 s16;
	s11 =	smov.u32 s15;
	[sflag:s14] =	ssyncadd.s32 @!p0 $0xFFFFE0C0  }
.LBB2_1:
0x21: {  	p0 =	sge.u32 s12, s7  }
0x22: {  	s14 =	sxor.u32 @!p0 $0x1, s12  }
0x23: {  	s14 =	smul.u32 @!p0 $0x7D00, s14  }
0x24: {  	s31 =	sadd.s32 $0xFFFFFFFF, s12;
	s15 =	sshrl.u32 @!p0 s11, $0x3  }
0x25: {  	s16 =	sand.u32 @!p0 $0x7, s11;
	s15 =	sadd.s32 @!p0 s3, s15;
	s14 =	sshra.s32 @!p0 s14, $0x2  }
0x26: {  	[tilespmem:s14], [sflag:$0x2] =	stream.linear.gather @!p0 [hbm4b:s15+s16], $0x1F40, $0x38;
	[tilespmem:$0x7D00] =	vst v63  }
0x27: {  	p0 =	sge.u32 s31, s7  }
.Ltmp2:
0x28: {  	_ = 	snop;
	(pc) =	sbr.rel @p0 .LBB2_5-.Ltmp2, $1  }
0x29: {  	_ =	sdelay $0x3  }
0x2a: {  	s14 =	sand.u32 $0x1, s12  }
0x2b: {  	_ =	swait.ge [sflag:s6], $0x1F40;
	p0 =	seq.s32 s14, $0x1;
	s14 =	simm.s32 $0x1F40  }
0x2c: {  	[sflag:s6] =	ssyncset.done $0x0;
	s14 =	simm.s32 @!p0 $0x0  }
0x2d: {  	[sflag:s6] =	ssyncadd.s32 $0xFFFFE0C0;
	(ifvalue) =	ssetifvalue $0x7FFFFFFF;
	v0 =	vld.msk [tilespmem:s14+$0x0 ss:$0x1], $0xffff;
	_ =	sdelay $0x4  }
0x2e: {  	s15 =	sadd.s32 $0x10, s14;
	vm1 =	vgt.s32 v0, $0x0  }
0x2f: {  	v2 =	vld.msk [tilespmem:s15+$0x0 ss:$0x1], $0xffff;
	v1 =	vnsel vm1, $0x0, v0  }
0x30: {  	v1 =	vmin.u32 v1, $0x4E1FF;
	_ =	sdelay $0x2  }
0x31: {  	s17 =	simm.s32 $0x20;
	s14 =	sadd.s32 $0x3E80, s14;
	s16 =	sadd.s32 $0x10, s15  }
0x32: {  	s15 =	sadd.s32 $0x10, s14;
	s18 =	smov.u32 s14;
	v0 =	vld.msk [tilespmem:s16+$0x0 ss:$0x1], $0xffff;
	vm1 =	vgt.s32 v2, $0x0;
	(ifvalue) =	ssetifvalue $0x7FFFFFFF  }
.LBB2_3:
0x33: {  	[tilespmem:s18], [sflag:$0x1] =	stream.indirect_vreg.gather [hbm4b:s2+s10], $0x1, v1, vm0, $0x4038;
	[tilespmem:$0x7D00] =	vst v63  }
0x34: {  	s17 =	sadd.s32 $0x10, s17  }
0x35: {  	v2 =	vnsel vm1, $0x0, v2;
	p0 =	slt.u32 s17, $0x1F30  }
.Ltmp3:
0x36: {  	s18 =	smov.u32 s15;
	v1 =	vmin.u32 v2, $0x4E1FF;
	(pc) =	sbr.rel @p0 .LBB2_3-.Ltmp3, $3  }
0x37: {  	_ =	sdelay $0x1  }
0x38: {  	s16 =	sadd.s32 $0x10, s16  }
0x39: {  	vm1 =	vgt.s32 v0, $0x0;
	s15 =	sadd.s32 $0x10, s15;
	v2 =	vmov v0;
	(ifvalue) =	ssetifvalue $0x7FFFFFFF;
	v0 =	vld.msk [tilespmem:s16+$0x0 ss:$0x1], $0xffff  }
.Ltmp4:
0x3a: {  	_ = 	snop;
	(pc) =	sbr.rel .LBB2_4-.Ltmp4, $1  }
0x3b: {  	_ =	sdelay $0x3  }
.LBB2_6:
0x3c: {  	_ =	sfence.sel $0x180000  }
0x3d: {  	s2 =	simm.s32 $0x2;
	[bflag:$0x0] =	sbarrier.arrive $0xFFFF  }
0x3e: {  	s30 =	simm.s32 $0x3;
	[sflag:s2] =	ssyncpa.u1 $0x1  }
0x3f: {  	s31 =	simm.s32 $0x1;
	[sflag:s30] =	ssyncpa.u1 $0x1  }
0x40: {  	[sflag:s31] =	ssyncpa.u1 $0x1  }
0x41: {  	p0 =	sne.s32 s1, $0x0;
	_ =	strace $0x9000004D  }
0x42: {  	s0 =	sadd.s32 @!p0 $0x100000, s0;
	[bflag:$0x2] =	sbarrier.arrive $0xFFFF  }
0x43: {  	[sflag:s0] =	ssyncadd.tile.s32 @!p0 $0x1;
	_ =	shalt  }
.Lfunc_end2:
_tile_overlayer_lowered:
.L_overlay_start_2:
0x44: {  	(tag) =	ssettag $0x2  }
0x45: {  	s0 =	rddreg [dreg:$0x0];
	s2 =	stileid.u32  }
0x46: {  	s1 =	rddreg [dreg:$0x1];
	p0 =	sne.s32 s2, $0x0  }
0x47: {  	s3 =	rddreg [dreg:$0x2];
	[bflag:$0x3] =	sbarrier.arrive $0xFFFF;
	s2 =	simm.s32 @!p0 $0x1C01  }
0x48: {  	[timem:s3], [sflag:s2] =	dma.local @!p0 [hbm:s0], s1  }
0x49: {  	s0 =	simm.s32 @!p0 $0x1  }
0x4a: {  	_ =	swait.ge @!p0 [sflag:s0], s1  }
0x4b: {  	s1 =	ssub.s32 @!p0 $0x0, s1;
	[sflag:s0] =	ssyncset.done @!p0 $0x0  }
0x4c: {  	[sflag:s0] =	ssyncadd.s32 @!p0 s1  }
0x4d: {  	[bflag:$0x3] =	sbarrier.arrive $0xFFFF  }
0x4e: {  	_ =	shalt  }

// kernel: gather_offload_async_start
scs
__scs_entry_jumppad:
0x0: {  	(pc) =	sbr.rel $0x88, $3  }
0x1: {  	(tag) =	ssettag $0x0;
	lr =	simm.s32 $0x1  }
0x2: {  	[smem:$0x3F8E] =	sst lr;
	_ =	strace $0xD0000000  }
0x3: {  	_ = 	snop  }
0x4: {  	_ = 	snop  }
0x5: {  	_ = 	snop  }
0x6: {  	_ = 	snop  }
0x7: {  	_ = 	snop  }
__scs_overlays_trampoline_lowered:
0x8: {  	[smem:$0x3F9D] =	sst s0  }
0x9: {  	[smem:$0x3F9E] =	sst s1  }
0xa: {  	[smem:$0x3F9F] =	sst s2  }
0xb: {  	[smem:$0x3FA0] =	sst s3  }
0xc: {  	[smem:$0x3FA1] =	sst s4  }
0xd: {  	[smem:$0x3FA2] =	sst s5  }
0xe: {  	[smem:$0x3FA3] =	sst s6  }
0xf: {  	[smem:$0x3FA4] =	sst s7  }
0x10: {  	[smem:$0x3FA5] =	sst s8  }
0x11: {  	[smem:$0x3FA6] =	sst s9;
	s0 =	simm.s32 @!p0 $0x0  }
0x12: {  	s1 =	sld [smem:$0x3F8C];
	s0 =	simm.s32 @p0 $0x1  }
0x13: {  	[smem:$0x3FA7] =	sst s0;
	s0 =	simm.s32 @!p1 $0x0  }
0x14: {  	s2 =	sld [smem:$0x3F8B];
	s0 =	simm.s32 @p1 $0x1  }
0x15: {  	[smem:$0x3FA8] =	sst s0;
	s0 =	simm.s32 @!p2 $0x0  }
0x16: {  	s3 =	sld [smem:$0x3FDB];
	s0 =	simm.s32 @p2 $0x1  }
0x17: {  	s4 =	simm.s32 $0x1BF5;
	[smem:$0x3FAA] =	sst s0  }
0x18: {  	s0 =	sld [smem:$0x3F8D];
	_ =	swait.ge [sflag:s4], $0x0  }
0x19: {  	s7 =	sld [smem:$0x3F8E]  }
0x1a: {  	s8 =	sadd.s32 $0xFFFFE003, lr  }
0x1b: {  	s9 =	sadd.s32 $0xFFFFFEF7, lr;
	s5 =	simm.s32 $0xFFFFFFFF;
	p2 =	slt.u32 s8, $0xFFFFF086  }
0x1c: {  	p1 =	slt.u32 s9, $0xF7A;
	s5 =	simm.s32 @!p2 $0x0  }
0x1d: {  	s5 =	simm.s32 @p1 $0x1;
	p0 =	seq.s32 s7, s2  }
0x1e: {  	s7 =	smul.u32 @!p0 $0xF7A, s2;
	p2 =	seq.s32 @!p0 s5, $0x0  }
0x1f: {  	s9 =	smul.u32 $0xF7A, s1;
	s8 =	simm.s32 @!p0 $0x1BF5;
	p2 =	por !p2, p0  }
0x20: {  	[sflag:s8] =	ssyncset.s32 @!p0 $0xFFFFF086;
	s6 =	sadd.s32 @!p0 s3, s7;
	s7 =	simm.s32 @!p0 $0x108  }
0x21: {  	s3 =	sadd.s32 s3, s9;
	s6 =	sadd.s32 @!p0 $0x88, s6;
	s7 =	simm.s32 @p2 $0x1082  }
0x22: {  	[simem:s7], [sflag:s8] =	dma.local @!p0 [hbm:s6], $0xF7A  }
0x23: {  	s9 =	sor.u32 $0xD0000000, s2;
	s6 =	simm.s32 $0x108;
	_ =	swait.ge @!p0 [sflag:s8], $0x0  }
0x24: {  	s3 =	sadd.s32 $0x88, s3;
	s6 =	simm.s32 @!p1 $0x1082;
	[sflag:s4] =	ssyncset.s32 $0xFFFFF086  }
0x25: {  	[simem:s6], [sflag:s4] =	dma.local [hbm:s3], $0xF7A  }
0x26: {  	[smem:$0x3F8E] =	sst s1;
	(tag) =	ssettag s2;
	_ =	strace s9  }
0x27: {  	s1 =	sld [smem:$0x3F9E]  }
0x28: {  	s2 =	sld [smem:$0x3F9F]  }
0x29: {  	s4 =	sld [smem:$0x3FA1]  }
0x2a: {  	p0 =	seq.s32 s5, $0x0;
	s5 =	sld [smem:$0x3FA2]  }
0x2b: {  	s6 =	sld [smem:$0x3FA3]  }
0x2c: {  	s7 =	sld [smem:$0x3FA4]  }
0x2d: {  	s3 =	simm.s32 $0x108;
	s8 =	sld [smem:$0x3FA5]  }
0x2e: {  	s3 =	simm.s32 @!p0 $0x1082;
	s9 =	sld [smem:$0x3FA6]  }
0x2f: {  	lr =	sadd.s32 s0, s3;
	s0 =	sld [smem:$0x3F9D]  }
0x30: {  	s3 =	sld [smem:$0x3FA0]  }
0x31: {  	[smem:$0x3FA9] =	sst s10  }
0x32: {  	s10 =	sld [smem:$0x3FA7];
	_ =	sdelay $0x3  }
0x33: {  	p0 =	seq.s32 s10, $0x1;
	s10 =	sld [smem:$0x3FA9];
	_ =	sdelay $0x3  }
0x34: {  	[smem:$0x3FA9] =	sst s10  }
0x35: {  	s10 =	sld [smem:$0x3FA8];
	_ =	sdelay $0x3  }
0x36: {  	p1 =	seq.s32 s10, $0x1;
	s10 =	sld [smem:$0x3FA9];
	_ =	sdelay $0x3  }
0x37: {  	[smem:$0x3FA9] =	sst s10  }
0x38: {  	s10 =	sld [smem:$0x3FAA]  }
0x39: {  	_ = 	snop;
	(pc) =	sbr.ind lr, $3  }
0x3a: {  	_ = 	snop  }
0x3b: {  	_ = 	snop  }
0x3c: {  	p2 =	seq.s32 s10, $0x1;
	s10 =	sld [smem:$0x3FA9]  }
0x3d: {  	_ =	shalt  }
0x3e: {  	_ =	shalt  }
0x3f: {  	_ =	shalt  }
0x40: {  	_ =	shalt  }
0x41: {  	_ =	shalt  }
0x42: {  	_ =	shalt  }
0x43: {  	_ =	shalt  }
0x44: {  	_ =	shalt  }
0x45: {  	_ =	shalt  }
0x46: {  	_ =	shalt  }
0x47: {  	_ =	shalt  }
0x48: {  	_ =	shalt  }
0x49: {  	_ =	shalt  }
0x4a: {  	_ =	shalt  }
0x4b: {  	_ =	shalt  }
0x4c: {  	_ =	shalt  }
0x4d: {  	_ =	shalt  }
0x4e: {  	_ =	shalt  }
0x4f: {  	_ =	shalt  }
0x50: {  	_ =	shalt  }
0x51: {  	_ =	shalt  }
0x52: {  	_ =	shalt  }
0x53: {  	_ =	shalt  }
0x54: {  	_ =	shalt  }
0x55: {  	_ =	shalt  }
0x56: {  	_ =	shalt  }
0x57: {  	_ =	shalt  }
0x58: {  	_ =	shalt  }
0x59: {  	_ =	shalt  }
0x5a: {  	_ =	shalt  }
0x5b: {  	_ =	shalt  }
0x5c: {  	_ =	shalt  }
0x5d: {  	_ =	shalt  }
0x5e: {  	_ =	shalt  }
0x5f: {  	_ =	shalt  }
0x60: {  	_ =	shalt  }
0x61: {  	_ =	shalt  }
0x62: {  	_ =	shalt  }
0x63: {  	_ =	shalt  }
0x64: {  	_ =	shalt  }
0x65: {  	_ =	shalt  }
0x66: {  	_ =	shalt  }
0x67: {  	_ =	shalt  }
0x68: {  	_ =	shalt  }
0x69: {  	_ =	shalt  }
0x6a: {  	_ =	shalt  }
0x6b: {  	_ =	shalt  }
0x6c: {  	_ =	shalt  }
0x6d: {  	_ =	shalt  }
0x6e: {  	_ =	shalt  }
0x6f: {  	_ =	shalt  }
0x70: {  	_ =	shalt  }
0x71: {  	_ =	shalt  }
0x72: {  	_ =	shalt  }
0x73: {  	_ =	shalt  }
0x74: {  	_ =	shalt  }
0x75: {  	_ =	shalt  }
0x76: {  	_ =	shalt  }
0x77: {  	_ =	shalt  }
0x78: {  	_ =	shalt  }
0x79: {  	_ =	shalt  }
0x7a: {  	_ =	shalt  }
0x7b: {  	_ =	shalt  }
0x7c: {  	_ =	shalt  }
0x7d: {  	_ =	shalt  }
0x7e: {  	_ =	shalt  }
0x7f: {  	_ =	shalt  }
0x80: {  	_ =	shalt  }
0x81: {  	_ =	shalt  }
0x82: {  	_ =	shalt  }
0x83: {  	_ =	shalt  }
0x84: {  	_ =	shalt  }
0x85: {  	_ =	shalt  }
0x86: {  	_ =	shalt  }
0x87: {  	_ =	shalt  }
.Lfunc_end0:
.L_simem_size_0:
called_computation_lowered:
.L_overlay_start_0:
0x88: {  	s2 =	sld [smem:$0x3FD9]  }
0x89: {  	s3 =	sld [smem:$0x3FFE];
	_ =	sdelay $0x1  }
0x8a: {  	s1 =	srdreg.scid  }
0x8b: {  	s0 =	sand.u32 $0x1, s1  }
0x8c: {  	s16 =	sshll.u32 s0, $0xA;
	s2 =	sadd.s32 s3, s2  }
0x8d: {  	s2 =	sadd.s32 s2, s16  }
0x8e: {  	[smem:$0x3FB5] =	sst s2  }
0x8f: {  	_ = 	snop  }
0x90: {  	(tm) =	ssettm $0x1  }
0x91: {  	s17 =	sld [smem:$0x3FFB];
	_ =	sdelay $0x3  }
0x92: {  	_ =	strace s17  }
0x93: {  	s2 =	sld [smem:$0x3FFC];
	_ =	sdelay $0x3  }
0x94: {  	_ =	strace s2  }
0x95: {  	s2 =	sld [smem:$0x3FFD];
	_ =	sdelay $0x3  }
0x96: {  	_ =	strace s2  }
0x97: {  	_ =	strace $0x8FFFFFFF  }
0x98: {  	s18 =	sld [smem:$0x3FDB];
	_ =	sdelay $0x1  }
0x99: {  	s19 =	simm.s32 $_scs_section_size  }
0x9a: {  	s4 =	simm.s32 $_size__tile_overlayer_lowered;
	s5 =	simm.s32 $_tile_overlayer_lowered  }
0x9b: {  	s22 =	simm.s32 $0x1BFF;
	s21 =	sshll.u32 s5, $0x1;
	s2 =	sadd.s32 s19, s18  }
0x9c: {  	s6 =	simm.s32 $0x0;
	s20 =	sshll.u32 s4, $0x1;
	s4 =	sadd.s32 s21, s2  }
0x9d: {  	[timem:s6], [sflag:s22] =	dma.local [hbm:s4], s20  }
0x9e: {  	_ =	swait.ge [sflag:s22], s20  }
0x9f: {  	s3 =	ssub.s32 $0x0, s20;
	[sflag:s22] =	ssyncset.done $0x0  }
0xa0: {  	[sflag:s22] =	ssyncadd.s32 s3;
	_ =	sdelay $0x1  }
0xa1: {  	s23 =	simm.s32 $0x1B8B  }
0xa2: {  	_ =	swait.ge [sflag:s23], $0x1  }
0xa3: {  	[sflag:s23] =	ssyncset.done $0x0  }
0xa4: {  	s25 =	simm.s32 $0x1B8E;
	s24 =	sld [smem:$0x3FFE];
	[sflag:s23] =	ssyncadd.s32 $0xFFFFFFFF  }
0xa5: {  	s26 =	simm.s32 $execute0_lowered;
	[smem:$0x3FD2] =	sst s25  }
0xa6: {  	s4 =	sshll.u32 s26, $0x1;
	_ =	strace $0x80000052;
	[dreg:$0x1] =	wrdreg $0xFFFFFFFF  }
0xa7: {  	s28 =	simm.s32 $_size_execute0_lowered;
	s2 =	sadd.s32 s2, s4;
	[dreg:$0x0] =	wrdreg $0x0  }
0xa8: {  	s4 =	sshll.u32 s28, $0x1;
	[dreg:$0x2] =	wrdreg s2  }
0xa9: {  	[dreg:$0x3] =	wrdreg s4  }
0xaa: {  	[dreg:$0x4] =	wrdreg $0xC0  }
0xab: {  	_ =	task [dreg:s6], $0x5FFFF  }
0xac: {  	[dreg:$0x1] =	wrdreg $0xFFFFFFFF  }
0xad: {  	[dreg:$0x0] =	wrdreg $0x60  }
0xae: {  	[dreg:$0x2] =	wrdreg s24  }
0xaf: {  	[dreg:$0x3] =	wrdreg $0x9  }
0xb0: {  	_ =	task.clear_ibuf [dreg:s6], $0x4FFFF;
	_ =	strace $0x90000052  }
0xb1: {  	s29 =	simm.s32 $0x9;
	_ =	strace $0x80000054  }
0xb2: {  	_ =	swait.ge [sflag:s29], $0x1  }
0xb3: {  	[sflag:s29] =	ssyncadd.s32 $0xFFFFFFFF  }
0xb4: {  	_ =	strace $0x90000054  }
0xb5: {  	_ =	sfence  }
0xb6: {  	s30 =	sld [smem:$0x0];
	_ =	sdelay $0x2  }
0xb7: {  	s31 =	sshll.u32 s1, $0xD;
	s1 =	sshrl.u32 s1, $0x2  }
0xb8: {  	s3 =	sand.u32 $0x4000, s31;
	s1 =	sadd.s32 s1, s30  }
0xb9: {  	s0 =	sor.u32 s3, s0;
	s1 =	sshll.u32 s1, $0x11  }
0xba: {  	s0 =	sor.u32 s1, s0  }
0xbb: {  	s0 =	sadd.s32 $0x8F2B, s0  }
0xbc: {  	[sflag:s0] =	ssyncadd.remote.s32 $0x1  }
0xbd: {  	_ =	sfence.sel $0xFFFF  }
0xbe: {  	[dreg:$0x0] =	wrdreg $0xFFFFFFFF;
	(pc) =	sbr.abs _section_cstart, $3  }
0xbf: {  	[dreg:$0x1] =	wrdreg $0xFFFFFFFF  }
0xc0: {  	_ =	task.clear_ibuf [dreg:s6], $0x2FFFF;
	_ =	strace $0x9FFFFFFF  }
0xc1: {  	(tm) =	ssettm $0x7FFFFFFF  }
tec
execute0_lowered:
.L_overlay_start_1:
0x0: {  	(tag) =	ssettag $0x1  }
0x1: {  	s8 =	rddreg [dreg:$0x0]  }
0x2: {  	s0 =	rddreg [dreg:$0x1];
	_ =	strace $0x80000053;
	s1 =	stileid.u32  }
0x3: {  	s3 =	srdreg.scid;
	s4 =	simm.s32 $0x1;
	s7 =	simm.s32 $0x1  }
0x4: {  	s9 =	simm.s32 $0x1;
	s10 =	simm.s32 $0x3;
	s13 =	simm.s32 $0x0  }
0x5: {  	s12 =	simm.s32 $0x0;
	s5 =	sand.u32 $0x1, s3;
	s6 =	sshll.u32 s1, $0x1  }
0x6: {  	s2 =	sadd.s32 $0x2E00, s8;
	s3 =	sadd.s32 $0x9DAA00, s8;
	s5 =	sor.u32 s6, s5  }
.Ltmp0:
0x7: {  	[sflag:s4] =	ssyncpa.u1 $0x0;
	p0 =	slt.u32 s5, $0x9;
	(pc) =	sbr.rel .LBB2_1-.Ltmp0, $4  }
0x8: {  	s6 =	simm.s32 $0x2;
	s7 =	simm.s32 @!p0 $0x0;
	p0 =	sne.s32 s5, $0x8  }
0x9: {  	[sflag:s6] =	ssyncpa.u1 $0x0;
	s5 =	smul.u32 $0x1F40, s5;
	s9 =	simm.s32 @!p0 $0x0  }
0xa: {  	s8 =	sadd.s32 $0x9E4800, s8;
	[sflag:s10] =	ssyncpa.u1 $0x0;
	s7 =	sadd.s32 s9, s7  }
0xb: {  	vm0 =	vmmov $0xffff;
	s10 =	simm.s32 $0x0;
	s11 =	smov.u32 s5;
	s9 =	sadd.s32 $0x1, s7  }
.LBB2_4:
0xc: {  	v2 =	vnsel vm1, $0x0, v2  }
0xd: {  	vm1 =	vgt.s32 v0, $0x0;
	v2 =	vmin.u32 v2, $0x4E1FF  }
0xe: {  	v0 =	vnsel vm1, $0x0, v0  }
0xf: {  	v0 =	vmin.u32 v0, $0x4E1FF  }
0x10: {  	[tilespmem:s18], [sflag:$0x1] =	stream.indirect_vreg.gather [hbm4b:s2+s10], $0x1, v1, vm0, $0x4038;
	[tilespmem:$0x7D00] =	vst v63  }
0x11: {  	(ifvalue) =	ssetifvalue $0x7FFFFFFF  }
0x12: {  	[tilespmem:s15], [sflag:$0x1] =	stream.indirect_vreg.gather [hbm4b:s2+s10], $0x1, v2, vm0, $0x4038;
	[tilespmem:$0x7D00] =	vst v63  }
0x13: {  	s29 =	sadd.s32 $0x10, s15;
	(ifvalue) =	ssetifvalue $0x7FFFFFFF  }
0x14: {  	[tilespmem:s29], [sflag:$0x1] =	stream.indirect_vreg.gather [hbm4b:s2+s10], $0x1, v0, vm0, $0x4038;
	[tilespmem:$0x7D00] =	vst v63  }
0x15: {  	_ =	swait.ge [sflag:s4], $0x1F40  }
0x16: {  	s30 =	sshrl.u32 s13, $0x3;
	[sflag:s4] =	ssyncset.done $0x0  }
0x17: {  	s31 =	sand.u32 $0x7, s13;
	s15 =	sadd.s32 s8, s30;
	[sflag:s4] =	ssyncadd.s32 $0xFFFFE0C0  }
0x18: {  	[hbm4b:s15+s31] =	stream.linear.scatter [tilespmem:s14], [sflag:$0x3], $0x1F40, $0x38;
	[tilespmem:$0x7D00] =	vst v63  }
.LBB2_5:
0x19: {  	s15 =	sadd.s32 $0x3E800, s11  }
0x1a: {  	p1 =	sgt.s32 s15, $0x4E1FF  }
0x1b: {  	s15 =	smov.u32 @p1 s5;
	p1 =	sne.s32 s12, s9  }
.Ltmp1:
0x1c: {  	p0 =	slt.u32 s12, $0x2;
	(pc) =	sbr.rel @!p1 .LBB2_6-.Ltmp1, $4  }
0x1d: {  	s14 =	simm.s32 @!p0 $0x3  }
0x1e: {  	_ =	swait.ge @!p0 [sflag:s14], $0x1F40  }
0x1f: {  	s16 =	sadd.s32 $0x1, s12;
	s13 =	smov.u32 s11;
	[sflag:s14] =	ssyncset.done @!p0 $0x0  }
0x20: {  	s12 =	smov.u32 s16;
	s11 =	smov.u32 s15;
	[sflag:s14] =	ssyncadd.s32 @!p0 $0xFFFFE0C0  }
.LBB2_1:
0x21: {  	p0 =	sge.u32 s12, s7  }
0x22: {  	s14 =	sxor.u32 @!p0 $0x1, s12  }
0x23: {  	s14 =	smul.u32 @!p0 $0x7D00, s14  }
0x24: {  	s31 =	sadd.s32 $0xFFFFFFFF, s12;
	s15 =	sshrl.u32 @!p0 s11, $0x3  }
0x25: {  	s16 =	sand.u32 @!p0 $0x7, s11;
	s15 =	sadd.s32 @!p0 s3, s15;
	s14 =	sshra.s32 @!p0 s14, $0x2  }
0x26: {  	[tilespmem:s14], [sflag:$0x2] =	stream.linear.gather @!p0 [hbm4b:s15+s16], $0x1F40, $0x38;
	[tilespmem:$0x7D00] =	vst v63  }
0x27: {  	p0 =	sge.u32 s31, s7  }
.Ltmp2:
0x28: {  	_ = 	snop;
	(pc) =	sbr.rel @p0 .LBB2_5-.Ltmp2, $1  }
0x29: {  	_ =	sdelay $0x3  }
0x2a: {  	s14 =	sand.u32 $0x1, s12  }
0x2b: {  	_ =	swait.ge [sflag:s6], $0x1F40;
	p0 =	seq.s32 s14, $0x1;
	s14 =	simm.s32 $0x1F40  }
0x2c: {  	[sflag:s6] =	ssyncset.done $0x0;
	s14 =	simm.s32 @!p0 $0x0  }
0x2d: {  	[sflag:s6] =	ssyncadd.s32 $0xFFFFE0C0;
	(ifvalue) =	ssetifvalue $0x7FFFFFFF;
	v0 =	vld.msk [tilespmem:s14+$0x0 ss:$0x1], $0xffff;
	_ =	sdelay $0x4  }
0x2e: {  	s15 =	sadd.s32 $0x10, s14;
	vm1 =	vgt.s32 v0, $0x0  }
0x2f: {  	v2 =	vld.msk [tilespmem:s15+$0x0 ss:$0x1], $0xffff;
	v1 =	vnsel vm1, $0x0, v0  }
0x30: {  	v1 =	vmin.u32 v1, $0x4E1FF;
	_ =	sdelay $0x2  }
0x31: {  	s17 =	simm.s32 $0x20;
	s14 =	sadd.s32 $0x3E80, s14;
	s16 =	sadd.s32 $0x10, s15  }
0x32: {  	s15 =	sadd.s32 $0x10, s14;
	s18 =	smov.u32 s14;
	v0 =	vld.msk [tilespmem:s16+$0x0 ss:$0x1], $0xffff;
	vm1 =	vgt.s32 v2, $0x0;
	(ifvalue) =	ssetifvalue $0x7FFFFFFF  }
.LBB2_3:
0x33: {  	[tilespmem:s18], [sflag:$0x1] =	stream.indirect_vreg.gather [hbm4b:s2+s10], $0x1, v1, vm0, $0x4038;
	[tilespmem:$0x7D00] =	vst v63  }
0x34: {  	s17 =	sadd.s32 $0x10, s17  }
0x35: {  	v2 =	vnsel vm1, $0x0, v2;
	p0 =	slt.u32 s17, $0x1F30  }
.Ltmp3:
0x36: {  	s18 =	smov.u32 s15;
	v1 =	vmin.u32 v2, $0x4E1FF;
	(pc) =	sbr.rel @p0 .LBB2_3-.Ltmp3, $3  }
0x37: {  	_ =	sdelay $0x1  }
0x38: {  	s16 =	sadd.s32 $0x10, s16  }
0x39: {  	vm1 =	vgt.s32 v0, $0x0;
	s15 =	sadd.s32 $0x10, s15;
	v2 =	vmov v0;
	(ifvalue) =	ssetifvalue $0x7FFFFFFF;
	v0 =	vld.msk [tilespmem:s16+$0x0 ss:$0x1], $0xffff  }
.Ltmp4:
0x3a: {  	_ = 	snop;
	(pc) =	sbr.rel .LBB2_4-.Ltmp4, $1  }
0x3b: {  	_ =	sdelay $0x3  }
.LBB2_6:
0x3c: {  	_ =	sfence.sel $0x180000  }
0x3d: {  	s2 =	simm.s32 $0x2;
	[bflag:$0x0] =	sbarrier.arrive $0xFFFF  }
0x3e: {  	s30 =	simm.s32 $0x3;
	[sflag:s2] =	ssyncpa.u1 $0x1  }
0x3f: {  	s31 =	simm.s32 $0x1;
	[sflag:s30] =	ssyncpa.u1 $0x1  }
0x40: {  	[sflag:s31] =	ssyncpa.u1 $0x1  }
0x41: {  	p0 =	sne.s32 s1, $0x0;
	_ =	strace $0x90000053  }
0x42: {  	s0 =	sadd.s32 @!p0 $0x100000, s0;
	[bflag:$0x2] =	sbarrier.arrive $0xFFFF  }
0x43: {  	[sflag:s0] =	ssyncadd.tile.s32 @!p0 $0x1;
	_ =	shalt  }
.Lfunc_end2:
_tile_overlayer_lowered:
.L_overlay_start_2:
0x44: {  	(tag) =	ssettag $0x2  }
0x45: {  	s0 =	rddreg [dreg:$0x0];
	s2 =	stileid.u32  }
0x46: {  	s1 =	rddreg [dreg:$0x1];
	p0 =	sne.s32 s2, $0x0  }
0x47: {  	s3 =	rddreg [dreg:$0x2];
	[bflag:$0x3] =	sbarrier.arrive $0xFFFF;
	s2 =	simm.s32 @!p0 $0x1C01  }
0x48: {  	[timem:s3], [sflag:s2] =	dma.local @!p0 [hbm:s0], s1  }
0x49: {  	s0 =	simm.s32 @!p0 $0x1  }
0x4a: {  	_ =	swait.ge @!p0 [sflag:s0], s1  }
0x4b: {  	s1 =	ssub.s32 @!p0 $0x0, s1;
	[sflag:s0] =	ssyncset.done @!p0 $0x0  }
0x4c: {  	[sflag:s0] =	ssyncadd.s32 @!p0 s1  }
0x4d: {  	[bflag:$0x3] =	sbarrier.arrive $0xFFFF  }
0x4e: {  	_ =	shalt  }

// kernel: kernel.11.cloned.1.call-start
scs
__scs_entry_jumppad:
0x0: {  	(pc) =	sbr.rel $0x88, $3  }
0x1: {  	(tag) =	ssettag $0x0;
	lr =	simm.s32 $0x1  }
0x2: {  	[smem:$0x3F8E] =	sst lr;
	_ =	strace $0xD0000000  }
0x3: {  	_ = 	snop  }
0x4: {  	_ = 	snop  }
0x5: {  	_ = 	snop  }
0x6: {  	_ = 	snop  }
0x7: {  	_ = 	snop  }
__scs_overlays_trampoline_lowered:
0x8: {  	[smem:$0x3F9D] =	sst s0  }
0x9: {  	[smem:$0x3F9E] =	sst s1  }
0xa: {  	[smem:$0x3F9F] =	sst s2  }
0xb: {  	[smem:$0x3FA0] =	sst s3  }
0xc: {  	[smem:$0x3FA1] =	sst s4  }
0xd: {  	[smem:$0x3FA2] =	sst s5  }
0xe: {  	[smem:$0x3FA3] =	sst s6  }
0xf: {  	[smem:$0x3FA4] =	sst s7  }
0x10: {  	[smem:$0x3FA5] =	sst s8  }
0x11: {  	[smem:$0x3FA6] =	sst s9;
	s0 =	simm.s32 @!p0 $0x0  }
0x12: {  	s1 =	sld [smem:$0x3F8C];
	s0 =	simm.s32 @p0 $0x1  }
0x13: {  	[smem:$0x3FA7] =	sst s0;
	s0 =	simm.s32 @!p1 $0x0  }
0x14: {  	s2 =	sld [smem:$0x3F8B];
	s0 =	simm.s32 @p1 $0x1  }
0x15: {  	[smem:$0x3FA8] =	sst s0;
	s0 =	simm.s32 @!p2 $0x0  }
0x16: {  	s3 =	sld [smem:$0x3FDB];
	s0 =	simm.s32 @p2 $0x1  }
0x17: {  	s4 =	simm.s32 $0x1BF5;
	[smem:$0x3FAA] =	sst s0  }
0x18: {  	s0 =	sld [smem:$0x3F8D];
	_ =	swait.ge [sflag:s4], $0x0  }
0x19: {  	s7 =	sld [smem:$0x3F8E]  }
0x1a: {  	s8 =	sadd.s32 $0xFFFFE003, lr  }
0x1b: {  	s9 =	sadd.s32 $0xFFFFFEF7, lr;
	s5 =	simm.s32 $0xFFFFFFFF;
	p2 =	slt.u32 s8, $0xFFFFF086  }
0x1c: {  	p1 =	slt.u32 s9, $0xF7A;
	s5 =	simm.s32 @!p2 $0x0  }
0x1d: {  	s5 =	simm.s32 @p1 $0x1;
	p0 =	seq.s32 s7, s2  }
0x1e: {  	s7 =	smul.u32 @!p0 $0xF7A, s2;
	p2 =	seq.s32 @!p0 s5, $0x0  }
0x1f: {  	s9 =	smul.u32 $0xF7A, s1;
	s8 =	simm.s32 @!p0 $0x1BF5;
	p2 =	por !p2, p0  }
0x20: {  	[sflag:s8] =	ssyncset.s32 @!p0 $0xFFFFF086;
	s6 =	sadd.s32 @!p0 s3, s7;
	s7 =	simm.s32 @!p0 $0x108  }
0x21: {  	s3 =	sadd.s32 s3, s9;
	s6 =	sadd.s32 @!p0 $0x88, s6;
	s7 =	simm.s32 @p2 $0x1082  }
0x22: {  	[simem:s7], [sflag:s8] =	dma.local @!p0 [hbm:s6], $0xF7A  }
0x23: {  	s9 =	sor.u32 $0xD0000000, s2;
	s6 =	simm.s32 $0x108;
	_ =	swait.ge @!p0 [sflag:s8], $0x0  }
0x24: {  	s3 =	sadd.s32 $0x88, s3;
	s6 =	simm.s32 @!p1 $0x1082;
	[sflag:s4] =	ssyncset.s32 $0xFFFFF086  }
0x25: {  	[simem:s6], [sflag:s4] =	dma.local [hbm:s3], $0xF7A  }
0x26: {  	[smem:$0x3F8E] =	sst s1;
	(tag) =	ssettag s2;
	_ =	strace s9  }
0x27: {  	s1 =	sld [smem:$0x3F9E]  }
0x28: {  	s2 =	sld [smem:$0x3F9F]  }
0x29: {  	s4 =	sld [smem:$0x3FA1]  }
0x2a: {  	p0 =	seq.s32 s5, $0x0;
	s5 =	sld [smem:$0x3FA2]  }
0x2b: {  	s6 =	sld [smem:$0x3FA3]  }
0x2c: {  	s7 =	sld [smem:$0x3FA4]  }
0x2d: {  	s3 =	simm.s32 $0x108;
	s8 =	sld [smem:$0x3FA5]  }
0x2e: {  	s3 =	simm.s32 @!p0 $0x1082;
	s9 =	sld [smem:$0x3FA6]  }
0x2f: {  	lr =	sadd.s32 s0, s3;
	s0 =	sld [smem:$0x3F9D]  }
0x30: {  	s3 =	sld [smem:$0x3FA0]  }
0x31: {  	[smem:$0x3FA9] =	sst s10  }
0x32: {  	s10 =	sld [smem:$0x3FA7];
	_ =	sdelay $0x3  }
0x33: {  	p0 =	seq.s32 s10, $0x1;
	s10 =	sld [smem:$0x3FA9];
	_ =	sdelay $0x3  }
0x34: {  	[smem:$0x3FA9] =	sst s10  }
0x35: {  	s10 =	sld [smem:$0x3FA8];
	_ =	sdelay $0x3  }
0x36: {  	p1 =	seq.s32 s10, $0x1;
	s10 =	sld [smem:$0x3FA9];
	_ =	sdelay $0x3  }
0x37: {  	[smem:$0x3FA9] =	sst s10  }
0x38: {  	s10 =	sld [smem:$0x3FAA]  }
0x39: {  	_ = 	snop;
	(pc) =	sbr.ind lr, $3  }
0x3a: {  	_ = 	snop  }
0x3b: {  	_ = 	snop  }
0x3c: {  	p2 =	seq.s32 s10, $0x1;
	s10 =	sld [smem:$0x3FA9]  }
0x3d: {  	_ =	shalt  }
0x3e: {  	_ =	shalt  }
0x3f: {  	_ =	shalt  }
0x40: {  	_ =	shalt  }
0x41: {  	_ =	shalt  }
0x42: {  	_ =	shalt  }
0x43: {  	_ =	shalt  }
0x44: {  	_ =	shalt  }
0x45: {  	_ =	shalt  }
0x46: {  	_ =	shalt  }
0x47: {  	_ =	shalt  }
0x48: {  	_ =	shalt  }
0x49: {  	_ =	shalt  }
0x4a: {  	_ =	shalt  }
0x4b: {  	_ =	shalt  }
0x4c: {  	_ =	shalt  }
0x4d: {  	_ =	shalt  }
0x4e: {  	_ =	shalt  }
0x4f: {  	_ =	shalt  }
0x50: {  	_ =	shalt  }
0x51: {  	_ =	shalt  }
0x52: {  	_ =	shalt  }
0x53: {  	_ =	shalt  }
0x54: {  	_ =	shalt  }
0x55: {  	_ =	shalt  }
0x56: {  	_ =	shalt  }
0x57: {  	_ =	shalt  }
0x58: {  	_ =	shalt  }
0x59: {  	_ =	shalt  }
0x5a: {  	_ =	shalt  }
0x5b: {  	_ =	shalt  }
0x5c: {  	_ =	shalt  }
0x5d: {  	_ =	shalt  }
0x5e: {  	_ =	shalt  }
0x5f: {  	_ =	shalt  }
0x60: {  	_ =	shalt  }
0x61: {  	_ =	shalt  }
0x62: {  	_ =	shalt  }
0x63: {  	_ =	shalt  }
0x64: {  	_ =	shalt  }
0x65: {  	_ =	shalt  }
0x66: {  	_ =	shalt  }
0x67: {  	_ =	shalt  }
0x68: {  	_ =	shalt  }
0x69: {  	_ =	shalt  }
0x6a: {  	_ =	shalt  }
0x6b: {  	_ =	shalt  }
0x6c: {  	_ =	shalt  }
0x6d: {  	_ =	shalt  }
0x6e: {  	_ =	shalt  }
0x6f: {  	_ =	shalt  }
0x70: {  	_ =	shalt  }
0x71: {  	_ =	shalt  }
0x72: {  	_ =	shalt  }
0x73: {  	_ =	shalt  }
0x74: {  	_ =	shalt  }
0x75: {  	_ =	shalt  }
0x76: {  	_ =	shalt  }
0x77: {  	_ =	shalt  }
0x78: {  	_ =	shalt  }
0x79: {  	_ =	shalt  }
0x7a: {  	_ =	shalt  }
0x7b: {  	_ =	shalt  }
0x7c: {  	_ =	shalt  }
0x7d: {  	_ =	shalt  }
0x7e: {  	_ =	shalt  }
0x7f: {  	_ =	shalt  }
0x80: {  	_ =	shalt  }
0x81: {  	_ =	shalt  }
0x82: {  	_ =	shalt  }
0x83: {  	_ =	shalt  }
0x84: {  	_ =	shalt  }
0x85: {  	_ =	shalt  }
0x86: {  	_ =	shalt  }
0x87: {  	_ =	shalt  }
.Lfunc_end0:
.L_simem_size_0:
called_computation.3_lowered:
.L_overlay_start_0:
0x88: {  	s2 =	sld [smem:$0x3FD9]  }
0x89: {  	s3 =	sld [smem:$0x3FFE];
	_ =	sdelay $0x1  }
0x8a: {  	s1 =	srdreg.scid  }
0x8b: {  	s0 =	sand.u32 $0x1, s1  }
0x8c: {  	s14 =	sshll.u32 s0, $0xA;
	s2 =	sadd.s32 s3, s2  }
0x8d: {  	s2 =	sadd.s32 s2, s14  }
0x8e: {  	[smem:$0x3FB5] =	sst s2  }
0x8f: {  	_ = 	snop  }
0x90: {  	s2 =	sld [smem:$0x3FD0];
	_ =	sdelay $0x2  }
0x91: {  	s15 =	simm.s32 $0xB;
	s4 =	simm.s32 $0x10  }
0x92: {  	[smem:s4], [sflag:s15] =	dma.local [hbm:s2], $0x1  }
0x93: {  	_ =	swait.eq [sflag:s15], $0x1  }
0x94: {  	[sflag:s15] =	ssyncset.done $0x0  }
0x95: {  	[sflag:s15] =	ssyncadd.s32 $0xFFFFFFFF  }
0x96: {  	s16 =	sld [smem:$0x10];
	(tm) =	ssettm $0x1  }
0x97: {  	s17 =	sld [smem:$0x3FFB];
	_ =	sdelay $0x3  }
0x98: {  	_ =	strace s17  }
0x99: {  	s3 =	sld [smem:$0x3FFC];
	_ =	sdelay $0x3  }
0x9a: {  	_ =	strace s3  }
0x9b: {  	s3 =	sld [smem:$0x3FFD];
	_ =	sdelay $0x3  }
0x9c: {  	_ =	strace s3  }
0x9d: {  	_ =	strace $0x8FFFFFFF  }
0x9e: {  	s18 =	sld [smem:$0x3FDB];
	_ =	sdelay $0x1  }
0x9f: {  	s19 =	simm.s32 $_scs_section_size  }
0xa0: {  	s5 =	simm.s32 $_size__tile_overlayer_lowered;
	s6 =	simm.s32 $_tile_overlayer_lowered  }
0xa1: {  	s22 =	simm.s32 $0x1BFF;
	s21 =	sshll.u32 s6, $0x1;
	s3 =	sadd.s32 s19, s18  }
0xa2: {  	s7 =	simm.s32 $0x0;
	s20 =	sshll.u32 s5, $0x1;
	s5 =	sadd.s32 s21, s3  }
0xa3: {  	[timem:s7], [sflag:s22] =	dma.local [hbm:s5], s20  }
0xa4: {  	_ =	swait.ge [sflag:s22], s20  }
0xa5: {  	s4 =	ssub.s32 $0x0, s20;
	[sflag:s22] =	ssyncset.done $0x0  }
0xa6: {  	[sflag:s22] =	ssyncadd.s32 s4;
	_ =	sdelay $0x1  }
0xa7: {  	s23 =	simm.s32 $0x1B8B  }
0xa8: {  	_ =	swait.ge [sflag:s23], $0x1  }
0xa9: {  	[sflag:s23] =	ssyncset.done $0x0  }
0xaa: {  	s25 =	simm.s32 $0x1B8E;
	s24 =	sld [smem:$0x3FFE];
	[sflag:s23] =	ssyncadd.s32 $0xFFFFFFFF  }
0xab: {  	s26 =	simm.s32 $execute0_lowered;
	[smem:$0x3FD2] =	sst s25  }
0xac: {  	s5 =	sshll.u32 s26, $0x1;
	_ =	strace $0x80000049;
	[dreg:$0x1] =	wrdreg $0xFFFFFFFF  }
0xad: {  	s28 =	simm.s32 $_size_execute0_lowered;
	s3 =	sadd.s32 s3, s5;
	[dreg:$0x0] =	wrdreg $0x0  }
0xae: {  	s5 =	sshll.u32 s28, $0x1;
	[dreg:$0x2] =	wrdreg s3  }
0xaf: {  	[dreg:$0x3] =	wrdreg s5  }
0xb0: {  	[dreg:$0x4] =	wrdreg $0xC0  }
0xb1: {  	_ =	task [dreg:s7], $0x5FFFF  }
0xb2: {  	[dreg:$0x1] =	wrdreg $0xFFFFFFFF  }
0xb3: {  	[dreg:$0x0] =	wrdreg $0x60  }
0xb4: {  	[dreg:$0x2] =	wrdreg s24  }
0xb5: {  	[dreg:$0x3] =	wrdreg s16  }
0xb6: {  	[dreg:$0x4] =	wrdreg $0x51000  }
0xb7: {  	[dreg:$0x5] =	wrdreg $0x9  }
0xb8: {  	_ =	task.clear_ibuf [dreg:s7], $0x6FFFF;
	_ =	strace $0x90000049  }
0xb9: {  	s29 =	simm.s32 $0x9;
	_ =	strace $0x8000004B  }
0xba: {  	_ =	swait.ge [sflag:s29], $0x1  }
0xbb: {  	[sflag:s29] =	ssyncadd.s32 $0xFFFFFFFF  }
0xbc: {  	_ =	strace $0x9000004B  }
0xbd: {  	_ =	sfence  }
0xbe: {  	s30 =	sld [smem:$0x0];
	_ =	sdelay $0x2  }
0xbf: {  	s31 =	sshll.u32 s1, $0xD;
	s1 =	sshrl.u32 s1, $0x2  }
0xc0: {  	s3 =	sand.u32 $0x4000, s31;
	s1 =	sadd.s32 s1, s30  }
0xc1: {  	s0 =	sor.u32 s3, s0;
	s1 =	sshll.u32 s1, $0x11  }
0xc2: {  	s0 =	sor.u32 s1, s0  }
0xc3: {  	s0 =	sadd.s32 $0x8F2B, s0  }
0xc4: {  	[sflag:s0] =	ssyncadd.remote.s32 $0x1  }
0xc5: {  	_ =	sfence.sel $0xFFFF  }
0xc6: {  	[dreg:$0x0] =	wrdreg $0xFFFFFFFF;
	(pc) =	sbr.abs _section_cstart, $3  }
0xc7: {  	[dreg:$0x1] =	wrdreg $0xFFFFFFFF  }
0xc8: {  	_ =	task.clear_ibuf [dreg:s7], $0x2FFFF;
	_ =	strace $0x9FFFFFFF  }
0xc9: {  	(tm) =	ssettm $0x7FFFFFFF  }
tec
execute0_lowered:
.L_overlay_start_1:
0x0: {  	(tag) =	ssettag $0x1  }
0x1: {  	s5 =	rddreg [dreg:$0x0]  }
0x2: {  	s6 =	rddreg [dreg:$0x1]  }
0x3: {  	s1 =	rddreg [dreg:$0x2]  }
0x4: {  	s3 =	srdreg.scid;
	s0 =	rddreg [dreg:$0x3];
	s2 =	simm.s32 $0x0  }
0x5: {  	s14 =	simm.s32 $0x2900;
	s17 =	simm.s32 $0x3;
	s4 =	sand.u32 $0x1, s3  }
0x6: {  	s18 =	simm.s32 $0x50;
	s19 =	simm.s32 $0x5;
	s7 =	smul.u32 $0x4E2000, s4  }
0x7: {  	s20 =	simm.s32 $0x2;
	s3 =	stileid.u32;
	s8 =	smul.u32 $0x27100, s4  }
0x8: {  	s21 =	simm.s32 $0x4;
	[smem:$0x7FF] =	sst s2;
	s10 =	smul.u32 $0x7D000, s3  }
0x9: {  	_ =	strace $0x8000004A;
	s9 =	ssub.s32 $0x2, s4;
	s12 =	smul.u32 $0x271000, s3  }
0xa: {  	s4 =	sadd.s32 $0x1394C00, s5;
	s11 =	sshll.u32 s3, $0xC;
	s30 =	smul.u32 $0x4E200, s3  }
0xb: {  	p0 =	sgt.u32 s3, $0x9;
	s23 =	smul.u32 $0x3E80, s3;
	s29 =	sshrl.u32 s9, $0x1  }
0xc: {  	s7 =	sadd.s32 s7, s5;
	s8 =	sadd.s32 s8, s5;
	s10 =	sshrl.u32 s10, $0x2  }
0xd: {  	s9 =	ssub.s32 s9, s29;
	s5 =	sadd.s32 s6, s11;
	s31 =	sshrl.u32 s12, $0x3  }
0xe: {  	s16 =	sadd.s32 $0xA00, s30;
	s12 =	simm.s32 $0x80;
	s15 =	sadd.s32 $0x9D0C00, s7  }
0xf: {  	s10 =	sadd.s32 s10, s1;
	s13 =	sadd.s32 $0x500, s31;
	s22 =	sadd.s32 $0x1398C00, s8  }
0x10: {  	s6 =	smax.u32 s9, $0x1;
	s7 =	sshll.u32 @!p0 s3, $0x6;
	s11 =	sadd.s32 $0x10, s5  }
0x11: {  	s7 =	sor.u32 @!p0 $0x1C05, s7;
	s8 =	sshrl.u32 @!p0 s10, $0x3;
	s9 =	sadd.s32 s30, s15  }
0x12: {  	s10 =	simm.s32 $0x100;
	s13 =	sadd.s32 s13, s15;
	s15 =	sadd.s32 s15, s16  }
0x13: {  	s16 =	simm.s32 $0x1;
	s22 =	sadd.s32 @!p0 s23, s22;
	s23 =	simm.s32 $0x0  }
.LBB2_1:
0x14: {  	[spmem:s8], [sflag:s7] =	dma.local @!p0 [hbm:s4], $0x3E80  }
0x15: {  	s24 =	simm.s32 @!p0 $0x5  }
0x16: {  	_ =	swait.ge @!p0 [sflag:s24], $0x3E80  }
0x17: {  	[sflag:s24] =	ssyncset.done @!p0 $0x0  }
0x18: {  	[sflag:s24] =	ssyncadd.s32 @!p0 $0xFFFFC180  }
0x19: {  	[bflag:$0x0] =	sbarrier.arrive $0xFFFF  }
0x1a: {  	[tilespmem:s2], [sflag:$0x1] =	stream.linear.gather [hbm4b:s5+s2], $0x80, $0x38;
	[tilespmem:$0x18980] =	vst v63  }
0x1b: {  	_ = 	snop  }
0x1c: {  	[tilespmem:s10], [sflag:$0x3] =	stream.linear.gather [hbm4b:s9+s2], $0x2800, $0x38;
	[tilespmem:$0x18980] =	vst v63  }
0x1d: {  	_ = 	snop  }
0x1e: {  	[tilespmem:s12], [sflag:$0x2] =	stream.linear.gather [hbm4b:s11+s2], $0x80, $0x38;
	[tilespmem:$0x18980] =	vst v63  }
0x1f: {  	_ = 	snop  }
0x20: {  	[tilespmem:s14], [sflag:$0x4] =	stream.linear.gather [hbm4b:s13+s2], $0x2800, $0x38;
	[tilespmem:$0x18980] =	vst v63  }
0x21: {  	_ =	swait.ge [sflag:s16], $0x80  }
0x22: {  	[sflag:s16] =	ssyncset.done $0x0  }
0x23: {  	[sflag:s16] =	ssyncadd.s32 $0xFFFFFF80  }
0x24: {  	_ =	swait.ge [sflag:s17], $0x2800  }
0x25: {  	[sflag:s17] =	ssyncset.done $0x0  }
0x26: {  	[sflag:s17] =	ssyncadd.s32 $0xFFFFD800  }
0x27: {  	[spmem:s1] =	stream.indirect.scatter.add.f32 [tilespmem:s10], [sflag:$0x5], $0x80, s2, s18, $0xb8;
	[tilespmem:$0x18980] =	vst v63  }
0x28: {  	_ =	swait.ge [sflag:s19], $0x2800  }
0x29: {  	s31 =	sadd.s32 $0xFFFFF080, s5;
	[sflag:s19] =	ssyncset.done $0x0  }
0x2a: {  	s25 =	sadd.s32 $0xFA0, s31;
	[sflag:s19] =	ssyncadd.s32 $0xFFFFD800  }
0x2b: {  	[tilespmem:s2], [sflag:$0x1] =	stream.linear.gather [hbm4b:s25+s2], $0x80, $0x38;
	[tilespmem:$0x18980] =	vst v63  }
0x2c: {  	_ = 	snop  }
0x2d: {  	[tilespmem:s10], [sflag:$0x3] =	stream.linear.gather [hbm4b:s15+s2], $0x2800, $0x38;
	[tilespmem:$0x18980] =	vst v63  }
0x2e: {  	_ =	swait.ge [sflag:s20], $0x80  }
0x2f: {  	[sflag:s20] =	ssyncset.done $0x0  }
0x30: {  	[sflag:s20] =	ssyncadd.s32 $0xFFFFFF80  }
0x31: {  	_ =	swait.ge [sflag:s21], $0x2800  }
0x32: {  	[sflag:s21] =	ssyncset.done $0x0  }
0x33: {  	[sflag:s21] =	ssyncadd.s32 $0xFFFFD800  }
0x34: {  	[spmem:s1] =	stream.indirect.scatter.add.f32 [tilespmem:s14], [sflag:$0x5], $0x80, s12, s18, $0xb8;
	[tilespmem:$0x18980] =	vst v63  }
0x35: {  	_ =	swait.ge [sflag:s19], $0x2800  }
0x36: {  	[sflag:s19] =	ssyncset.done $0x0  }
0x37: {  	s24 =	sadd.s32 $0xFB0, s31;
	[sflag:s19] =	ssyncadd.s32 $0xFFFFD800  }
0x38: {  	[tilespmem:s12], [sflag:$0x2] =	stream.linear.gather [hbm4b:s24+s2], $0x80, $0x38;
	[tilespmem:$0x18980] =	vst v63  }
0x39: {  	s26 =	sadd.s32 $0x500, s15;
	s25 =	sadd.s32 $0xA00, s15;
	s24 =	simm.s32 $0xFFFFF0A0  }
.LBB2_2:
0x3a: {  	[tilespmem:s14], [sflag:$0x4] =	stream.linear.gather [hbm4b:s26+s2], $0x2800, $0x38;
	[tilespmem:$0x18980] =	vst v63  }
0x3b: {  	s26 =	smov.u32 s24  }
0x3c: {  	p1 =	sne.s32 s24, $0xFFFFFFE0;
	s24 =	sadd.s32 $0x20, s24;
	_ =	swait.ge [sflag:s16], $0x80  }
0x3d: {  	[sflag:s16] =	ssyncset.done $0x0  }
0x3e: {  	[sflag:s16] =	ssyncadd.s32 $0xFFFFFF80  }
0x3f: {  	_ =	swait.ge [sflag:s17], $0x2800  }
0x40: {  	[sflag:s17] =	ssyncset.done $0x0  }
0x41: {  	[sflag:s17] =	ssyncadd.s32 $0xFFFFD800  }
0x42: {  	[spmem:s1] =	stream.indirect.scatter.add.f32 [tilespmem:s10], [sflag:$0x5], $0x80, s2, s18, $0xb8;
	[tilespmem:$0x18980] =	vst v63  }
0x43: {  	_ =	swait.ge [sflag:s19], $0x2800  }
0x44: {  	s26 =	sadd.s32 s26, s5;
	[sflag:s19] =	ssyncset.done $0x0  }
0x45: {  	s28 =	sadd.s32 $0xFA0, s26;
	[sflag:s19] =	ssyncadd.s32 $0xFFFFD800  }
0x46: {  	[tilespmem:s2], [sflag:$0x1] =	stream.linear.gather [hbm4b:s28+s2], $0x80, $0x38;
	[tilespmem:$0x18980] =	vst v63  }
0x47: {  	_ = 	snop  }
0x48: {  	[tilespmem:s10], [sflag:$0x3] =	stream.linear.gather [hbm4b:s25+s2], $0x2800, $0x38;
	[tilespmem:$0x18980] =	vst v63  }
0x49: {  	_ =	swait.ge [sflag:s20], $0x80  }
0x4a: {  	[sflag:s20] =	ssyncset.done $0x0  }
0x4b: {  	[sflag:s20] =	ssyncadd.s32 $0xFFFFFF80  }
0x4c: {  	_ =	swait.ge [sflag:s21], $0x2800  }
0x4d: {  	[sflag:s21] =	ssyncset.done $0x0  }
0x4e: {  	[sflag:s21] =	ssyncadd.s32 $0xFFFFD800  }
0x4f: {  	[spmem:s1] =	stream.indirect.scatter.add.f32 [tilespmem:s14], [sflag:$0x5], $0x80, s12, s18, $0xb8;
	[tilespmem:$0x18980] =	vst v63  }
.Ltmp0:
0x50: {  	_ =	swait.ge [sflag:s19], $0x2800;
	(pc) =	sbr.rel @p1 .LBB2_2-.Ltmp0, $4  }
0x51: {  	[sflag:s19] =	ssyncset.done $0x0  }
0x52: {  	s26 =	sadd.s32 $0xFB0, s26;
	[sflag:s19] =	ssyncadd.s32 $0xFFFFD800  }
0x53: {  	[tilespmem:s12], [sflag:$0x2] =	stream.linear.gather [hbm4b:s26+s2], $0x80, $0x38;
	[tilespmem:$0x18980] =	vst v63  }
0x54: {  	s26 =	sadd.s32 $0x500, s25;
	s25 =	sadd.s32 $0xA00, s25  }
0x55: {  	[tilespmem:s14], [sflag:$0x4] =	stream.linear.gather [hbm4b:s26+s2], $0x2800, $0x38;
	[tilespmem:$0x18980] =	vst v63  }
0x56: {  	_ =	swait.ge [sflag:s16], $0x80  }
0x57: {  	[sflag:s16] =	ssyncset.done $0x0  }
0x58: {  	[sflag:s16] =	ssyncadd.s32 $0xFFFFFF80  }
0x59: {  	_ =	swait.ge [sflag:s17], $0x2800  }
0x5a: {  	[sflag:s17] =	ssyncset.done $0x0  }
0x5b: {  	[sflag:s17] =	ssyncadd.s32 $0xFFFFD800  }
0x5c: {  	[spmem:s1] =	stream.indirect.scatter.add.f32 [tilespmem:s10], [sflag:$0x5], $0x80, s2, s18, $0xb8;
	[tilespmem:$0x18980] =	vst v63  }
0x5d: {  	_ =	swait.ge [sflag:s19], $0x2800  }
0x5e: {  	[sflag:s19] =	ssyncset.done $0x0  }
0x5f: {  	[sflag:s19] =	ssyncadd.s32 $0xFFFFD800  }
0x60: {  	_ =	swait.ge [sflag:s20], $0x80  }
0x61: {  	[sflag:s20] =	ssyncset.done $0x0  }
0x62: {  	[sflag:s20] =	ssyncadd.s32 $0xFFFFFF80  }
0x63: {  	_ =	swait.ge [sflag:s21], $0x2800  }
0x64: {  	[sflag:s21] =	ssyncset.done $0x0  }
0x65: {  	[sflag:s21] =	ssyncadd.s32 $0xFFFFD800  }
0x66: {  	[spmem:s1] =	stream.indirect.scatter.add.f32 [tilespmem:s14], [sflag:$0x5], $0x80, s12, s18, $0xb8;
	[tilespmem:$0x18980] =	vst v63  }
0x67: {  	_ =	swait.ge [sflag:s19], $0x2800  }
0x68: {  	s23 =	sadd.s32 $0x1, s23;
	[sflag:s19] =	ssyncset.done $0x0  }
0x69: {  	p1 =	sne.s32 s23, s6;
	[sflag:s19] =	ssyncadd.s32 $0xFFFFD800  }
.Ltmp1:
0x6a: {  	s24 =	simm.s32 @!p0 $0x5;
	[bflag:$0x0] =	sbarrier.arrive $0xFFFF;
	(pc) =	sbr.rel @p1 .LBB2_1-.Ltmp1, $4  }
0x6b: {  	[hbm:s22], [sflag:s7] =	dma.local @!p0 [spmem:s8], $0x3E80  }
0x6c: {  	_ =	swait.ge @!p0 [sflag:s24], $0x3E80  }
0x6d: {  	[sflag:s24] =	ssyncset.done @!p0 $0x0  }
0x6e: {  	[sflag:s24] =	ssyncadd.s32 @!p0 $0xFFFFC180  }
0x6f: {  	_ =	sfence.sel $0x180000  }
0x70: {  	[bflag:$0x0] =	sbarrier.arrive $0xFFFF  }
0x71: {  	p0 =	sne.s32 s3, $0x0;
	_ =	strace $0x9000004A  }
0x72: {  	s0 =	sadd.s32 @!p0 $0x100000, s0;
	[bflag:$0x2] =	sbarrier.arrive $0xFFFF  }
0x73: {  	[sflag:s0] =	ssyncadd.tile.s32 @!p0 $0x1;
	_ =	shalt  }
.Lfunc_end2:
_tile_overlayer_lowered:
.L_overlay_start_2:
0x74: {  	(tag) =	ssettag $0x2  }
0x75: {  	s0 =	rddreg [dreg:$0x0];
	s2 =	stileid.u32  }
0x76: {  	s1 =	rddreg [dreg:$0x1];
	p0 =	sne.s32 s2, $0x0  }
0x77: {  	s3 =	rddreg [dreg:$0x2];
	[bflag:$0x3] =	sbarrier.arrive $0xFFFF;
	s2 =	simm.s32 @!p0 $0x1C05  }
0x78: {  	[timem:s3], [sflag:s2] =	dma.local @!p0 [hbm:s0], s1  }
0x79: {  	s0 =	simm.s32 @!p0 $0x5  }
0x7a: {  	_ =	swait.ge @!p0 [sflag:s0], s1  }
0x7b: {  	s1 =	ssub.s32 @!p0 $0x0, s1;
	[sflag:s0] =	ssyncset.done @!p0 $0x0  }
0x7c: {  	[sflag:s0] =	ssyncadd.s32 @!p0 s1  }
0x7d: {  	[bflag:$0x3] =	sbarrier.arrive $0xFFFF  }
0x7e: {  	_ =	shalt  }

// kernel: kernel.14.cloned.1.call-start
scs
__scs_entry_jumppad:
0x0: {  	(pc) =	sbr.rel $0x88, $3  }
0x1: {  	(tag) =	ssettag $0x0;
	lr =	simm.s32 $0x1  }
0x2: {  	[smem:$0x3F8E] =	sst lr;
	_ =	strace $0xD0000000  }
0x3: {  	_ = 	snop  }
0x4: {  	_ = 	snop  }
0x5: {  	_ = 	snop  }
0x6: {  	_ = 	snop  }
0x7: {  	_ = 	snop  }
__scs_overlays_trampoline_lowered:
0x8: {  	[smem:$0x3F9D] =	sst s0  }
0x9: {  	[smem:$0x3F9E] =	sst s1  }
0xa: {  	[smem:$0x3F9F] =	sst s2  }
0xb: {  	[smem:$0x3FA0] =	sst s3  }
0xc: {  	[smem:$0x3FA1] =	sst s4  }
0xd: {  	[smem:$0x3FA2] =	sst s5  }
0xe: {  	[smem:$0x3FA3] =	sst s6  }
0xf: {  	[smem:$0x3FA4] =	sst s7  }
0x10: {  	[smem:$0x3FA5] =	sst s8  }
0x11: {  	[smem:$0x3FA6] =	sst s9;
	s0 =	simm.s32 @!p0 $0x0  }
0x12: {  	s1 =	sld [smem:$0x3F8C];
	s0 =	simm.s32 @p0 $0x1  }
0x13: {  	[smem:$0x3FA7] =	sst s0;
	s0 =	simm.s32 @!p1 $0x0  }
0x14: {  	s2 =	sld [smem:$0x3F8B];
	s0 =	simm.s32 @p1 $0x1  }
0x15: {  	[smem:$0x3FA8] =	sst s0;
	s0 =	simm.s32 @!p2 $0x0  }
0x16: {  	s3 =	sld [smem:$0x3FDB];
	s0 =	simm.s32 @p2 $0x1  }
0x17: {  	s4 =	simm.s32 $0x1BF5;
	[smem:$0x3FAA] =	sst s0  }
0x18: {  	s0 =	sld [smem:$0x3F8D];
	_ =	swait.ge [sflag:s4], $0x0  }
0x19: {  	s7 =	sld [smem:$0x3F8E]  }
0x1a: {  	s8 =	sadd.s32 $0xFFFFE003, lr  }
0x1b: {  	s9 =	sadd.s32 $0xFFFFFEF7, lr;
	s5 =	simm.s32 $0xFFFFFFFF;
	p2 =	slt.u32 s8, $0xFFFFF086  }
0x1c: {  	p1 =	slt.u32 s9, $0xF7A;
	s5 =	simm.s32 @!p2 $0x0  }
0x1d: {  	s5 =	simm.s32 @p1 $0x1;
	p0 =	seq.s32 s7, s2  }
0x1e: {  	s7 =	smul.u32 @!p0 $0xF7A, s2;
	p2 =	seq.s32 @!p0 s5, $0x0  }
0x1f: {  	s9 =	smul.u32 $0xF7A, s1;
	s8 =	simm.s32 @!p0 $0x1BF5;
	p2 =	por !p2, p0  }
0x20: {  	[sflag:s8] =	ssyncset.s32 @!p0 $0xFFFFF086;
	s6 =	sadd.s32 @!p0 s3, s7;
	s7 =	simm.s32 @!p0 $0x108  }
0x21: {  	s3 =	sadd.s32 s3, s9;
	s6 =	sadd.s32 @!p0 $0x88, s6;
	s7 =	simm.s32 @p2 $0x1082  }
0x22: {  	[simem:s7], [sflag:s8] =	dma.local @!p0 [hbm:s6], $0xF7A  }
0x23: {  	s9 =	sor.u32 $0xD0000000, s2;
	s6 =	simm.s32 $0x108;
	_ =	swait.ge @!p0 [sflag:s8], $0x0  }
0x24: {  	s3 =	sadd.s32 $0x88, s3;
	s6 =	simm.s32 @!p1 $0x1082;
	[sflag:s4] =	ssyncset.s32 $0xFFFFF086  }
0x25: {  	[simem:s6], [sflag:s4] =	dma.local [hbm:s3], $0xF7A  }
0x26: {  	[smem:$0x3F8E] =	sst s1;
	(tag) =	ssettag s2;
	_ =	strace s9  }
0x27: {  	s1 =	sld [smem:$0x3F9E]  }
0x28: {  	s2 =	sld [smem:$0x3F9F]  }
0x29: {  	s4 =	sld [smem:$0x3FA1]  }
0x2a: {  	p0 =	seq.s32 s5, $0x0;
	s5 =	sld [smem:$0x3FA2]  }
0x2b: {  	s6 =	sld [smem:$0x3FA3]  }
0x2c: {  	s7 =	sld [smem:$0x3FA4]  }
0x2d: {  	s3 =	simm.s32 $0x108;
	s8 =	sld [smem:$0x3FA5]  }
0x2e: {  	s3 =	simm.s32 @!p0 $0x1082;
	s9 =	sld [smem:$0x3FA6]  }
0x2f: {  	lr =	sadd.s32 s0, s3;
	s0 =	sld [smem:$0x3F9D]  }
0x30: {  	s3 =	sld [smem:$0x3FA0]  }
0x31: {  	[smem:$0x3FA9] =	sst s10  }
0x32: {  	s10 =	sld [smem:$0x3FA7];
	_ =	sdelay $0x3  }
0x33: {  	p0 =	seq.s32 s10, $0x1;
	s10 =	sld [smem:$0x3FA9];
	_ =	sdelay $0x3  }
0x34: {  	[smem:$0x3FA9] =	sst s10  }
0x35: {  	s10 =	sld [smem:$0x3FA8];
	_ =	sdelay $0x3  }
0x36: {  	p1 =	seq.s32 s10, $0x1;
	s10 =	sld [smem:$0x3FA9];
	_ =	sdelay $0x3  }
0x37: {  	[smem:$0x3FA9] =	sst s10  }
0x38: {  	s10 =	sld [smem:$0x3FAA]  }
0x39: {  	_ = 	snop;
	(pc) =	sbr.ind lr, $3  }
0x3a: {  	_ = 	snop  }
0x3b: {  	_ = 	snop  }
0x3c: {  	p2 =	seq.s32 s10, $0x1;
	s10 =	sld [smem:$0x3FA9]  }
0x3d: {  	_ =	shalt  }
0x3e: {  	_ =	shalt  }
0x3f: {  	_ =	shalt  }
0x40: {  	_ =	shalt  }
0x41: {  	_ =	shalt  }
0x42: {  	_ =	shalt  }
0x43: {  	_ =	shalt  }
0x44: {  	_ =	shalt  }
0x45: {  	_ =	shalt  }
0x46: {  	_ =	shalt  }
0x47: {  	_ =	shalt  }
0x48: {  	_ =	shalt  }
0x49: {  	_ =	shalt  }
0x4a: {  	_ =	shalt  }
0x4b: {  	_ =	shalt  }
0x4c: {  	_ =	shalt  }
0x4d: {  	_ =	shalt  }
0x4e: {  	_ =	shalt  }
0x4f: {  	_ =	shalt  }
0x50: {  	_ =	shalt  }
0x51: {  	_ =	shalt  }
0x52: {  	_ =	shalt  }
0x53: {  	_ =	shalt  }
0x54: {  	_ =	shalt  }
0x55: {  	_ =	shalt  }
0x56: {  	_ =	shalt  }
0x57: {  	_ =	shalt  }
0x58: {  	_ =	shalt  }
0x59: {  	_ =	shalt  }
0x5a: {  	_ =	shalt  }
0x5b: {  	_ =	shalt  }
0x5c: {  	_ =	shalt  }
0x5d: {  	_ =	shalt  }
0x5e: {  	_ =	shalt  }
0x5f: {  	_ =	shalt  }
0x60: {  	_ =	shalt  }
0x61: {  	_ =	shalt  }
0x62: {  	_ =	shalt  }
0x63: {  	_ =	shalt  }
0x64: {  	_ =	shalt  }
0x65: {  	_ =	shalt  }
0x66: {  	_ =	shalt  }
0x67: {  	_ =	shalt  }
0x68: {  	_ =	shalt  }
0x69: {  	_ =	shalt  }
0x6a: {  	_ =	shalt  }
0x6b: {  	_ =	shalt  }
0x6c: {  	_ =	shalt  }
0x6d: {  	_ =	shalt  }
0x6e: {  	_ =	shalt  }
0x6f: {  	_ =	shalt  }
0x70: {  	_ =	shalt  }
0x71: {  	_ =	shalt  }
0x72: {  	_ =	shalt  }
0x73: {  	_ =	shalt  }
0x74: {  	_ =	shalt  }
0x75: {  	_ =	shalt  }
0x76: {  	_ =	shalt  }
0x77: {  	_ =	shalt  }
0x78: {  	_ =	shalt  }
0x79: {  	_ =	shalt  }
0x7a: {  	_ =	shalt  }
0x7b: {  	_ =	shalt  }
0x7c: {  	_ =	shalt  }
0x7d: {  	_ =	shalt  }
0x7e: {  	_ =	shalt  }
0x7f: {  	_ =	shalt  }
0x80: {  	_ =	shalt  }
0x81: {  	_ =	shalt  }
0x82: {  	_ =	shalt  }
0x83: {  	_ =	shalt  }
0x84: {  	_ =	shalt  }
0x85: {  	_ =	shalt  }
0x86: {  	_ =	shalt  }
0x87: {  	_ =	shalt  }
.Lfunc_end0:
.L_simem_size_0:
called_computation.4_lowered:
.L_overlay_start_0:
0x88: {  	s2 =	sld [smem:$0x3FD9]  }
0x89: {  	s3 =	sld [smem:$0x3FFE];
	_ =	sdelay $0x1  }
0x8a: {  	s1 =	srdreg.scid  }
0x8b: {  	s0 =	sand.u32 $0x1, s1  }
0x8c: {  	s17 =	sshll.u32 s0, $0xA;
	s2 =	sadd.s32 s3, s2  }
0x8d: {  	s2 =	sadd.s32 s2, s17  }
0x8e: {  	[smem:$0x3FB5] =	sst s2  }
0x8f: {  	_ = 	snop  }
0x90: {  	(tm) =	ssettm $0x1  }
0x91: {  	s18 =	sld [smem:$0x3FFB];
	_ =	sdelay $0x3  }
0x92: {  	_ =	strace s18  }
0x93: {  	s2 =	sld [smem:$0x3FFC];
	_ =	sdelay $0x3  }
0x94: {  	_ =	strace s2  }
0x95: {  	s2 =	sld [smem:$0x3FFD];
	_ =	sdelay $0x3  }
0x96: {  	_ =	strace s2  }
0x97: {  	_ =	strace $0x8FFFFFFF  }
0x98: {  	s19 =	sld [smem:$0x3FDB];
	_ =	sdelay $0x1  }
0x99: {  	s20 =	simm.s32 $_scs_section_size  }
0x9a: {  	s4 =	simm.s32 $_size__tile_overlayer_lowered;
	s5 =	simm.s32 $_tile_overlayer_lowered  }
0x9b: {  	s6 =	simm.s32 $0x1BFF;
	s21 =	sshll.u32 s5, $0x1;
	s3 =	sadd.s32 s20, s19  }
0x9c: {  	s22 =	simm.s32 $0x0;
	s4 =	sshll.u32 s4, $0x1;
	s5 =	sadd.s32 s21, s3  }
0x9d: {  	[timem:s22], [sflag:s6] =	dma.local [hbm:s5], s4  }
0x9e: {  	_ =	swait.ge [sflag:s6], s4  }
0x9f: {  	s4 =	ssub.s32 $0x0, s4;
	[sflag:s6] =	ssyncset.done $0x0  }
0xa0: {  	[sflag:s6] =	ssyncadd.s32 s4;
	_ =	sdelay $0x1  }
0xa1: {  	s23 =	simm.s32 $0x1B8B  }
0xa2: {  	_ =	swait.ge [sflag:s23], $0x1  }
0xa3: {  	[sflag:s23] =	ssyncset.done $0x0  }
0xa4: {  	[sflag:s23] =	ssyncadd.s32 $0xFFFFFFFF  }
0xa5: {  	s4 =	sld [smem:$0x0]  }
0xa6: {  	s5 =	sand.u32 $0xFFFFFFFE, s1  }
0xa7: {  	p0 =	sne.s32 s1, s5  }
0xa8: {  	s5 =	sshll.u32 @p0 s5, $0xE  }
0xa9: {  	s5 =	sadd.s32 @p0 $0x11B8D, s5;
	s6 =	sshll.u32 @p0 s4, $0x11  }
0xaa: {  	s5 =	sor.u32 @p0 s6, s5  }
0xab: {  	[sflag:s5] =	ssyncadd.remote.s32 @p0 $0x1;
	_ =	sdelay $0x1  }
0xac: {  	s5 =	simm.s32 @p0 $0x1B8D  }
0xad: {  	_ =	swait.eq @p0 [sflag:s5], $0x1  }
0xae: {  	[sflag:s5] =	ssyncadd.s32 @p0 $0xFFFFFFFF  }
0xaf: {  	s6 =	sshll.u32 @!p0 s1, $0xE  }
0xb0: {  	s6 =	sor.u32 @!p0 $0x4000, s6;
	s5 =	simm.s32 @!p0 $0x1B8D  }
0xb1: {  	s4 =	sshll.u32 @!p0 s4, $0x11;
	s6 =	sadd.s32 @!p0 $0x11B8D, s6;
	_ =	swait.eq @!p0 [sflag:s5], $0x1  }
0xb2: {  	s4 =	sor.u32 @!p0 s4, s6;
	[sflag:s5] =	ssyncadd.s32 @!p0 $0xFFFFFFFF  }
0xb3: {  	s25 =	simm.s32 $0x1B8E;
	s24 =	sld [smem:$0x3FFE];
	[sflag:s4] =	ssyncadd.remote.s32 @!p0 $0x1  }
0xb4: {  	s26 =	simm.s32 $execute0_lowered;
	[smem:$0x3FD2] =	sst s25  }
0xb5: {  	s5 =	sshll.u32 s26, $0x1;
	_ =	strace $0x8000004F;
	[dreg:$0x1] =	wrdreg $0xFFFFFFFF  }
0xb6: {  	s28 =	simm.s32 $_size_execute0_lowered;
	s3 =	sadd.s32 s3, s5;
	[dreg:$0x0] =	wrdreg $0x0  }
0xb7: {  	s5 =	sshll.u32 s28, $0x1;
	[dreg:$0x2] =	wrdreg s3  }
0xb8: {  	[dreg:$0x3] =	wrdreg s5  }
0xb9: {  	[dreg:$0x4] =	wrdreg $0xC0  }
0xba: {  	_ =	task [dreg:s22], $0x5FFFF  }
0xbb: {  	[dreg:$0x1] =	wrdreg $0xFFFFFFFF  }
0xbc: {  	[dreg:$0x0] =	wrdreg $0x60  }
0xbd: {  	[dreg:$0x2] =	wrdreg s24  }
0xbe: {  	[dreg:$0x3] =	wrdreg $0xA  }
0xbf: {  	_ =	task.clear_ibuf [dreg:s22], $0x4FFFF;
	_ =	strace $0x9000004F  }
0xc0: {  	s29 =	simm.s32 $0xA;
	_ =	strace $0x80000051  }
0xc1: {  	_ =	swait.ge [sflag:s29], $0x1  }
0xc2: {  	[sflag:s29] =	ssyncadd.s32 $0xFFFFFFFF  }
0xc3: {  	_ =	strace $0x90000051  }
0xc4: {  	_ =	sfence  }
0xc5: {  	s30 =	sld [smem:$0x0];
	_ =	sdelay $0x2  }
0xc6: {  	s31 =	sshll.u32 s1, $0xD;
	s1 =	sshrl.u32 s1, $0x2  }
0xc7: {  	s4 =	sand.u32 $0x4000, s31;
	s1 =	sadd.s32 s1, s30  }
0xc8: {  	s0 =	sor.u32 s4, s0;
	s1 =	sshll.u32 s1, $0x11  }
0xc9: {  	s0 =	sor.u32 s1, s0  }
0xca: {  	s0 =	sadd.s32 $0x8F2B, s0  }
0xcb: {  	[sflag:s0] =	ssyncadd.remote.s32 $0x1  }
0xcc: {  	_ =	sfence.sel $0xFFFF  }
0xcd: {  	[dreg:$0x0] =	wrdreg $0xFFFFFFFF;
	(pc) =	sbr.abs _section_cstart, $3  }
0xce: {  	[dreg:$0x1] =	wrdreg $0xFFFFFFFF  }
0xcf: {  	_ =	task.clear_ibuf [dreg:s22], $0x2FFFF;
	_ =	strace $0x9FFFFFFF  }
0xd0: {  	(tm) =	ssettm $0x7FFFFFFF  }
0xd1: {  	_ =	shalt  }
tec
execute0_lowered:
.L_overlay_start_1:
0x0: {  	(tag) =	ssettag $0x1  }
0x1: {  	s0 =	srdreg.scid  }
0x2: {  	s5 =	stileid.u32;
	s1 =	rddreg [dreg:$0x0]  }
0x3: {  	s2 =	simm.s32 $0x0;
	s8 =	simm.s32 $0x2F80;
	s9 =	simm.s32 $0x3780  }
0x4: {  	s10 =	simm.s32 $0x3F80;
	s11 =	simm.s32 $0x4780;
	s12 =	simm.s32 $0x4F80  }
0x5: {  	s13 =	simm.s32 $0x5780;
	s14 =	simm.s32 $0x5F80;
	s15 =	simm.s32 $0x6780  }
0x6: {  	s16 =	simm.s32 $0x6F80;
	s17 =	simm.s32 $0x1;
	s18 =	simm.s32 $0x7780  }
0x7: {  	s19 =	simm.s32 $0x7F80;
	s20 =	simm.s32 $0x8780;
	s21 =	simm.s32 $0x8F80  }
0x8: {  	s22 =	simm.s32 $0x9780;
	s23 =	simm.s32 $0x9F80;
	s24 =	simm.s32 $0xA780  }
0x9: {  	s28 =	simm.s32 $0xBF80;
	s29 =	simm.s32 $0x2;
	s30 =	simm.s32 $0x3  }
0xa: {  	s31 =	simm.s32 $0x4;
	s0 =	sand.u32 $0x1, s0;
	s3 =	sshll.u32 s5, $0x1  }
0xb: {  	[smem:$0x7FF] =	sst s2;
	s5 =	smul.u32 $0x9C400, s5;
	s3 =	sor.u32 s0, s3  }
0xc: {  	_ =	strace $0x80000050;
	s6 =	ssub.s32 $0x2, s0;
	s0 =	smul.u32 $0x4E200, s0  }
0xd: {  	s4 =	smul.u32 $0x2710, s3;
	s5 =	sadd.s32 s5, s1;
	s7 =	sshrl.u32 s6, $0x1  }
0xe: {  	s3 =	sadd.s32 $0x9D0C00, s1;
	s25 =	ssub.s32 s6, s7;
	s0 =	sadd.s32 s0, s5  }
0xf: {  	s7 =	simm.s32 $0x2780;
	s4 =	sshrl.u32 s4, $0x3;
	s26 =	smax.u32 s25, $0x1  }
0x10: {  	v2 =	vlaneseq.u32;
	s0 =	sadd.s32 $0x1404A00, s0;
	s1 =	sadd.s32 s4, s1;
	[dreg:$0x4] =	wrdreg s26  }
0x11: {  	vm0 =	vmmov $0xffff;
	v1 =	vshrl.u32 v2, $0x3;
	s25 =	simm.s32 $0xAF80;
	[dreg:$0x2] =	wrdreg s0;
	s1 =	sadd.s32 $0x2E00, s1  }
0x12: {  	v0 =	vand.u32 $0x7, v2;
	v2 =	vor.u32 $0x8, v2;
	v1 =	vmul.u32 $0x8, v1;
	s26 =	simm.s32 $0xB780;
	[dreg:$0x3] =	wrdreg s1;
	s1 =	simm.s32 $0x0  }
.LBB2_1:
0x13: {  	s0 =	rddreg [dreg:$0x3];
	s6 =	simm.s32 $0x5  }
0x14: {  	[tilespmem:s2], [sflag:$0x5] =	stream.linear.gather [hbm4b:s0+s2], $0x2710, $0x38;
	[tilespmem:$0xC780] =	vst v63  }
0x15: {  	_ =	swait.ge [sflag:s6], $0x2710  }
0x16: {  	[sflag:s6] =	ssyncset.done $0x0  }
0x17: {  	s4 =	simm.s32 $0x0;
	s0 =	simm.s32 $0xC0;
	[sflag:s6] =	ssyncadd.s32 $0xFFFFD8F0  }
.LBB2_2:
0x18: {  	v3 =	vld [tilespmem:s0+$0xFFFFFF40];
	_ =	sdelay $0x4  }
0x19: {  	v4 =	vshll.u32 v3, $0x1  }
0x1a: {  	v3 =	vand.u32 $0x7, v3;
	v4 =	vand.u32 $0xFFFFFFF0, v4  }
0x1b: {  	v3 =	vor.u32 v3, v4  }
0x1c: {  	v4 =	vperm.xlane v3, v0;
	_ =	sdelay $0x1  }
0x1d: {  	v3 =	vperm.xlane v3, v2;
	v4 =	vadd.s32 v1, v4;
	_ =	sdelay $0x1  }
0x1e: {  	v3 =	vadd.s32 v1, v3;
	_ =	sdelay $0x2  }
0x1f: {  	[tilespmem:s7], [sflag:$0x1] =	stream.indirect_vreg.gather [hbm4b:s3+s2], $0x80, v4, vm0, $0xb8;
	[tilespmem:$0xC780] =	vst v63  }
0x20: {  	_ = 	snop  }
0x21: {  	[tilespmem:s8], [sflag:$0x1] =	stream.indirect_vreg.gather [hbm4b:s3+s2], $0x80, v3, vm0, $0xb8;
	[tilespmem:$0xC780] =	vst v63  }
0x22: {  	v3 =	vld [tilespmem:s0+$0xFFFFFF50];
	_ =	sdelay $0x4  }
0x23: {  	v40 =	vshll.u32 v3, $0x1  }
0x24: {  	v3 =	vand.u32 $0x7, v3;
	v4 =	vand.u32 $0xFFFFFFF0, v40  }
0x25: {  	v3 =	vor.u32 v3, v4  }
0x26: {  	v4 =	vperm.xlane v3, v0;
	_ =	sdelay $0x1  }
0x27: {  	v3 =	vperm.xlane v3, v2;
	v4 =	vadd.s32 v1, v4;
	_ =	sdelay $0x1  }
0x28: {  	v3 =	vadd.s32 v1, v3;
	_ =	sdelay $0x2  }
0x29: {  	[tilespmem:s9], [sflag:$0x1] =	stream.indirect_vreg.gather [hbm4b:s3+s2], $0x80, v4, vm0, $0xb8;
	[tilespmem:$0xC780] =	vst v63  }
0x2a: {  	_ = 	snop  }
0x2b: {  	[tilespmem:s10], [sflag:$0x1] =	stream.indirect_vreg.gather [hbm4b:s3+s2], $0x80, v3, vm0, $0xb8;
	[tilespmem:$0xC780] =	vst v63  }
0x2c: {  	v3 =	vld [tilespmem:s0+$0xFFFFFF60];
	_ =	sdelay $0x4  }
0x2d: {  	v41 =	vshll.u32 v3, $0x1  }
0x2e: {  	v3 =	vand.u32 $0x7, v3;
	v4 =	vand.u32 $0xFFFFFFF0, v41  }
0x2f: {  	v3 =	vor.u32 v3, v4  }
0x30: {  	v4 =	vperm.xlane v3, v0;
	_ =	sdelay $0x1  }
0x31: {  	v3 =	vperm.xlane v3, v2;
	v4 =	vadd.s32 v1, v4;
	_ =	sdelay $0x1  }
0x32: {  	v3 =	vadd.s32 v1, v3;
	_ =	sdelay $0x2  }
0x33: {  	[tilespmem:s11], [sflag:$0x1] =	stream.indirect_vreg.gather [hbm4b:s3+s2], $0x80, v4, vm0, $0xb8;
	[tilespmem:$0xC780] =	vst v63  }
0x34: {  	_ = 	snop  }
0x35: {  	[tilespmem:s12], [sflag:$0x1] =	stream.indirect_vreg.gather [hbm4b:s3+s2], $0x80, v3, vm0, $0xb8;
	[tilespmem:$0xC780] =	vst v63  }
0x36: {  	v3 =	vld [tilespmem:s0+$0xFFFFFF70];
	_ =	sdelay $0x4  }
0x37: {  	v42 =	vshll.u32 v3, $0x1  }
0x38: {  	v3 =	vand.u32 $0x7, v3;
	v4 =	vand.u32 $0xFFFFFFF0, v42  }
0x39: {  	v3 =	vor.u32 v3, v4  }
0x3a: {  	v4 =	vperm.xlane v3, v0;
	_ =	sdelay $0x1  }
0x3b: {  	v3 =	vperm.xlane v3, v2;
	v4 =	vadd.s32 v1, v4;
	_ =	sdelay $0x1  }
0x3c: {  	v3 =	vadd.s32 v1, v3;
	_ =	sdelay $0x2  }
0x3d: {  	[tilespmem:s13], [sflag:$0x1] =	stream.indirect_vreg.gather [hbm4b:s3+s2], $0x80, v4, vm0, $0xb8;
	[tilespmem:$0xC780] =	vst v63  }
0x3e: {  	_ = 	snop  }
0x3f: {  	[tilespmem:s14], [sflag:$0x1] =	stream.indirect_vreg.gather [hbm4b:s3+s2], $0x80, v3, vm0, $0xb8;
	[tilespmem:$0xC780] =	vst v63  }
0x40: {  	v3 =	vld [tilespmem:s0+$0xFFFFFF80];
	_ =	sdelay $0x4  }
0x41: {  	v43 =	vshll.u32 v3, $0x1  }
0x42: {  	v3 =	vand.u32 $0x7, v3;
	v4 =	vand.u32 $0xFFFFFFF0, v43  }
0x43: {  	v3 =	vor.u32 v3, v4  }
0x44: {  	v4 =	vperm.xlane v3, v0;
	_ =	sdelay $0x1  }
0x45: {  	v3 =	vperm.xlane v3, v2;
	v4 =	vadd.s32 v1, v4;
	_ =	sdelay $0x1  }
0x46: {  	v3 =	vadd.s32 v1, v3;
	_ =	sdelay $0x2  }
0x47: {  	[tilespmem:s15], [sflag:$0x1] =	stream.indirect_vreg.gather [hbm4b:s3+s2], $0x80, v4, vm0, $0xb8;
	[tilespmem:$0xC780] =	vst v63  }
0x48: {  	_ = 	snop  }
0x49: {  	[tilespmem:s16], [sflag:$0x1] =	stream.indirect_vreg.gather [hbm4b:s3+s2], $0x80, v3, vm0, $0xb8;
	[tilespmem:$0xC780] =	vst v63  }
0x4a: {  	_ =	swait.ge [sflag:s17], $0x5000  }
0x4b: {  	s5 =	rddreg [dreg:$0x2];
	[sflag:s17] =	ssyncset.done $0x0  }
0x4c: {  	[sflag:s17] =	ssyncadd.s32 $0xFFFFB000;
	s5 =	sadd.s32 s4, s5  }
0x4d: {  	[hbm4b:s5+s2] =	stream.linear.scatter [tilespmem:s7], [sflag:$0x3], $0x5000, $0x38;
	[tilespmem:$0xC780] =	vst v63  }
0x4e: {  	v3 =	vld [tilespmem:s0+$0xFFFFFF90];
	_ =	sdelay $0x4  }
0x4f: {  	v44 =	vshll.u32 v3, $0x1  }
0x50: {  	v3 =	vand.u32 $0x7, v3;
	v4 =	vand.u32 $0xFFFFFFF0, v44  }
0x51: {  	v3 =	vor.u32 v3, v4  }
0x52: {  	v4 =	vperm.xlane v3, v0;
	_ =	sdelay $0x1  }
0x53: {  	v3 =	vperm.xlane v3, v2;
	v4 =	vadd.s32 v1, v4;
	_ =	sdelay $0x1  }
0x54: {  	v3 =	vadd.s32 v1, v3;
	_ =	sdelay $0x2  }
0x55: {  	[tilespmem:s18], [sflag:$0x2] =	stream.indirect_vreg.gather [hbm4b:s3+s2], $0x80, v4, vm0, $0xb8;
	[tilespmem:$0xC780] =	vst v63  }
0x56: {  	_ = 	snop  }
0x57: {  	[tilespmem:s19], [sflag:$0x2] =	stream.indirect_vreg.gather [hbm4b:s3+s2], $0x80, v3, vm0, $0xb8;
	[tilespmem:$0xC780] =	vst v63  }
0x58: {  	v3 =	vld [tilespmem:s0+$0xFFFFFFA0];
	_ =	sdelay $0x4  }
0x59: {  	v45 =	vshll.u32 v3, $0x1  }
0x5a: {  	v3 =	vand.u32 $0x7, v3;
	v4 =	vand.u32 $0xFFFFFFF0, v45  }
0x5b: {  	v3 =	vor.u32 v3, v4  }
0x5c: {  	v4 =	vperm.xlane v3, v0;
	_ =	sdelay $0x1  }
0x5d: {  	v3 =	vperm.xlane v3, v2;
	v4 =	vadd.s32 v1, v4;
	_ =	sdelay $0x1  }
0x5e: {  	v3 =	vadd.s32 v1, v3;
	_ =	sdelay $0x2  }
0x5f: {  	[tilespmem:s20], [sflag:$0x2] =	stream.indirect_vreg.gather [hbm4b:s3+s2], $0x80, v4, vm0, $0xb8;
	[tilespmem:$0xC780] =	vst v63  }
0x60: {  	_ = 	snop  }
0x61: {  	[tilespmem:s21], [sflag:$0x2] =	stream.indirect_vreg.gather [hbm4b:s3+s2], $0x80, v3, vm0, $0xb8;
	[tilespmem:$0xC780] =	vst v63  }
0x62: {  	v3 =	vld [tilespmem:s0+$0xFFFFFFB0];
	_ =	sdelay $0x4  }
0x63: {  	v46 =	vshll.u32 v3, $0x1  }
0x64: {  	v3 =	vand.u32 $0x7, v3;
	v4 =	vand.u32 $0xFFFFFFF0, v46  }
0x65: {  	v3 =	vor.u32 v3, v4  }
0x66: {  	v4 =	vperm.xlane v3, v0;
	_ =	sdelay $0x1  }
0x67: {  	v3 =	vperm.xlane v3, v2;
	v4 =	vadd.s32 v1, v4;
	_ =	sdelay $0x1  }
0x68: {  	v3 =	vadd.s32 v1, v3;
	_ =	sdelay $0x2  }
0x69: {  	[tilespmem:s22], [sflag:$0x2] =	stream.indirect_vreg.gather [hbm4b:s3+s2], $0x80, v4, vm0, $0xb8;
	[tilespmem:$0xC780] =	vst v63  }
0x6a: {  	_ = 	snop  }
0x6b: {  	[tilespmem:s23], [sflag:$0x2] =	stream.indirect_vreg.gather [hbm4b:s3+s2], $0x80, v3, vm0, $0xb8;
	[tilespmem:$0xC780] =	vst v63  }
0x6c: {  	v3 =	vld [tilespmem:s0+$0xFFFFFFC0];
	_ =	sdelay $0x4  }
0x6d: {  	v47 =	vshll.u32 v3, $0x1  }
0x6e: {  	v3 =	vand.u32 $0x7, v3;
	v4 =	vand.u32 $0xFFFFFFF0, v47  }
0x6f: {  	v3 =	vor.u32 v3, v4  }
0x70: {  	v4 =	vperm.xlane v3, v0;
	_ =	sdelay $0x1  }
0x71: {  	v3 =	vperm.xlane v3, v2;
	v4 =	vadd.s32 v1, v4;
	_ =	sdelay $0x1  }
0x72: {  	v3 =	vadd.s32 v1, v3;
	_ =	sdelay $0x2  }
0x73: {  	[tilespmem:s24], [sflag:$0x2] =	stream.indirect_vreg.gather [hbm4b:s3+s2], $0x80, v4, vm0, $0xb8;
	[tilespmem:$0xC780] =	vst v63  }
0x74: {  	_ = 	snop  }
0x75: {  	[tilespmem:s25], [sflag:$0x2] =	stream.indirect_vreg.gather [hbm4b:s3+s2], $0x80, v3, vm0, $0xb8;
	[tilespmem:$0xC780] =	vst v63  }
0x76: {  	v3 =	vld [tilespmem:s0+$0xFFFFFFD0];
	_ =	sdelay $0x4  }
0x77: {  	v48 =	vshll.u32 v3, $0x1  }
0x78: {  	v3 =	vand.u32 $0x7, v3;
	v4 =	vand.u32 $0xFFFFFFF0, v48  }
0x79: {  	v3 =	vor.u32 v3, v4  }
0x7a: {  	v4 =	vperm.xlane v3, v0;
	_ =	sdelay $0x1  }
0x7b: {  	v3 =	vperm.xlane v3, v2;
	v4 =	vadd.s32 v1, v4;
	_ =	sdelay $0x1  }
0x7c: {  	v3 =	vadd.s32 v1, v3;
	_ =	sdelay $0x2  }
0x7d: {  	[tilespmem:s26], [sflag:$0x2] =	stream.indirect_vreg.gather [hbm4b:s3+s2], $0x80, v4, vm0, $0xb8;
	[tilespmem:$0xC780] =	vst v63  }
0x7e: {  	_ = 	snop  }
0x7f: {  	[tilespmem:s28], [sflag:$0x2] =	stream.indirect_vreg.gather [hbm4b:s3+s2], $0x80, v3, vm0, $0xb8;
	[tilespmem:$0xC780] =	vst v63  }
0x80: {  	_ =	swait.ge [sflag:s29], $0x5000  }
0x81: {  	[sflag:s29] =	ssyncset.done $0x0  }
0x82: {  	s6 =	sadd.s32 $0xA00, s5;
	[sflag:s29] =	ssyncadd.s32 $0xFFFFB000  }
0x83: {  	[hbm4b:s6+s2] =	stream.linear.scatter [tilespmem:s18], [sflag:$0x4], $0x5000, $0x38;
	[tilespmem:$0xC780] =	vst v63  }
0x84: {  	_ =	swait.ge [sflag:s30], $0x5000  }
0x85: {  	[sflag:s30] =	ssyncset.done $0x0  }
0x86: {  	[sflag:s30] =	ssyncadd.s32 $0xFFFFB000  }
0x87: {  	v3 =	vld [tilespmem:s0+$0xFFFFFFE0];
	_ =	sdelay $0x4  }
0x88: {  	v49 =	vshll.u32 v3, $0x1  }
0x89: {  	v3 =	vand.u32 $0x7, v3;
	v4 =	vand.u32 $0xFFFFFFF0, v49  }
0x8a: {  	v3 =	vor.u32 v3, v4  }
0x8b: {  	v4 =	vperm.xlane v3, v0;
	_ =	sdelay $0x1  }
0x8c: {  	v3 =	vperm.xlane v3, v2;
	v4 =	vadd.s32 v1, v4;
	_ =	sdelay $0x1  }
0x8d: {  	v3 =	vadd.s32 v1, v3;
	_ =	sdelay $0x2  }
0x8e: {  	[tilespmem:s7], [sflag:$0x1] =	stream.indirect_vreg.gather [hbm4b:s3+s2], $0x80, v4, vm0, $0xb8;
	[tilespmem:$0xC780] =	vst v63  }
0x8f: {  	_ = 	snop  }
0x90: {  	[tilespmem:s8], [sflag:$0x1] =	stream.indirect_vreg.gather [hbm4b:s3+s2], $0x80, v3, vm0, $0xb8;
	[tilespmem:$0xC780] =	vst v63  }
0x91: {  	v3 =	vld [tilespmem:s0+$0xFFFFFFF0];
	_ =	sdelay $0x4  }
0x92: {  	v50 =	vshll.u32 v3, $0x1  }
0x93: {  	v3 =	vand.u32 $0x7, v3;
	v4 =	vand.u32 $0xFFFFFFF0, v50  }
0x94: {  	v3 =	vor.u32 v3, v4  }
0x95: {  	v4 =	vperm.xlane v3, v0;
	_ =	sdelay $0x1  }
0x96: {  	v3 =	vperm.xlane v3, v2;
	v4 =	vadd.s32 v1, v4;
	_ =	sdelay $0x1  }
0x97: {  	v3 =	vadd.s32 v1, v3;
	_ =	sdelay $0x2  }
0x98: {  	[tilespmem:s9], [sflag:$0x1] =	stream.indirect_vreg.gather [hbm4b:s3+s2], $0x80, v4, vm0, $0xb8;
	[tilespmem:$0xC780] =	vst v63  }
0x99: {  	_ = 	snop  }
0x9a: {  	[tilespmem:s10], [sflag:$0x1] =	stream.indirect_vreg.gather [hbm4b:s3+s2], $0x80, v3, vm0, $0xb8;
	[tilespmem:$0xC780] =	vst v63  }
0x9b: {  	v3 =	vld [tilespmem:s0+$0x0];
	_ =	sdelay $0x4  }
0x9c: {  	v51 =	vshll.u32 v3, $0x1  }
0x9d: {  	v3 =	vand.u32 $0x7, v3;
	v4 =	vand.u32 $0xFFFFFFF0, v51  }
0x9e: {  	v3 =	vor.u32 v3, v4  }
0x9f: {  	v4 =	vperm.xlane v3, v0;
	_ =	sdelay $0x1  }
0xa0: {  	v3 =	vperm.xlane v3, v2;
	v4 =	vadd.s32 v1, v4;
	_ =	sdelay $0x1  }
0xa1: {  	v3 =	vadd.s32 v1, v3;
	_ =	sdelay $0x2  }
0xa2: {  	[tilespmem:s11], [sflag:$0x1] =	stream.indirect_vreg.gather [hbm4b:s3+s2], $0x80, v4, vm0, $0xb8;
	[tilespmem:$0xC780] =	vst v63  }
0xa3: {  	_ = 	snop  }
0xa4: {  	[tilespmem:s12], [sflag:$0x1] =	stream.indirect_vreg.gather [hbm4b:s3+s2], $0x80, v3, vm0, $0xb8;
	[tilespmem:$0xC780] =	vst v63  }
0xa5: {  	v3 =	vld [tilespmem:s0+$0x10];
	_ =	sdelay $0x4  }
0xa6: {  	v52 =	vshll.u32 v3, $0x1  }
0xa7: {  	v3 =	vand.u32 $0x7, v3;
	v4 =	vand.u32 $0xFFFFFFF0, v52  }
0xa8: {  	v3 =	vor.u32 v3, v4  }
0xa9: {  	v4 =	vperm.xlane v3, v0;
	_ =	sdelay $0x1  }
0xaa: {  	v3 =	vperm.xlane v3, v2;
	v4 =	vadd.s32 v1, v4;
	_ =	sdelay $0x1  }
0xab: {  	v3 =	vadd.s32 v1, v3;
	_ =	sdelay $0x2  }
0xac: {  	[tilespmem:s13], [sflag:$0x1] =	stream.indirect_vreg.gather [hbm4b:s3+s2], $0x80, v4, vm0, $0xb8;
	[tilespmem:$0xC780] =	vst v63  }
0xad: {  	_ = 	snop  }
0xae: {  	[tilespmem:s14], [sflag:$0x1] =	stream.indirect_vreg.gather [hbm4b:s3+s2], $0x80, v3, vm0, $0xb8;
	[tilespmem:$0xC780] =	vst v63  }
0xaf: {  	v3 =	vld [tilespmem:s0+$0x20];
	_ =	sdelay $0x4  }
0xb0: {  	v53 =	vshll.u32 v3, $0x1  }
0xb1: {  	v3 =	vand.u32 $0x7, v3;
	v4 =	vand.u32 $0xFFFFFFF0, v53  }
0xb2: {  	v3 =	vor.u32 v3, v4  }
0xb3: {  	v4 =	vperm.xlane v3, v0;
	_ =	sdelay $0x1  }
0xb4: {  	v3 =	vperm.xlane v3, v2;
	v4 =	vadd.s32 v1, v4;
	_ =	sdelay $0x1  }
0xb5: {  	v3 =	vadd.s32 v1, v3;
	_ =	sdelay $0x2  }
0xb6: {  	[tilespmem:s15], [sflag:$0x1] =	stream.indirect_vreg.gather [hbm4b:s3+s2], $0x80, v4, vm0, $0xb8;
	[tilespmem:$0xC780] =	vst v63  }
0xb7: {  	_ = 	snop  }
0xb8: {  	[tilespmem:s16], [sflag:$0x1] =	stream.indirect_vreg.gather [hbm4b:s3+s2], $0x80, v3, vm0, $0xb8;
	[tilespmem:$0xC780] =	vst v63  }
0xb9: {  	_ =	swait.ge [sflag:s17], $0x5000  }
0xba: {  	[sflag:s17] =	ssyncset.done $0x0  }
0xbb: {  	s6 =	sadd.s32 $0x1400, s5;
	[sflag:s17] =	ssyncadd.s32 $0xFFFFB000  }
0xbc: {  	[hbm4b:s6+s2] =	stream.linear.scatter [tilespmem:s7], [sflag:$0x3], $0x5000, $0x38;
	[tilespmem:$0xC780] =	vst v63  }
0xbd: {  	_ =	swait.ge [sflag:s31], $0x5000  }
0xbe: {  	[sflag:s31] =	ssyncset.done $0x0  }
0xbf: {  	[sflag:s31] =	ssyncadd.s32 $0xFFFFB000  }
0xc0: {  	v3 =	vld [tilespmem:s0+$0x30];
	_ =	sdelay $0x4  }
0xc1: {  	v54 =	vshll.u32 v3, $0x1  }
0xc2: {  	v3 =	vand.u32 $0x7, v3;
	v4 =	vand.u32 $0xFFFFFFF0, v54  }
0xc3: {  	v3 =	vor.u32 v3, v4  }
0xc4: {  	v4 =	vperm.xlane v3, v0;
	_ =	sdelay $0x1  }
0xc5: {  	v3 =	vperm.xlane v3, v2;
	v4 =	vadd.s32 v1, v4;
	_ =	sdelay $0x1  }
0xc6: {  	v3 =	vadd.s32 v1, v3;
	_ =	sdelay $0x2  }
0xc7: {  	[tilespmem:s18], [sflag:$0x2] =	stream.indirect_vreg.gather [hbm4b:s3+s2], $0x80, v4, vm0, $0xb8;
	[tilespmem:$0xC780] =	vst v63  }
0xc8: {  	_ = 	snop  }
0xc9: {  	[tilespmem:s19], [sflag:$0x2] =	stream.indirect_vreg.gather [hbm4b:s3+s2], $0x80, v3, vm0, $0xb8;
	[tilespmem:$0xC780] =	vst v63  }
0xca: {  	v3 =	vld [tilespmem:s0+$0x40];
	_ =	sdelay $0x4  }
0xcb: {  	v55 =	vshll.u32 v3, $0x1  }
0xcc: {  	v3 =	vand.u32 $0x7, v3;
	v4 =	vand.u32 $0xFFFFFFF0, v55  }
0xcd: {  	v3 =	vor.u32 v3, v4  }
0xce: {  	v4 =	vperm.xlane v3, v0;
	_ =	sdelay $0x1  }
0xcf: {  	v3 =	vperm.xlane v3, v2;
	v4 =	vadd.s32 v1, v4;
	_ =	sdelay $0x1  }
0xd0: {  	v3 =	vadd.s32 v1, v3;
	_ =	sdelay $0x2  }
0xd1: {  	[tilespmem:s20], [sflag:$0x2] =	stream.indirect_vreg.gather [hbm4b:s3+s2], $0x80, v4, vm0, $0xb8;
	[tilespmem:$0xC780] =	vst v63  }
0xd2: {  	_ = 	snop  }
0xd3: {  	[tilespmem:s21], [sflag:$0x2] =	stream.indirect_vreg.gather [hbm4b:s3+s2], $0x80, v3, vm0, $0xb8;
	[tilespmem:$0xC780] =	vst v63  }
0xd4: {  	v3 =	vld [tilespmem:s0+$0x50];
	_ =	sdelay $0x4  }
0xd5: {  	v56 =	vshll.u32 v3, $0x1  }
0xd6: {  	v3 =	vand.u32 $0x7, v3;
	v4 =	vand.u32 $0xFFFFFFF0, v56  }
0xd7: {  	v3 =	vor.u32 v3, v4  }
0xd8: {  	v4 =	vperm.xlane v3, v0;
	_ =	sdelay $0x1  }
0xd9: {  	v3 =	vperm.xlane v3, v2;
	v4 =	vadd.s32 v1, v4;
	_ =	sdelay $0x1  }
0xda: {  	v3 =	vadd.s32 v1, v3;
	_ =	sdelay $0x2  }
0xdb: {  	[tilespmem:s22], [sflag:$0x2] =	stream.indirect_vreg.gather [hbm4b:s3+s2], $0x80, v4, vm0, $0xb8;
	[tilespmem:$0xC780] =	vst v63  }
0xdc: {  	_ = 	snop  }
0xdd: {  	[tilespmem:s23], [sflag:$0x2] =	stream.indirect_vreg.gather [hbm4b:s3+s2], $0x80, v3, vm0, $0xb8;
	[tilespmem:$0xC780] =	vst v63  }
0xde: {  	v3 =	vld [tilespmem:s0+$0x60];
	_ =	sdelay $0x4  }
0xdf: {  	v57 =	vshll.u32 v3, $0x1  }
0xe0: {  	v3 =	vand.u32 $0x7, v3;
	v4 =	vand.u32 $0xFFFFFFF0, v57  }
0xe1: {  	v3 =	vor.u32 v3, v4  }
0xe2: {  	v4 =	vperm.xlane v3, v0;
	_ =	sdelay $0x1  }
0xe3: {  	v3 =	vperm.xlane v3, v2;
	v4 =	vadd.s32 v1, v4;
	_ =	sdelay $0x1  }
0xe4: {  	v3 =	vadd.s32 v1, v3;
	_ =	sdelay $0x2  }
0xe5: {  	[tilespmem:s24], [sflag:$0x2] =	stream.indirect_vreg.gather [hbm4b:s3+s2], $0x80, v4, vm0, $0xb8;
	[tilespmem:$0xC780] =	vst v63  }
0xe6: {  	_ = 	snop  }
0xe7: {  	[tilespmem:s25], [sflag:$0x2] =	stream.indirect_vreg.gather [hbm4b:s3+s2], $0x80, v3, vm0, $0xb8;
	[tilespmem:$0xC780] =	vst v63  }
0xe8: {  	v3 =	vld [tilespmem:s0+$0x70];
	_ =	sdelay $0x4  }
0xe9: {  	v58 =	vshll.u32 v3, $0x1  }
0xea: {  	v3 =	vand.u32 $0x7, v3;
	v4 =	vand.u32 $0xFFFFFFF0, v58  }
0xeb: {  	v3 =	vor.u32 v3, v4  }
0xec: {  	v4 =	vperm.xlane v3, v0;
	_ =	sdelay $0x1  }
0xed: {  	v3 =	vperm.xlane v3, v2;
	v4 =	vadd.s32 v1, v4;
	_ =	sdelay $0x1  }
0xee: {  	v3 =	vadd.s32 v1, v3;
	_ =	sdelay $0x2  }
0xef: {  	[tilespmem:s26], [sflag:$0x2] =	stream.indirect_vreg.gather [hbm4b:s3+s2], $0x80, v4, vm0, $0xb8;
	[tilespmem:$0xC780] =	vst v63  }
0xf0: {  	_ = 	snop  }
0xf1: {  	[tilespmem:s28], [sflag:$0x2] =	stream.indirect_vreg.gather [hbm4b:s3+s2], $0x80, v3, vm0, $0xb8;
	[tilespmem:$0xC780] =	vst v63  }
0xf2: {  	_ =	swait.ge [sflag:s29], $0x5000  }
0xf3: {  	[sflag:s29] =	ssyncset.done $0x0  }
0xf4: {  	s6 =	sadd.s32 $0x1E00, s5;
	[sflag:s29] =	ssyncadd.s32 $0xFFFFB000  }
0xf5: {  	[hbm4b:s6+s2] =	stream.linear.scatter [tilespmem:s18], [sflag:$0x4], $0x5000, $0x38;
	[tilespmem:$0xC780] =	vst v63  }
0xf6: {  	_ =	swait.ge [sflag:s30], $0x5000  }
0xf7: {  	[sflag:s30] =	ssyncset.done $0x0  }
0xf8: {  	[sflag:s30] =	ssyncadd.s32 $0xFFFFB000  }
0xf9: {  	v3 =	vld [tilespmem:s0+$0x80];
	_ =	sdelay $0x4  }
0xfa: {  	v59 =	vshll.u32 v3, $0x1  }
0xfb: {  	v3 =	vand.u32 $0x7, v3;
	v4 =	vand.u32 $0xFFFFFFF0, v59  }
0xfc: {  	v3 =	vor.u32 v3, v4  }
0xfd: {  	v4 =	vperm.xlane v3, v0;
	_ =	sdelay $0x1  }
0xfe: {  	v3 =	vperm.xlane v3, v2;
	v4 =	vadd.s32 v1, v4;
	_ =	sdelay $0x1  }
0xff: {  	v3 =	vadd.s32 v1, v3;
	_ =	sdelay $0x2  }
0x100: {  	[tilespmem:s7], [sflag:$0x1] =	stream.indirect_vreg.gather [hbm4b:s3+s2], $0x80, v4, vm0, $0xb8;
	[tilespmem:$0xC780] =	vst v63  }
0x101: {  	_ = 	snop  }
0x102: {  	[tilespmem:s8], [sflag:$0x1] =	stream.indirect_vreg.gather [hbm4b:s3+s2], $0x80, v3, vm0, $0xb8;
	[tilespmem:$0xC780] =	vst v63  }
0x103: {  	v3 =	vld [tilespmem:s0+$0x90];
	_ =	sdelay $0x4  }
0x104: {  	v60 =	vshll.u32 v3, $0x1  }
0x105: {  	v3 =	vand.u32 $0x7, v3;
	v4 =	vand.u32 $0xFFFFFFF0, v60  }
0x106: {  	v3 =	vor.u32 v3, v4  }
0x107: {  	v4 =	vperm.xlane v3, v0;
	_ =	sdelay $0x1  }
0x108: {  	v3 =	vperm.xlane v3, v2;
	v4 =	vadd.s32 v1, v4;
	_ =	sdelay $0x1  }
0x109: {  	v3 =	vadd.s32 v1, v3;
	_ =	sdelay $0x2  }
0x10a: {  	[tilespmem:s9], [sflag:$0x1] =	stream.indirect_vreg.gather [hbm4b:s3+s2], $0x80, v4, vm0, $0xb8;
	[tilespmem:$0xC780] =	vst v63  }
0x10b: {  	_ = 	snop  }
0x10c: {  	[tilespmem:s10], [sflag:$0x1] =	stream.indirect_vreg.gather [hbm4b:s3+s2], $0x80, v3, vm0, $0xb8;
	[tilespmem:$0xC780] =	vst v63  }
0x10d: {  	v3 =	vld [tilespmem:s0+$0xA0];
	_ =	sdelay $0x4  }
0x10e: {  	v61 =	vshll.u32 v3, $0x1  }
0x10f: {  	v3 =	vand.u32 $0x7, v3;
	v4 =	vand.u32 $0xFFFFFFF0, v61  }
0x110: {  	v3 =	vor.u32 v3, v4  }
0x111: {  	v4 =	vperm.xlane v3, v0;
	_ =	sdelay $0x1  }
0x112: {  	v3 =	vperm.xlane v3, v2;
	v4 =	vadd.s32 v1, v4;
	_ =	sdelay $0x1  }
0x113: {  	v3 =	vadd.s32 v1, v3;
	_ =	sdelay $0x2  }
0x114: {  	[tilespmem:s11], [sflag:$0x1] =	stream.indirect_vreg.gather [hbm4b:s3+s2], $0x80, v4, vm0, $0xb8;
	[tilespmem:$0xC780] =	vst v63  }
0x115: {  	_ = 	snop  }
0x116: {  	[tilespmem:s12], [sflag:$0x1] =	stream.indirect_vreg.gather [hbm4b:s3+s2], $0x80, v3, vm0, $0xb8;
	[tilespmem:$0xC780] =	vst v63  }
0x117: {  	v3 =	vld [tilespmem:s0+$0xB0];
	_ =	sdelay $0x4  }
0x118: {  	v62 =	vshll.u32 v3, $0x1  }
0x119: {  	v3 =	vand.u32 $0x7, v3;
	v4 =	vand.u32 $0xFFFFFFF0, v62  }
0x11a: {  	v3 =	vor.u32 v3, v4  }
0x11b: {  	v4 =	vperm.xlane v3, v0;
	_ =	sdelay $0x1  }
0x11c: {  	v3 =	vperm.xlane v3, v2;
	v4 =	vadd.s32 v1, v4;
	_ =	sdelay $0x1  }
0x11d: {  	v3 =	vadd.s32 v1, v3;
	_ =	sdelay $0x2  }
0x11e: {  	[tilespmem:s13], [sflag:$0x1] =	stream.indirect_vreg.gather [hbm4b:s3+s2], $0x80, v4, vm0, $0xb8;
	[tilespmem:$0xC780] =	vst v63  }
0x11f: {  	_ = 	snop  }
0x120: {  	[tilespmem:s14], [sflag:$0x1] =	stream.indirect_vreg.gather [hbm4b:s3+s2], $0x80, v3, vm0, $0xb8;
	[tilespmem:$0xC780] =	vst v63  }
0x121: {  	v3 =	vld [tilespmem:s0+$0xC0];
	_ =	sdelay $0x4  }
0x122: {  	v63 =	vshll.u32 v3, $0x1  }
0x123: {  	v3 =	vand.u32 $0x7, v3;
	v4 =	vand.u32 $0xFFFFFFF0, v63  }
0x124: {  	v3 =	vor.u32 v3, v4  }
0x125: {  	v4 =	vperm.xlane v3, v0;
	_ =	sdelay $0x1  }
0x126: {  	v3 =	vperm.xlane v3, v2;
	v4 =	vadd.s32 v1, v4;
	_ =	sdelay $0x1  }
0x127: {  	v3 =	vadd.s32 v1, v3;
	_ =	sdelay $0x2  }
0x128: {  	[tilespmem:s15], [sflag:$0x1] =	stream.indirect_vreg.gather [hbm4b:s3+s2], $0x80, v4, vm0, $0xb8;
	[tilespmem:$0xC780] =	vst v63  }
0x129: {  	_ = 	snop  }
0x12a: {  	[tilespmem:s16], [sflag:$0x1] =	stream.indirect_vreg.gather [hbm4b:s3+s2], $0x80, v3, vm0, $0xb8;
	[tilespmem:$0xC780] =	vst v63  }
0x12b: {  	_ =	swait.ge [sflag:s17], $0x5000  }
0x12c: {  	[sflag:s17] =	ssyncset.done $0x0  }
0x12d: {  	s5 =	sadd.s32 $0x2800, s5;
	[sflag:s17] =	ssyncadd.s32 $0xFFFFB000  }
0x12e: {  	[hbm4b:s5+s2] =	stream.linear.scatter [tilespmem:s7], [sflag:$0x3], $0x5000, $0x38;
	[tilespmem:$0xC780] =	vst v63  }
0x12f: {  	p0 =	sne.s32 s4, $0x4B000;
	_ =	swait.ge [sflag:s30], $0x5000  }
.Ltmp0:
0x130: {  	[sflag:s30] =	ssyncset.done $0x0;
	(pc) =	sbr.rel @p0 .LBB2_2-.Ltmp0, $4  }
0x131: {  	[sflag:s30] =	ssyncadd.s32 $0xFFFFB000  }
0x132: {  	_ =	swait.ge [sflag:s31], $0x5000  }
0x133: {  	[sflag:s31] =	ssyncset.done $0x0  }
0x134: {  	s4 =	sadd.s32 $0x3200, s4;
	s0 =	sadd.s32 $0x190, s0;
	[sflag:s31] =	ssyncadd.s32 $0xFFFFB000  }
0x135: {  	s1 =	sadd.s32 $0x1, s1;
	s0 =	rddreg [dreg:$0x4]  }
0x136: {  	p0 =	sne.s32 s1, s0  }
.Ltmp1:
0x137: {  	_ = 	snop;
	(pc) =	sbr.rel @p0 .LBB2_1-.Ltmp1, $1  }
0x138: {  	_ =	sdelay $0x3  }
0x139: {  	_ =	sfence.sel $0x180000  }
0x13a: {  	[bflag:$0x0] =	sbarrier.arrive $0xFFFF  }
0x13b: {  	_ =	strace $0x90000050  }
0x13c: {  	s0 =	stileid.u32;
	[bflag:$0x2] =	sbarrier.arrive $0xFFFF  }
0x13d: {  	p0 =	sne.s32 s0, $0x0;
	s0 =	rddreg [dreg:$0x1]  }
0x13e: {  	s0 =	sadd.s32 @!p0 $0x100000, s0  }
0x13f: {  	[sflag:s0] =	ssyncadd.tile.s32 @!p0 $0x1;
	_ =	shalt  }
.Lfunc_end2:
_tile_overlayer_lowered:
.L_overlay_start_2:
0x140: {  	(tag) =	ssettag $0x2  }
0x141: {  	s0 =	rddreg [dreg:$0x0];
	s2 =	stileid.u32  }
0x142: {  	s1 =	rddreg [dreg:$0x1];
	p0 =	sne.s32 s2, $0x0  }
0x143: {  	s3 =	rddreg [dreg:$0x2];
	[bflag:$0x3] =	sbarrier.arrive $0xFFFF;
	s2 =	simm.s32 @!p0 $0x1C05  }
0x144: {  	[timem:s3], [sflag:s2] =	dma.local @!p0 [hbm:s0], s1  }
0x145: {  	s0 =	simm.s32 @!p0 $0x5  }
0x146: {  	_ =	swait.ge @!p0 [sflag:s0], s1  }
0x147: {  	s1 =	ssub.s32 @!p0 $0x0, s1;
	[sflag:s0] =	ssyncset.done @!p0 $0x0  }
0x148: {  	[sflag:s0] =	ssyncadd.s32 @!p0 s1  }
0x149: {  	[bflag:$0x3] =	sbarrier.arrive $0xFFFF  }
0x14a: {  	_ =	shalt  }

// kernel: kernel.8.cloned.1.call-start
scs
__scs_entry_jumppad:
0x0: {  	(pc) =	sbr.rel $0x88, $3  }
0x1: {  	(tag) =	ssettag $0x0;
	lr =	simm.s32 $0x1  }
0x2: {  	[smem:$0x3F8E] =	sst lr;
	_ =	strace $0xD0000000  }
0x3: {  	_ = 	snop  }
0x4: {  	_ = 	snop  }
0x5: {  	_ = 	snop  }
0x6: {  	_ = 	snop  }
0x7: {  	_ = 	snop  }
__scs_overlays_trampoline_lowered:
0x8: {  	[smem:$0x3F9D] =	sst s0  }
0x9: {  	[smem:$0x3F9E] =	sst s1  }
0xa: {  	[smem:$0x3F9F] =	sst s2  }
0xb: {  	[smem:$0x3FA0] =	sst s3  }
0xc: {  	[smem:$0x3FA1] =	sst s4  }
0xd: {  	[smem:$0x3FA2] =	sst s5  }
0xe: {  	[smem:$0x3FA3] =	sst s6  }
0xf: {  	[smem:$0x3FA4] =	sst s7  }
0x10: {  	[smem:$0x3FA5] =	sst s8  }
0x11: {  	[smem:$0x3FA6] =	sst s9;
	s0 =	simm.s32 @!p0 $0x0  }
0x12: {  	s1 =	sld [smem:$0x3F8C];
	s0 =	simm.s32 @p0 $0x1  }
0x13: {  	[smem:$0x3FA7] =	sst s0;
	s0 =	simm.s32 @!p1 $0x0  }
0x14: {  	s2 =	sld [smem:$0x3F8B];
	s0 =	simm.s32 @p1 $0x1  }
0x15: {  	[smem:$0x3FA8] =	sst s0;
	s0 =	simm.s32 @!p2 $0x0  }
0x16: {  	s3 =	sld [smem:$0x3FDB];
	s0 =	simm.s32 @p2 $0x1  }
0x17: {  	s4 =	simm.s32 $0x1BF5;
	[smem:$0x3FAA] =	sst s0  }
0x18: {  	s0 =	sld [smem:$0x3F8D];
	_ =	swait.ge [sflag:s4], $0x0  }
0x19: {  	s7 =	sld [smem:$0x3F8E]  }
0x1a: {  	s8 =	sadd.s32 $0xFFFFE003, lr  }
0x1b: {  	s9 =	sadd.s32 $0xFFFFFEF7, lr;
	s5 =	simm.s32 $0xFFFFFFFF;
	p2 =	slt.u32 s8, $0xFFFFF086  }
0x1c: {  	p1 =	slt.u32 s9, $0xF7A;
	s5 =	simm.s32 @!p2 $0x0  }
0x1d: {  	s5 =	simm.s32 @p1 $0x1;
	p0 =	seq.s32 s7, s2  }
0x1e: {  	s7 =	smul.u32 @!p0 $0xF7A, s2;
	p2 =	seq.s32 @!p0 s5, $0x0  }
0x1f: {  	s9 =	smul.u32 $0xF7A, s1;
	s8 =	simm.s32 @!p0 $0x1BF5;
	p2 =	por !p2, p0  }
0x20: {  	[sflag:s8] =	ssyncset.s32 @!p0 $0xFFFFF086;
	s6 =	sadd.s32 @!p0 s3, s7;
	s7 =	simm.s32 @!p0 $0x108  }
0x21: {  	s3 =	sadd.s32 s3, s9;
	s6 =	sadd.s32 @!p0 $0x88, s6;
	s7 =	simm.s32 @p2 $0x1082  }
0x22: {  	[simem:s7], [sflag:s8] =	dma.local @!p0 [hbm:s6], $0xF7A  }
0x23: {  	s9 =	sor.u32 $0xD0000000, s2;
	s6 =	simm.s32 $0x108;
	_ =	swait.ge @!p0 [sflag:s8], $0x0  }
0x24: {  	s3 =	sadd.s32 $0x88, s3;
	s6 =	simm.s32 @!p1 $0x1082;
	[sflag:s4] =	ssyncset.s32 $0xFFFFF086  }
0x25: {  	[simem:s6], [sflag:s4] =	dma.local [hbm:s3], $0xF7A  }
0x26: {  	[smem:$0x3F8E] =	sst s1;
	(tag) =	ssettag s2;
	_ =	strace s9  }
0x27: {  	s1 =	sld [smem:$0x3F9E]  }
0x28: {  	s2 =	sld [smem:$0x3F9F]  }
0x29: {  	s4 =	sld [smem:$0x3FA1]  }
0x2a: {  	p0 =	seq.s32 s5, $0x0;
	s5 =	sld [smem:$0x3FA2]  }
0x2b: {  	s6 =	sld [smem:$0x3FA3]  }
0x2c: {  	s7 =	sld [smem:$0x3FA4]  }
0x2d: {  	s3 =	simm.s32 $0x108;
	s8 =	sld [smem:$0x3FA5]  }
0x2e: {  	s3 =	simm.s32 @!p0 $0x1082;
	s9 =	sld [smem:$0x3FA6]  }
0x2f: {  	lr =	sadd.s32 s0, s3;
	s0 =	sld [smem:$0x3F9D]  }
0x30: {  	s3 =	sld [smem:$0x3FA0]  }
0x31: {  	[smem:$0x3FA9] =	sst s10  }
0x32: {  	s10 =	sld [smem:$0x3FA7];
	_ =	sdelay $0x3  }
0x33: {  	p0 =	seq.s32 s10, $0x1;
	s10 =	sld [smem:$0x3FA9];
	_ =	sdelay $0x3  }
0x34: {  	[smem:$0x3FA9] =	sst s10  }
0x35: {  	s10 =	sld [smem:$0x3FA8];
	_ =	sdelay $0x3  }
0x36: {  	p1 =	seq.s32 s10, $0x1;
	s10 =	sld [smem:$0x3FA9];
	_ =	sdelay $0x3  }
0x37: {  	[smem:$0x3FA9] =	sst s10  }
0x38: {  	s10 =	sld [smem:$0x3FAA]  }
0x39: {  	_ = 	snop;
	(pc) =	sbr.ind lr, $3  }
0x3a: {  	_ = 	snop  }
0x3b: {  	_ = 	snop  }
0x3c: {  	p2 =	seq.s32 s10, $0x1;
	s10 =	sld [smem:$0x3FA9]  }
0x3d: {  	_ =	shalt  }
0x3e: {  	_ =	shalt  }
0x3f: {  	_ =	shalt  }
0x40: {  	_ =	shalt  }
0x41: {  	_ =	shalt  }
0x42: {  	_ =	shalt  }
0x43: {  	_ =	shalt  }
0x44: {  	_ =	shalt  }
0x45: {  	_ =	shalt  }
0x46: {  	_ =	shalt  }
0x47: {  	_ =	shalt  }
0x48: {  	_ =	shalt  }
0x49: {  	_ =	shalt  }
0x4a: {  	_ =	shalt  }
0x4b: {  	_ =	shalt  }
0x4c: {  	_ =	shalt  }
0x4d: {  	_ =	shalt  }
0x4e: {  	_ =	shalt  }
0x4f: {  	_ =	shalt  }
0x50: {  	_ =	shalt  }
0x51: {  	_ =	shalt  }
0x52: {  	_ =	shalt  }
0x53: {  	_ =	shalt  }
0x54: {  	_ =	shalt  }
0x55: {  	_ =	shalt  }
0x56: {  	_ =	shalt  }
0x57: {  	_ =	shalt  }
0x58: {  	_ =	shalt  }
0x59: {  	_ =	shalt  }
0x5a: {  	_ =	shalt  }
0x5b: {  	_ =	shalt  }
0x5c: {  	_ =	shalt  }
0x5d: {  	_ =	shalt  }
0x5e: {  	_ =	shalt  }
0x5f: {  	_ =	shalt  }
0x60: {  	_ =	shalt  }
0x61: {  	_ =	shalt  }
0x62: {  	_ =	shalt  }
0x63: {  	_ =	shalt  }
0x64: {  	_ =	shalt  }
0x65: {  	_ =	shalt  }
0x66: {  	_ =	shalt  }
0x67: {  	_ =	shalt  }
0x68: {  	_ =	shalt  }
0x69: {  	_ =	shalt  }
0x6a: {  	_ =	shalt  }
0x6b: {  	_ =	shalt  }
0x6c: {  	_ =	shalt  }
0x6d: {  	_ =	shalt  }
0x6e: {  	_ =	shalt  }
0x6f: {  	_ =	shalt  }
0x70: {  	_ =	shalt  }
0x71: {  	_ =	shalt  }
0x72: {  	_ =	shalt  }
0x73: {  	_ =	shalt  }
0x74: {  	_ =	shalt  }
0x75: {  	_ =	shalt  }
0x76: {  	_ =	shalt  }
0x77: {  	_ =	shalt  }
0x78: {  	_ =	shalt  }
0x79: {  	_ =	shalt  }
0x7a: {  	_ =	shalt  }
0x7b: {  	_ =	shalt  }
0x7c: {  	_ =	shalt  }
0x7d: {  	_ =	shalt  }
0x7e: {  	_ =	shalt  }
0x7f: {  	_ =	shalt  }
0x80: {  	_ =	shalt  }
0x81: {  	_ =	shalt  }
0x82: {  	_ =	shalt  }
0x83: {  	_ =	shalt  }
0x84: {  	_ =	shalt  }
0x85: {  	_ =	shalt  }
0x86: {  	_ =	shalt  }
0x87: {  	_ =	shalt  }
.Lfunc_end0:
.L_simem_size_0:
called_computation.2_lowered:
.L_overlay_start_0:
0x88: {  	s2 =	sld [smem:$0x3FD9]  }
0x89: {  	s3 =	sld [smem:$0x3FFE];
	_ =	sdelay $0x1  }
0x8a: {  	s1 =	srdreg.scid  }
0x8b: {  	s0 =	sand.u32 $0x1, s1  }
0x8c: {  	s14 =	sshll.u32 s0, $0xA;
	s2 =	sadd.s32 s3, s2  }
0x8d: {  	s2 =	sadd.s32 s2, s14  }
0x8e: {  	[smem:$0x3FB5] =	sst s2  }
0x8f: {  	_ = 	snop  }
0x90: {  	s2 =	sld [smem:$0x3FD0];
	_ =	sdelay $0x2  }
0x91: {  	s4 =	simm.s32 $0xB;
	s5 =	simm.s32 $0x10;
	s15 =	sld [smem:$0x3FC9]  }
0x92: {  	[smem:s5], [sflag:s4] =	dma.local [hbm:s2], $0x1  }
0x93: {  	_ =	swait.eq [sflag:s4], $0x1  }
0x94: {  	[sflag:s4] =	ssyncset.done $0x0  }
0x95: {  	[sflag:s4] =	ssyncadd.s32 $0xFFFFFFFF  }
0x96: {  	s16 =	sld [smem:$0x11];
	(tm) =	ssettm $0x1  }
0x97: {  	s17 =	sld [smem:$0x3FFB];
	_ =	sdelay $0x3  }
0x98: {  	_ =	strace s17  }
0x99: {  	s4 =	sld [smem:$0x3FFC];
	_ =	sdelay $0x3  }
0x9a: {  	_ =	strace s4  }
0x9b: {  	s4 =	sld [smem:$0x3FFD];
	_ =	sdelay $0x3  }
0x9c: {  	_ =	strace s4  }
0x9d: {  	_ =	strace $0x8FFFFFFF  }
0x9e: {  	s18 =	sld [smem:$0x3FDB];
	_ =	sdelay $0x1  }
0x9f: {  	s19 =	simm.s32 $_scs_section_size  }
0xa0: {  	s6 =	simm.s32 $_size__tile_overlayer_lowered;
	s7 =	simm.s32 $_tile_overlayer_lowered  }
0xa1: {  	s22 =	simm.s32 $0x1BFF;
	s21 =	sshll.u32 s7, $0x1;
	s4 =	sadd.s32 s19, s18  }
0xa2: {  	s8 =	simm.s32 $0x0;
	s20 =	sshll.u32 s6, $0x1;
	s6 =	sadd.s32 s21, s4  }
0xa3: {  	[timem:s8], [sflag:s22] =	dma.local [hbm:s6], s20  }
0xa4: {  	_ =	swait.ge [sflag:s22], s20  }
0xa5: {  	s5 =	ssub.s32 $0x0, s20;
	[sflag:s22] =	ssyncset.done $0x0  }
0xa6: {  	[sflag:s22] =	ssyncadd.s32 s5;
	_ =	sdelay $0x1  }
0xa7: {  	s23 =	simm.s32 $0x1B8B  }
0xa8: {  	_ =	swait.ge [sflag:s23], $0x1  }
0xa9: {  	[sflag:s23] =	ssyncset.done $0x0  }
0xaa: {  	s25 =	simm.s32 $0x1B8E;
	s24 =	sld [smem:$0x3FFE];
	[sflag:s23] =	ssyncadd.s32 $0xFFFFFFFF  }
0xab: {  	s26 =	simm.s32 $execute0_lowered;
	[smem:$0x3FD2] =	sst s25  }
0xac: {  	s6 =	sshll.u32 s26, $0x1;
	_ =	strace $0x80000046;
	[dreg:$0x1] =	wrdreg $0xFFFFFFFF  }
0xad: {  	s28 =	simm.s32 $_size_execute0_lowered;
	s4 =	sadd.s32 s4, s6;
	[dreg:$0x0] =	wrdreg $0x0  }
0xae: {  	s6 =	sshll.u32 s28, $0x1;
	[dreg:$0x2] =	wrdreg s4  }
0xaf: {  	[dreg:$0x3] =	wrdreg s6  }
0xb0: {  	[dreg:$0x4] =	wrdreg $0xC0  }
0xb1: {  	_ =	task [dreg:s8], $0x5FFFF  }
0xb2: {  	[dreg:$0x1] =	wrdreg $0xFFFFFFFF  }
0xb3: {  	[dreg:$0x0] =	wrdreg $0x60  }
0xb4: {  	[dreg:$0x2] =	wrdreg s15  }
0xb5: {  	[dreg:$0x3] =	wrdreg s16  }
0xb6: {  	[dreg:$0x4] =	wrdreg s24  }
0xb7: {  	[dreg:$0x5] =	wrdreg $0x9  }
0xb8: {  	_ =	task.clear_ibuf [dreg:s8], $0x6FFFF;
	_ =	strace $0x90000046  }
0xb9: {  	s29 =	simm.s32 $0x9;
	_ =	strace $0x80000048  }
0xba: {  	_ =	swait.ge [sflag:s29], $0x1  }
0xbb: {  	[sflag:s29] =	ssyncadd.s32 $0xFFFFFFFF  }
0xbc: {  	_ =	strace $0x90000048  }
0xbd: {  	_ =	sfence  }
0xbe: {  	s30 =	sld [smem:$0x0];
	_ =	sdelay $0x2  }
0xbf: {  	s31 =	sshll.u32 s1, $0xD;
	s1 =	sshrl.u32 s1, $0x2  }
0xc0: {  	s3 =	sand.u32 $0x4000, s31;
	s1 =	sadd.s32 s1, s30  }
0xc1: {  	s0 =	sor.u32 s3, s0;
	s1 =	sshll.u32 s1, $0x11  }
0xc2: {  	s0 =	sor.u32 s1, s0  }
0xc3: {  	s0 =	sadd.s32 $0x8F2B, s0  }
0xc4: {  	[sflag:s0] =	ssyncadd.remote.s32 $0x1  }
0xc5: {  	_ =	sfence.sel $0xFFFF  }
0xc6: {  	[dreg:$0x0] =	wrdreg $0xFFFFFFFF;
	(pc) =	sbr.abs _section_cstart, $3  }
0xc7: {  	[dreg:$0x1] =	wrdreg $0xFFFFFFFF  }
0xc8: {  	_ =	task.clear_ibuf [dreg:s8], $0x2FFFF;
	_ =	strace $0x9FFFFFFF  }
0xc9: {  	(tm) =	ssettm $0x7FFFFFFF  }
tec
execute0_lowered:
.L_overlay_start_1:
0x0: {  	(tag) =	ssettag $0x1  }
0x1: {  	s1 =	rddreg [dreg:$0x0]  }
0x2: {  	s0 =	stileid.u32;
	s4 =	rddreg [dreg:$0x1]  }
0x3: {  	s2 =	srdreg.scid;
	s6 =	rddreg [dreg:$0x2];
	s3 =	simm.s32 $0x0  }
0x4: {  	s10 =	simm.s32 $0x1;
	s11 =	simm.s32 $0x4F80;
	s12 =	simm.s32 $0x2  }
0x5: {  	s13 =	simm.s32 $0x3;
	s14 =	simm.s32 $0x4;
	s15 =	simm.s32 $0x0  }
0x6: {  	s5 =	sand.u32 $0x1, s2;
	s30 =	sshll.u32 s0, $0x1;
	s2 =	rddreg [dreg:$0x3]  }
0x7: {  	s7 =	smul.u32 $0x4E200, s0;
	[smem:$0x7FF] =	sst s3;
	s8 =	sor.u32 s5, s30  }
0x8: {  	s9 =	ssub.s32 $0x2, s5;
	s5 =	smul.u32 $0x27100, s5;
	_ =	strace $0x80000047  }
0x9: {  	s8 =	smul.u32 $0x2710, s8;
	s6 =	sadd.s32 s7, s6;
	s31 =	sshrl.u32 s9, $0x1  }
0xa: {  	s7 =	ssub.s32 s9, s31;
	s6 =	sadd.s32 s5, s6;
	s9 =	simm.s32 $0x2780  }
0xb: {  	s8 =	sshrl.u32 s8, $0x3;
	s5 =	smax.u32 s7, $0x1;
	s6 =	sadd.s32 $0xE000, s6  }
0xc: {  	s7 =	simm.s32 $0x5;
	s4 =	sadd.s32 s4, s8;
	s8 =	simm.s32 $0x50  }
.LBB2_1:
0xd: {  	[tilespmem:s3], [sflag:$0x5] =	stream.linear.gather [hbm4b:s4+s3], $0x2710, $0x38;
	[tilespmem:$0x7780] =	vst v63  }
0xe: {  	_ =	swait.ge [sflag:s7], $0x2710  }
0xf: {  	[sflag:s7] =	ssyncset.done $0x0  }
0x10: {  	s16 =	simm.s32 $0x0;
	[sflag:s7] =	ssyncadd.s32 $0xFFFFD8F0  }
0x11: {  	[tilespmem:s9], [sflag:$0x1] =	stream.indirect.gather [hbm4b:s1+s8], $0x80, s16, s8, $0xb8;
	[tilespmem:$0x7780] =	vst v63  }
0x12: {  	_ =	swait.ge [sflag:s10], $0x2800  }
0x13: {  	[sflag:s10] =	ssyncset.done $0x0  }
0x14: {  	s23 =	sadd.s32 $0xFFFFEC00, s6;
	[sflag:s10] =	ssyncadd.s32 $0xFFFFD800  }
0x15: {  	[hbm4b:s23+s3] =	stream.linear.scatter [tilespmem:s9], [sflag:$0x3], $0x2800, $0x38;
	[tilespmem:$0x7780] =	vst v63  }
0x16: {  	s24 =	simm.s32 $0x50  }
0x17: {  	[tilespmem:s11], [sflag:$0x2] =	stream.indirect.gather [hbm4b:s1+s8], $0x80, s24, s8, $0xb8;
	[tilespmem:$0x7780] =	vst v63  }
0x18: {  	_ =	swait.ge [sflag:s12], $0x2800  }
0x19: {  	[sflag:s12] =	ssyncset.done $0x0  }
0x1a: {  	s25 =	sadd.s32 $0xFFFFF100, s6;
	[sflag:s12] =	ssyncadd.s32 $0xFFFFD800  }
0x1b: {  	[hbm4b:s25+s3] =	stream.linear.scatter [tilespmem:s11], [sflag:$0x4], $0x2800, $0x38;
	[tilespmem:$0x7780] =	vst v63  }
0x1c: {  	_ =	swait.ge [sflag:s13], $0x2800  }
0x1d: {  	[sflag:s13] =	ssyncset.done $0x0  }
0x1e: {  	s26 =	simm.s32 $0xA0;
	[sflag:s13] =	ssyncadd.s32 $0xFFFFD800  }
0x1f: {  	[tilespmem:s9], [sflag:$0x1] =	stream.indirect.gather [hbm4b:s1+s8], $0x80, s26, s8, $0xb8;
	[tilespmem:$0x7780] =	vst v63  }
0x20: {  	_ =	swait.ge [sflag:s10], $0x2800  }
0x21: {  	[sflag:s10] =	ssyncset.done $0x0  }
0x22: {  	s28 =	sadd.s32 $0xFFFFF600, s6;
	[sflag:s10] =	ssyncadd.s32 $0xFFFFD800  }
0x23: {  	[hbm4b:s28+s3] =	stream.linear.scatter [tilespmem:s9], [sflag:$0x3], $0x2800, $0x38;
	[tilespmem:$0x7780] =	vst v63  }
0x24: {  	_ =	swait.ge [sflag:s14], $0x2800  }
0x25: {  	[sflag:s14] =	ssyncset.done $0x0  }
0x26: {  	s29 =	simm.s32 $0xF0;
	[sflag:s14] =	ssyncadd.s32 $0xFFFFD800  }
0x27: {  	[tilespmem:s11], [sflag:$0x2] =	stream.indirect.gather [hbm4b:s1+s8], $0x80, s29, s8, $0xb8;
	[tilespmem:$0x7780] =	vst v63  }
0x28: {  	_ =	swait.ge [sflag:s12], $0x2800  }
0x29: {  	[sflag:s12] =	ssyncset.done $0x0  }
0x2a: {  	s30 =	sadd.s32 $0xFFFFFB00, s6;
	[sflag:s12] =	ssyncadd.s32 $0xFFFFD800  }
0x2b: {  	[hbm4b:s30+s3] =	stream.linear.scatter [tilespmem:s11], [sflag:$0x4], $0x2800, $0x38;
	[tilespmem:$0x7780] =	vst v63  }
0x2c: {  	_ =	swait.ge [sflag:s13], $0x2800  }
0x2d: {  	[sflag:s13] =	ssyncset.done $0x0  }
0x2e: {  	s31 =	simm.s32 $0x140;
	[sflag:s13] =	ssyncadd.s32 $0xFFFFD800  }
0x2f: {  	[tilespmem:s9], [sflag:$0x1] =	stream.indirect.gather [hbm4b:s1+s8], $0x80, s31, s8, $0xb8;
	[tilespmem:$0x7780] =	vst v63  }
0x30: {  	_ =	swait.ge [sflag:s10], $0x2800  }
0x31: {  	[sflag:s10] =	ssyncset.done $0x0  }
0x32: {  	[sflag:s10] =	ssyncadd.s32 $0xFFFFD800  }
0x33: {  	[hbm4b:s6+s3] =	stream.linear.scatter [tilespmem:s9], [sflag:$0x3], $0x2800, $0x38;
	[tilespmem:$0x7780] =	vst v63  }
0x34: {  	_ =	swait.ge [sflag:s13], $0x2800  }
0x35: {  	[sflag:s13] =	ssyncset.done $0x0  }
0x36: {  	[sflag:s13] =	ssyncadd.s32 $0xFFFFD800  }
0x37: {  	s17 =	simm.s32 $0x640;
	_ =	swait.ge [sflag:s14], $0x2800  }
0x38: {  	s20 =	simm.s32 $0xC80;
	s16 =	sadd.s32 $0x1900, s6;
	[sflag:s14] =	ssyncset.done $0x0  }
.LBB2_2:
0x39: {  	s19 =	sshra.s32 s17, $0x2  }
0x3a: {  	[sflag:s14] =	ssyncadd.s32 $0xFFFFD800;
	s17 =	smov.u32 s20;
	s18 =	sadd.s32 $0x640, s20  }
0x3b: {  	[tilespmem:s9], [sflag:$0x1] =	stream.indirect.gather [hbm4b:s1+s8], $0x80, s19, s8, $0xb8;
	[tilespmem:$0x7780] =	vst v63  }
0x3c: {  	p0 =	sne.s32 s20, $0x9600;
	_ =	swait.ge [sflag:s10], $0x2800  }
0x3d: {  	[sflag:s10] =	ssyncset.done $0x0  }
0x3e: {  	s20 =	sadd.s32 $0xFFFFEC00, s16;
	[sflag:s10] =	ssyncadd.s32 $0xFFFFD800  }
0x3f: {  	[hbm4b:s20+s3] =	stream.linear.scatter [tilespmem:s9], [sflag:$0x3], $0x2800, $0x38;
	[tilespmem:$0x7780] =	vst v63  }
0x40: {  	s20 =	sadd.s32 $0x50, s19  }
0x41: {  	[tilespmem:s11], [sflag:$0x2] =	stream.indirect.gather [hbm4b:s1+s8], $0x80, s20, s8, $0xb8;
	[tilespmem:$0x7780] =	vst v63  }
0x42: {  	_ =	swait.ge [sflag:s12], $0x2800  }
0x43: {  	[sflag:s12] =	ssyncset.done $0x0  }
0x44: {  	s20 =	sadd.s32 $0xFFFFF100, s16;
	[sflag:s12] =	ssyncadd.s32 $0xFFFFD800  }
0x45: {  	[hbm4b:s20+s3] =	stream.linear.scatter [tilespmem:s11], [sflag:$0x4], $0x2800, $0x38;
	[tilespmem:$0x7780] =	vst v63  }
0x46: {  	_ =	swait.ge [sflag:s13], $0x2800  }
0x47: {  	[sflag:s13] =	ssyncset.done $0x0  }
0x48: {  	s20 =	sadd.s32 $0xA0, s19;
	[sflag:s13] =	ssyncadd.s32 $0xFFFFD800  }
0x49: {  	[tilespmem:s9], [sflag:$0x1] =	stream.indirect.gather [hbm4b:s1+s8], $0x80, s20, s8, $0xb8;
	[tilespmem:$0x7780] =	vst v63  }
0x4a: {  	_ =	swait.ge [sflag:s10], $0x2800  }
0x4b: {  	[sflag:s10] =	ssyncset.done $0x0  }
0x4c: {  	s20 =	sadd.s32 $0xFFFFF600, s16;
	[sflag:s10] =	ssyncadd.s32 $0xFFFFD800  }
0x4d: {  	[hbm4b:s20+s3] =	stream.linear.scatter [tilespmem:s9], [sflag:$0x3], $0x2800, $0x38;
	[tilespmem:$0x7780] =	vst v63  }
0x4e: {  	_ =	swait.ge [sflag:s14], $0x2800  }
0x4f: {  	[sflag:s14] =	ssyncset.done $0x0  }
0x50: {  	s20 =	sadd.s32 $0xF0, s19;
	[sflag:s14] =	ssyncadd.s32 $0xFFFFD800  }
0x51: {  	[tilespmem:s11], [sflag:$0x2] =	stream.indirect.gather [hbm4b:s1+s8], $0x80, s20, s8, $0xb8;
	[tilespmem:$0x7780] =	vst v63  }
0x52: {  	_ =	swait.ge [sflag:s12], $0x2800  }
0x53: {  	[sflag:s12] =	ssyncset.done $0x0  }
0x54: {  	s20 =	sadd.s32 $0xFFFFFB00, s16;
	[sflag:s12] =	ssyncadd.s32 $0xFFFFD800  }
0x55: {  	[hbm4b:s20+s3] =	stream.linear.scatter [tilespmem:s11], [sflag:$0x4], $0x2800, $0x38;
	[tilespmem:$0x7780] =	vst v63  }
0x56: {  	_ =	swait.ge [sflag:s13], $0x2800  }
0x57: {  	[sflag:s13] =	ssyncset.done $0x0  }
0x58: {  	s19 =	sadd.s32 $0x140, s19;
	[sflag:s13] =	ssyncadd.s32 $0xFFFFD800  }
0x59: {  	[tilespmem:s9], [sflag:$0x1] =	stream.indirect.gather [hbm4b:s1+s8], $0x80, s19, s8, $0xb8;
	[tilespmem:$0x7780] =	vst v63  }
0x5a: {  	_ =	swait.ge [sflag:s10], $0x2800  }
0x5b: {  	[sflag:s10] =	ssyncset.done $0x0  }
0x5c: {  	[sflag:s10] =	ssyncadd.s32 $0xFFFFD800  }
0x5d: {  	[hbm4b:s16+s3] =	stream.linear.scatter [tilespmem:s9], [sflag:$0x3], $0x2800, $0x38;
	[tilespmem:$0x7780] =	vst v63  }
.Ltmp0:
0x5e: {  	_ =	swait.ge [sflag:s13], $0x2800;
	(pc) =	sbr.rel @p0 .LBB2_2-.Ltmp0, $4  }
0x5f: {  	[sflag:s13] =	ssyncset.done $0x0  }
0x60: {  	[sflag:s13] =	ssyncadd.s32 $0xFFFFD800  }
0x61: {  	_ =	swait.ge [sflag:s14], $0x2800  }
0x62: {  	s20 =	smov.u32 s18;
	s16 =	sadd.s32 $0x1900, s16;
	[sflag:s14] =	ssyncset.done $0x0  }
0x63: {  	s17 =	sshra.s32 s17, $0x2;
	[sflag:s14] =	ssyncadd.s32 $0xFFFFD800  }
0x64: {  	[tilespmem:s9], [sflag:$0x1] =	stream.indirect.gather [hbm4b:s1+s8], $0x80, s17, s8, $0xb8;
	[tilespmem:$0x7780] =	vst v63  }
0x65: {  	_ =	swait.ge [sflag:s10], $0x2800  }
0x66: {  	[sflag:s10] =	ssyncset.done $0x0  }
0x67: {  	s18 =	sadd.s32 $0xFFFFEC00, s16;
	[sflag:s10] =	ssyncadd.s32 $0xFFFFD800  }
0x68: {  	[hbm4b:s18+s3] =	stream.linear.scatter [tilespmem:s9], [sflag:$0x3], $0x2800, $0x38;
	[tilespmem:$0x7780] =	vst v63  }
0x69: {  	s25 =	sadd.s32 $0x50, s17  }
0x6a: {  	[tilespmem:s11], [sflag:$0x2] =	stream.indirect.gather [hbm4b:s1+s8], $0x80, s25, s8, $0xb8;
	[tilespmem:$0x7780] =	vst v63  }
0x6b: {  	_ =	swait.ge [sflag:s12], $0x2800  }
0x6c: {  	[sflag:s12] =	ssyncset.done $0x0  }
0x6d: {  	s26 =	sadd.s32 $0xFFFFF100, s16;
	[sflag:s12] =	ssyncadd.s32 $0xFFFFD800  }
0x6e: {  	[hbm4b:s26+s3] =	stream.linear.scatter [tilespmem:s11], [sflag:$0x4], $0x2800, $0x38;
	[tilespmem:$0x7780] =	vst v63  }
0x6f: {  	_ =	swait.ge [sflag:s13], $0x2800  }
0x70: {  	[sflag:s13] =	ssyncset.done $0x0  }
0x71: {  	s28 =	sadd.s32 $0xA0, s17;
	[sflag:s13] =	ssyncadd.s32 $0xFFFFD800  }
0x72: {  	[tilespmem:s9], [sflag:$0x1] =	stream.indirect.gather [hbm4b:s1+s8], $0x80, s28, s8, $0xb8;
	[tilespmem:$0x7780] =	vst v63  }
0x73: {  	_ =	swait.ge [sflag:s10], $0x2800  }
0x74: {  	[sflag:s10] =	ssyncset.done $0x0  }
0x75: {  	s29 =	sadd.s32 $0xFFFFF600, s16;
	[sflag:s10] =	ssyncadd.s32 $0xFFFFD800  }
0x76: {  	[hbm4b:s29+s3] =	stream.linear.scatter [tilespmem:s9], [sflag:$0x3], $0x2800, $0x38;
	[tilespmem:$0x7780] =	vst v63  }
0x77: {  	_ =	swait.ge [sflag:s14], $0x2800  }
0x78: {  	[sflag:s14] =	ssyncset.done $0x0  }
0x79: {  	s30 =	sadd.s32 $0xF0, s17;
	[sflag:s14] =	ssyncadd.s32 $0xFFFFD800  }
0x7a: {  	[tilespmem:s11], [sflag:$0x2] =	stream.indirect.gather [hbm4b:s1+s8], $0x80, s30, s8, $0xb8;
	[tilespmem:$0x7780] =	vst v63  }
0x7b: {  	_ =	swait.ge [sflag:s12], $0x2800  }
0x7c: {  	[sflag:s12] =	ssyncset.done $0x0  }
0x7d: {  	s31 =	sadd.s32 $0xFFFFFB00, s16;
	[sflag:s12] =	ssyncadd.s32 $0xFFFFD800  }
0x7e: {  	[hbm4b:s31+s3] =	stream.linear.scatter [tilespmem:s11], [sflag:$0x4], $0x2800, $0x38;
	[tilespmem:$0x7780] =	vst v63  }
0x7f: {  	_ =	swait.ge [sflag:s13], $0x2800  }
0x80: {  	[sflag:s13] =	ssyncset.done $0x0  }
0x81: {  	s17 =	sadd.s32 $0x140, s17;
	[sflag:s13] =	ssyncadd.s32 $0xFFFFD800  }
0x82: {  	[tilespmem:s9], [sflag:$0x1] =	stream.indirect.gather [hbm4b:s1+s8], $0x80, s17, s8, $0xb8;
	[tilespmem:$0x7780] =	vst v63  }
0x83: {  	_ =	swait.ge [sflag:s10], $0x2800  }
0x84: {  	[sflag:s10] =	ssyncset.done $0x0  }
0x85: {  	s15 =	sadd.s32 $0x1, s15;
	[sflag:s10] =	ssyncadd.s32 $0xFFFFD800  }
0x86: {  	[hbm4b:s16+s3] =	stream.linear.scatter [tilespmem:s9], [sflag:$0x3], $0x2800, $0x38;
	[tilespmem:$0x7780] =	vst v63  }
0x87: {  	p0 =	sne.s32 s15, s5;
	_ =	swait.ge [sflag:s13], $0x2800  }
.Ltmp1:
0x88: {  	[sflag:s13] =	ssyncset.done $0x0;
	(pc) =	sbr.rel @p0 .LBB2_1-.Ltmp1, $4  }
0x89: {  	[sflag:s13] =	ssyncadd.s32 $0xFFFFD800  }
0x8a: {  	_ =	swait.ge [sflag:s14], $0x2800  }
0x8b: {  	[sflag:s14] =	ssyncset.done $0x0  }
0x8c: {  	[sflag:s14] =	ssyncadd.s32 $0xFFFFD800  }
0x8d: {  	_ =	sfence.sel $0x180000  }
0x8e: {  	[bflag:$0x0] =	sbarrier.arrive $0xFFFF  }
0x8f: {  	p0 =	sne.s32 s0, $0x0;
	_ =	strace $0x90000047  }
0x90: {  	s0 =	sadd.s32 @!p0 $0x100000, s2;
	[bflag:$0x2] =	sbarrier.arrive $0xFFFF  }
0x91: {  	[sflag:s0] =	ssyncadd.tile.s32 @!p0 $0x1;
	_ =	shalt  }
.Lfunc_end2:
_tile_overlayer_lowered:
.L_overlay_start_2:
0x92: {  	(tag) =	ssettag $0x2  }
0x93: {  	s0 =	rddreg [dreg:$0x0];
	s2 =	stileid.u32  }
0x94: {  	s1 =	rddreg [dreg:$0x1];
	p0 =	sne.s32 s2, $0x0  }
0x95: {  	s3 =	rddreg [dreg:$0x2];
	[bflag:$0x3] =	sbarrier.arrive $0xFFFF;
	s2 =	simm.s32 @!p0 $0x1C05  }
0x96: {  	[timem:s3], [sflag:s2] =	dma.local @!p0 [hbm:s0], s1  }
0x97: {  	s0 =	simm.s32 @!p0 $0x5  }
0x98: {  	_ =	swait.ge @!p0 [sflag:s0], s1  }
0x99: {  	s1 =	ssub.s32 @!p0 $0x0, s1;
	[sflag:s0] =	ssyncset.done @!p0 $0x0  }
0x9a: {  	[sflag:s0] =	ssyncadd.s32 @!p0 s1  }
0x9b: {  	[bflag:$0x3] =	sbarrier.arrive $0xFFFF  }
0x9c: {  	_ =	shalt  }

</sc_bundles>
